<compile_context>
chip_gen: v7x
topology: tpu7x:2x2x1
jax: 0.10.2.dev20260603
libtpu: 0.0.44.dev20260713+nightly
codegen_flags: <defaults>
</compile_context>

<pallas_src>
import jax
import jax.numpy as jnp
from jax import lax
from jax.experimental import pallas as pl
from jax.experimental.pallas import tpu as pltpu
from jax.experimental.pallas import tpu_sc as plsc

NUM_SAMP = 1000000
ROWS = 16384
COLS = 200
NC = 2
NS = 16
NW = NC * NS
ROWS_PER_W = ROWS // NW
RPC = 16
CHUNK = RPC * COLS
N_CHUNKS = ROWS_PER_W // RPC
NBUF = 4
LANES = 16
CBLK = 262144


def _combine_body(m_ref, a_ref, b_ref, c_ref, d_ref):
    m = m_ref[0]
    d_ref[...] = m * (a_ref[...] + c_ref[...]) + b_ref[...]


def _combine(a, b, c, m):
    blk = pl.BlockSpec((CBLK,), lambda i: (i,))
    return pl.pallas_call(
        _combine_body,
        grid=(pl.cdiv(NUM_SAMP, CBLK),),
        in_specs=[pl.BlockSpec(memory_space=pltpu.SMEM), blk, blk, blk],
        out_specs=blk,
        out_shape=jax.ShapeDtypeStruct((NUM_SAMP,), jnp.float32),
    )(m, a, b, c)


def _gather_sum_body(idx_hbm, d_hbm, out_hbm,
                     idx2d0, idx2d1, idx2d2, idx2d3,
                     pidx0, pidx1, pidx2, pidx3,
                     vals0, vals1, vals2, vals3, acc_v,
                     sem0, sem1, sem2, sem3,
                     isem0, isem1, isem2, isem3):
    cid = lax.axis_index("c")
    sid = lax.axis_index("s")
    wid = sid * NC + cid
    row_base = wid * ROWS_PER_W
    idx2d_bufs = (idx2d0, idx2d1, idx2d2, idx2d3)
    pidx_bufs = (pidx0, pidx1, pidx2, pidx3)
    val_bufs = (vals0, vals1, vals2, vals3)
    sems = (sem0, sem1, sem2, sem3)
    isems = (isem0, isem1, isem2, isem3)

    def start_idx(i, b):
        pltpu.async_copy(idx_hbm.at[pl.ds(row_base + i * RPC, RPC)],
                         idx2d_bufs[b], isems[b])

    def fire_gather(b):
        pltpu.make_async_copy(idx_hbm.at[pl.ds(0, RPC)], idx2d_bufs[b],
                              isems[b]).wait()

        def flatten_row(r, _, _b=b):
            for c in list(range(0, COLS - LANES, LANES)) + [COLS - LANES]:
                pidx_bufs[_b][pl.ds(r * COLS + c, LANES)] = (
                    idx2d_bufs[_b][r, pl.ds(c, LANES)])
            return 0

        lax.fori_loop(0, RPC, flatten_row, 0)
        pltpu.async_copy(d_hbm.at[pidx_bufs[b]], val_bufs[b], sems[b])

    for b in range(NBUF):
        start_idx(b, b)
    for b in range(NBUF):
        fire_gather(b)
        start_idx(b + NBUF, b)

    def group_body(g, acc):
        for b in range(NBUF):
            i = g * NBUF + b
            pltpu.make_async_copy(d_hbm.at[pidx_bufs[b]], val_bufs[b],
                                  sems[b]).wait()

            def add_body(j, a, _v=val_bufs[b]):
                u = _v[pl.ds(j * 32, LANES)] + _v[pl.ds(j * 32 + LANES, LANES)]
                return a + u

            acc = lax.fori_loop(0, CHUNK // 32, add_body, acc, unroll=4)

            nxt = i + NBUF

            @pl.when(nxt < N_CHUNKS)
            def _(b=b, nxt=nxt):
                fire_gather(b)

                @pl.when(nxt + NBUF < N_CHUNKS)
                def _():
                    start_idx(nxt + NBUF, b)

        return acc

    acc = lax.fori_loop(0, N_CHUNKS // NBUF, group_body,
                        jnp.zeros((LANES,), jnp.float32))
    acc_v[...] = acc
    pltpu.sync_copy(acc_v, out_hbm.at[wid])


_gather_sum = pl.kernel(
    _gather_sum_body,
    out_type=jax.ShapeDtypeStruct((NW, LANES), jnp.float32),
    mesh=plsc.VectorSubcoreMesh(core_axis_name="c", subcore_axis_name="s"),
    scratch_types=[
        *([pltpu.VMEM((RPC, COLS), jnp.int32)] * 4),
        *([pltpu.VMEM((CHUNK,), jnp.int32)] * 4),
        *([pltpu.VMEM((CHUNK,), jnp.float32)] * 4),
        pltpu.VMEM((LANES,), jnp.float32),
        *([pltpu.SemaphoreType.DMA] * 8),
    ],
)


def kernel(c_t_indices, M_prev, A, B, C):
    d_flat = _combine(A, B, C, M_prev)
    partials = _gather_sum(c_t_indices, d_flat)
    return jnp.sum(partials).reshape(1)

# --- scband reference (transcript-rebuilt; emitter-appended) ---
"""Pipeline reference for scband-metric-simulator1-35201551958462 (READ-ONLY COPY).

The authoritative reference and input builder live on the scoring server;
editing this copy changes nothing except your own understanding.
"""

import jax, jax.numpy as jnp
import numpy as np

NUM_SAMPLES = 1000000

def setup_inputs(seed: int = 0) -> dict:
    key = jax.random.key(seed)
    k1, k2, k3, k4, k5 = jax.random.split(key, 5)
    c_t_indices = jax.random.randint(k1, (16384, 200), 0, NUM_SAMPLES, dtype=jnp.int64 if jax.config.jax_enable_x64 else jnp.int32).astype(jnp.int32)
    M_prev = jax.random.normal(k2, (1,), dtype=jnp.float32)
    A = jax.random.normal(k3, (NUM_SAMPLES,), dtype=jnp.float32)
    B = jax.random.normal(k4, (NUM_SAMPLES,), dtype=jnp.float32)
    C = jax.random.normal(k5, (NUM_SAMPLES,), dtype=jnp.float32)
    return {"c_t_indices": c_t_indices, "M_prev": M_prev, "A": A, "B": B, "C": C}

def reference(c_t_indices, M_prev, A, B, C):
    alpha = jnp.take(A, c_t_indices, axis=0).sum()
    beta = jnp.take(B, c_t_indices, axis=0).sum()
    gamma = jnp.take(C, c_t_indices, axis=0).sum()
    M_pred = alpha * M_prev + gamma * M_prev + beta
    return M_pred

if __name__ == "__main__":
    import jax
    _d = setup_inputs()
    print(jax.jit(kernel)(*tuple(_d.values())))

</pallas_src>

<mosaic_0001>
#map = affine_map<(d0, d1) -> (0, 0)>
#map1 = affine_map<(d0, d1) -> (0)>
module attributes {stable_mosaic.version = 14 : i64} {
  func.func @_gather_sum_body(%arg0: i32, %arg1: i32, %arg2: memref<16384x200xi32, #tpu.memory_space<hbm>>, %arg3: memref<1000000xf32, #tpu.memory_space<hbm>>, %arg4: memref<32x16xf32, #tpu.memory_space<hbm>>, %arg5: memref<16x200xi32, #tpu.memory_space<vmem>>, %arg6: memref<16x200xi32, #tpu.memory_space<vmem>>, %arg7: memref<16x200xi32, #tpu.memory_space<vmem>>, %arg8: memref<16x200xi32, #tpu.memory_space<vmem>>, %arg9: memref<3200xi32, #tpu.memory_space<vmem>>, %arg10: memref<3200xi32, #tpu.memory_space<vmem>>, %arg11: memref<3200xi32, #tpu.memory_space<vmem>>, %arg12: memref<3200xi32, #tpu.memory_space<vmem>>, %arg13: memref<3200xf32, #tpu.memory_space<vmem>>, %arg14: memref<3200xf32, #tpu.memory_space<vmem>>, %arg15: memref<3200xf32, #tpu.memory_space<vmem>>, %arg16: memref<3200xf32, #tpu.memory_space<vmem>>, %arg17: memref<16xf32, #tpu.memory_space<vmem>>, %arg18: memref<!tpu.dma_semaphore, #tpu.memory_space<semaphore_mem>>, %arg19: memref<!tpu.dma_semaphore, #tpu.memory_space<semaphore_mem>>, %arg20: memref<!tpu.dma_semaphore, #tpu.memory_space<semaphore_mem>>, %arg21: memref<!tpu.dma_semaphore, #tpu.memory_space<semaphore_mem>>, %arg22: memref<!tpu.dma_semaphore, #tpu.memory_space<semaphore_mem>>, %arg23: memref<!tpu.dma_semaphore, #tpu.memory_space<semaphore_mem>>, %arg24: memref<!tpu.dma_semaphore, #tpu.memory_space<semaphore_mem>>, %arg25: memref<!tpu.dma_semaphore, #tpu.memory_space<semaphore_mem>>) attributes {dimension_semantics = [#tpu.dimension_semantics<core_parallel>, #tpu.dimension_semantics<subcore_parallel>], iteration_bounds = array<i64: 2, 16>, scalar_prefetch = 0 : i64, scratch_operands = 21 : i64, tpu.core_type = #tpu.core_type<sc_vector_subcore>, window_params = [{transform_indices = #map}, {transform_indices = #map1}, {transform_indices = #map}]} {
    %mul3A = arith.constant 2 : i32
    %mul3A_0 = arith.muli %arg1, %mul3A : i32
    %add3A = arith.addi %mul3A_0, %arg0 : i32
    %mul3A_1 = arith.constant 512 : i32
    %mul3A_2 = arith.muli %add3A, %mul3A_1 : i32
    %add3A_3 = arith.constant 0 : i32
    %add3A_4 = arith.addi %mul3A_2, %add3A_3 : i32
    %dma_start3A = arith.constant 0 : i32
    %dma_start3A_5 = tpu.memref_slice %arg2[%add3A_4, %dma_start3A] : memref<16384x200xi32, #tpu.memory_space<hbm>> -> memref<16x200xi32, #tpu.memory_space<hbm>>
    %dma_start3A_6 = arith.constant 0 : i32
    %dma_start3A_7 = tpu.memref_slice %arg2[%add3A_4, %dma_start3A_6] : memref<16384x200xi32, #tpu.memory_space<hbm>> -> memref<16x200xi32, #tpu.memory_space<hbm>>
    tpu.enqueue_dma source(%dma_start3A_7 : memref<16x200xi32, #tpu.memory_space<hbm>>) target(%arg5 : memref<16x200xi32, #tpu.memory_space<vmem>>) target_semaphore(%arg22 : memref<!tpu.dma_semaphore, #tpu.memory_space<semaphore_mem>>)
    %add3A_8 = arith.constant 16 : i32
    %add3A_9 = arith.addi %mul3A_2, %add3A_8 : i32
    %dma_start3A_10 = arith.constant 0 : i32
    %dma_start3A_11 = tpu.memref_slice %arg2[%add3A_9, %dma_start3A_10] : memref<16384x200xi32, #tpu.memory_space<hbm>> -> memref<16x200xi32, #tpu.memory_space<hbm>>
    %dma_start3A_12 = arith.constant 0 : i32
    %dma_start3A_13 = tpu.memref_slice %arg2[%add3A_9, %dma_start3A_12] : memref<16384x200xi32, #tpu.memory_space<hbm>> -> memref<16x200xi32, #tpu.memory_space<hbm>>
    tpu.enqueue_dma source(%dma_start3A_13 : memref<16x200xi32, #tpu.memory_space<hbm>>) target(%arg6 : memref<16x200xi32, #tpu.memory_space<vmem>>) target_semaphore(%arg23 : memref<!tpu.dma_semaphore, #tpu.memory_space<semaphore_mem>>)
    %add3A_14 = arith.constant 32 : i32
    %add3A_15 = arith.addi %mul3A_2, %add3A_14 : i32
    %dma_start3A_16 = arith.constant 0 : i32
    %dma_start3A_17 = tpu.memref_slice %arg2[%add3A_15, %dma_start3A_16] : memref<16384x200xi32, #tpu.memory_space<hbm>> -> memref<16x200xi32, #tpu.memory_space<hbm>>
    %dma_start3A_18 = arith.constant 0 : i32
    %dma_start3A_19 = tpu.memref_slice %arg2[%add3A_15, %dma_start3A_18] : memref<16384x200xi32, #tpu.memory_space<hbm>> -> memref<16x200xi32, #tpu.memory_space<hbm>>
    tpu.enqueue_dma source(%dma_start3A_19 : memref<16x200xi32, #tpu.memory_space<hbm>>) target(%arg7 : memref<16x200xi32, #tpu.memory_space<vmem>>) target_semaphore(%arg24 : memref<!tpu.dma_semaphore, #tpu.memory_space<semaphore_mem>>)
    %add3A_20 = arith.constant 48 : i32
    %add3A_21 = arith.addi %mul3A_2, %add3A_20 : i32
    %dma_start3A_22 = arith.constant 0 : i32
    %dma_start3A_23 = tpu.memref_slice %arg2[%add3A_21, %dma_start3A_22] : memref<16384x200xi32, #tpu.memory_space<hbm>> -> memref<16x200xi32, #tpu.memory_space<hbm>>
    %dma_start3A_24 = arith.constant 0 : i32
    %dma_start3A_25 = tpu.memref_slice %arg2[%add3A_21, %dma_start3A_24] : memref<16384x200xi32, #tpu.memory_space<hbm>> -> memref<16x200xi32, #tpu.memory_space<hbm>>
    tpu.enqueue_dma source(%dma_start3A_25 : memref<16x200xi32, #tpu.memory_space<hbm>>) target(%arg8 : memref<16x200xi32, #tpu.memory_space<vmem>>) target_semaphore(%arg25 : memref<!tpu.dma_semaphore, #tpu.memory_space<semaphore_mem>>)
    %dma_wait3A = arith.constant 0 : i32
    %dma_wait3A_26 = arith.constant 0 : i32
    %dma_wait3A_27 = tpu.memref_slice %arg2[%dma_wait3A, %dma_wait3A_26] : memref<16384x200xi32, #tpu.memory_space<hbm>> -> memref<16x200xi32, #tpu.memory_space<hbm>>
    %dma_wait3A_28 = arith.constant 0 : i32
    %dma_wait3A_29 = arith.constant 0 : i32
    %dma_wait3A_30 = tpu.memref_slice %arg2[%dma_wait3A_28, %dma_wait3A_29] : memref<16384x200xi32, #tpu.memory_space<hbm>> -> memref<16x200xi32, #tpu.memory_space<hbm>>
    tpu.wait_dma2 semaphore(%arg22 : memref<!tpu.dma_semaphore, #tpu.memory_space<semaphore_mem>>) src(%dma_wait3A_30 : memref<16x200xi32, #tpu.memory_space<hbm>>) dst(%arg5 : memref<16x200xi32, #tpu.memory_space<vmem>>)
    %scan3A = arith.constant 0 : i32
    %scan3A_31 = arith.constant 0 : i32
    %scan3A_32 = arith.constant 16 : i32
    %scan3A_33 = arith.addi %scan3A_31, %scan3A_32 : i32
    %scan3A_34 = arith.constant 1 : i32
    %scan3A_35 = scf.for %scan3A_118 = %scan3A_31 to %scan3A_33 step %scan3A_34 iter_args(%scan3A_119 = %scan3A) -> (i32)  : i32 {
      %get3A = arith.index_cast %scan3A_118 : i32 to index
      %get3A_120 = arith.constant 0 : index
      %get3A_121 = tpu.vector_load %arg5[%get3A, %get3A_120] {strides = array<i32>} : memref<16x200xi32, #tpu.memory_space<vmem>>, vector<1x16xi32>,
      %get3A_122 = vector.shape_cast %get3A_121 : vector<1x16xi32> to vector<16xi32>
      %mul3A_123 = arith.constant 200 : i32
      %mul3A_124 = arith.muli %scan3A_118, %mul3A_123 : i32
      %add3A_125 = arith.constant 0 : i32
      %add3A_126 = arith.addi %mul3A_124, %add3A_125 : i32
      %swap3A_127 = arith.index_cast %add3A_126 : i32 to index
      %swap3A_128 = tpu.vector_load %arg9[%swap3A_127] {strides = array<i32>} : memref<3200xi32, #tpu.memory_space<vmem>>, vector<16xi32>,
      %swap3A_129 = vector.shape_cast %swap3A_128 : vector<16xi32> to vector<16xi32>
      %swap3A_130 = vector.shape_cast %get3A_122 : vector<16xi32> to vector<16xi32>
      tpu.vector_store %arg9[%swap3A_127], %swap3A_130 {strides = array<i32>} : memref<3200xi32, #tpu.memory_space<vmem>>, vector<16xi32>,
      %get3A_131 = arith.index_cast %scan3A_118 : i32 to index
      %get3A_132 = arith.constant 16 : index
      %get3A_133 = tpu.vector_load %arg5[%get3A_131, %get3A_132] {strides = array<i32>} : memref<16x200xi32, #tpu.memory_space<vmem>>, vector<1x16xi32>,
      %get3A_134 = vector.shape_cast %get3A_133 : vector<1x16xi32> to vector<16xi32>
      %mul3A_135 = arith.constant 200 : i32
      %mul3A_136 = arith.muli %scan3A_118, %mul3A_135 : i32
      %add3A_137 = arith.constant 16 : i32
      %add3A_138 = arith.addi %mul3A_136, %add3A_137 : i32
      %swap3A_139 = arith.index_cast %add3A_138 : i32 to index
      %swap3A_140 = tpu.vector_load %arg9[%swap3A_139] {strides = array<i32>} : memref<3200xi32, #tpu.memory_space<vmem>>, vector<16xi32>,
      %swap3A_141 = vector.shape_cast %swap3A_140 : vector<16xi32> to vector<16xi32>
      %swap3A_142 = vector.shape_cast %get3A_134 : vector<16xi32> to vector<16xi32>
      tpu.vector_store %arg9[%swap3A_139], %swap3A_142 {strides = array<i32>} : memref<3200xi32, #tpu.memory_space<vmem>>, vector<16xi32>,
      %get3A_143 = arith.index_cast %scan3A_118 : i32 to index
      %get3A_144 = arith.constant 32 : index
      %get3A_145 = tpu.vector_load %arg5[%get3A_143, %get3A_144] {strides = array<i32>} : memref<16x200xi32, #tpu.memory_space<vmem>>, vector<1x16xi32>,
      %get3A_146 = vector.shape_cast %get3A_145 : vector<1x16xi32> to vector<16xi32>
      %mul3A_147 = arith.constant 200 : i32
      %mul3A_148 = arith.muli %scan3A_118, %mul3A_147 : i32
      %add3A_149 = arith.constant 32 : i32
      %add3A_150 = arith.addi %mul3A_148, %add3A_149 : i32
      %swap3A_151 = arith.index_cast %add3A_150 : i32 to index
      %swap3A_152 = tpu.vector_load %arg9[%swap3A_151] {strides = array<i32>} : memref<3200xi32, #tpu.memory_space<vmem>>, vector<16xi32>,
      %swap3A_153 = vector.shape_cast %swap3A_152 : vector<16xi32> to vector<16xi32>
      %swap3A_154 = vector.shape_cast %get3A_146 : vector<16xi32> to vector<16xi32>
      tpu.vector_store %arg9[%swap3A_151], %swap3A_154 {strides = array<i32>} : memref<3200xi32, #tpu.memory_space<vmem>>, vector<16xi32>,
      %get3A_155 = arith.index_cast %scan3A_118 : i32 to index
      %get3A_156 = arith.constant 48 : index
      %get3A_157 = tpu.vector_load %arg5[%get3A_155, %get3A_156] {strides = array<i32>} : memref<16x200xi32, #tpu.memory_space<vmem>>, vector<1x16xi32>,
      %get3A_158 = vector.shape_cast %get3A_157 : vector<1x16xi32> to vector<16xi32>
      %mul3A_159 = arith.constant 200 : i32
      %mul3A_160 = arith.muli %scan3A_118, %mul3A_159 : i32
      %add3A_161 = arith.constant 48 : i32
      %add3A_162 = arith.addi %mul3A_160, %add3A_161 : i32
      %swap3A_163 = arith.index_cast %add3A_162 : i32 to index
      %swap3A_164 = tpu.vector_load %arg9[%swap3A_163] {strides = array<i32>} : memref<3200xi32, #tpu.memory_space<vmem>>, vector<16xi32>,
      %swap3A_165 = vector.shape_cast %swap3A_164 : vector<16xi32> to vector<16xi32>
      %swap3A_166 = vector.shape_cast %get3A_158 : vector<16xi32> to vector<16xi32>
      tpu.vector_store %arg9[%swap3A_163], %swap3A_166 {strides = array<i32>} : memref<3200xi32, #tpu.memory_space<vmem>>, vector<16xi32>,
      %get3A_167 = arith.index_cast %scan3A_118 : i32 to index
      %get3A_168 = arith.constant 64 : index
      %get3A_169 = tpu.vector_load %arg5[%get3A_167, %get3A_168] {strides = array<i32>} : memref<16x200xi32, #tpu.memory_space<vmem>>, vector<1x16xi32>,
      %get3A_170 = vector.shape_cast %get3A_169 : vector<1x16xi32> to vector<16xi32>
      %mul3A_171 = arith.constant 200 : i32
      %mul3A_172 = arith.muli %scan3A_118, %mul3A_171 : i32
      %add3A_173 = arith.constant 64 : i32
      %add3A_174 = arith.addi %mul3A_172, %add3A_173 : i32
      %swap3A_175 = arith.index_cast %add3A_174 : i32 to index
      %swap3A_176 = tpu.vector_load %arg9[%swap3A_175] {strides = array<i32>} : memref<3200xi32, #tpu.memory_space<vmem>>, vector<16xi32>,
      %swap3A_177 = vector.shape_cast %swap3A_176 : vector<16xi32> to vector<16xi32>
      %swap3A_178 = vector.shape_cast %get3A_170 : vector<16xi32> to vector<16xi32>
      tpu.vector_store %arg9[%swap3A_175], %swap3A_178 {strides = array<i32>} : memref<3200xi32, #tpu.memory_space<vmem>>, vector<16xi32>,
      %get3A_179 = arith.index_cast %scan3A_118 : i32 to index
      %get3A_180 = arith.constant 80 : index
      %get3A_181 = tpu.vector_load %arg5[%get3A_179, %get3A_180] {strides = array<i32>} : memref<16x200xi32, #tpu.memory_space<vmem>>, vector<1x16xi32>,
      %get3A_182 = vector.shape_cast %get3A_181 : vector<1x16xi32> to vector<16xi32>
      %mul3A_183 = arith.constant 200 : i32
      %mul3A_184 = arith.muli %scan3A_118, %mul3A_183 : i32
      %add3A_185 = arith.constant 80 : i32
      %add3A_186 = arith.addi %mul3A_184, %add3A_185 : i32
      %swap3A_187 = arith.index_cast %add3A_186 : i32 to index
      %swap3A_188 = tpu.vector_load %arg9[%swap3A_187] {strides = array<i32>} : memref<3200xi32, #tpu.memory_space<vmem>>, vector<16xi32>,
      %swap3A_189 = vector.shape_cast %swap3A_188 : vector<16xi32> to vector<16xi32>
      %swap3A_190 = vector.shape_cast %get3A_182 : vector<16xi32> to vector<16xi32>
      tpu.vector_store %arg9[%swap3A_187], %swap3A_190 {strides = array<i32>} : memref<3200xi32, #tpu.memory_space<vmem>>, vector<16xi32>,
      %get3A_191 = arith.index_cast %scan3A_118 : i32 to index
      %get3A_192 = arith.constant 96 : index
      %get3A_193 = tpu.vector_load %arg5[%get3A_191, %get3A_192] {strides = array<i32>} : memref<16x200xi32, #tpu.memory_space<vmem>>, vector<1x16xi32>,
      %get3A_194 = vector.shape_cast %get3A_193 : vector<1x16xi32> to vector<16xi32>
      %mul3A_195 = arith.constant 200 : i32
      %mul3A_196 = arith.muli %scan3A_118, %mul3A_195 : i32
      %add3A_197 = arith.constant 96 : i32
      %add3A_198 = arith.addi %mul3A_196, %add3A_197 : i32
      %swap3A_199 = arith.index_cast %add3A_198 : i32 to index
      %swap3A_200 = tpu.vector_load %arg9[%swap3A_199] {strides = array<i32>} : memref<3200xi32, #tpu.memory_space<vmem>>, vector<16xi32>,
      %swap3A_201 = vector.shape_cast %swap3A_200 : vector<16xi32> to vector<16xi32>
      %swap3A_202 = vector.shape_cast %get3A_194 : vector<16xi32> to vector<16xi32>
      tpu.vector_store %arg9[%swap3A_199], %swap3A_202 {strides = array<i32>} : memref<3200xi32, #tpu.memory_space<vmem>>, vector<16xi32>,
      %get3A_203 = arith.index_cast %scan3A_118 : i32 to index
      %get3A_204 = arith.constant 112 : index
      %get3A_205 = tpu.vector_load %arg5[%get3A_203, %get3A_204] {strides = array<i32>} : memref<16x200xi32, #tpu.memory_space<vmem>>, vector<1x16xi32>,
      %get3A_206 = vector.shape_cast %get3A_205 : vector<1x16xi32> to vector<16xi32>
      %mul3A_207 = arith.constant 200 : i32
      %mul3A_208 = arith.muli %scan3A_118, %mul3A_207 : i32
      %add3A_209 = arith.constant 112 : i32
      %add3A_210 = arith.addi %mul3A_208, %add3A_209 : i32
      %swap3A_211 = arith.index_cast %add3A_210 : i32 to index
      %swap3A_212 = tpu.vector_load %arg9[%swap3A_211] {strides = array<i32>} : memref<3200xi32, #tpu.memory_space<vmem>>, vector<16xi32>,
      %swap3A_213 = vector.shape_cast %swap3A_212 : vector<16xi32> to vector<16xi32>
      %swap3A_214 = vector.shape_cast %get3A_206 : vector<16xi32> to vector<16xi32>
      tpu.vector_store %arg9[%swap3A_211], %swap3A_214 {strides = array<i32>} : memref<3200xi32, #tpu.memory_space<vmem>>, vector<16xi32>,
      %get3A_215 = arith.index_cast %scan3A_118 : i32 to index
      %get3A_216 = arith.constant 128 : index
      %get3A_217 = tpu.vector_load %arg5[%get3A_215, %get3A_216] {strides = array<i32>} : memref<16x200xi32, #tpu.memory_space<vmem>>, vector<1x16xi32>,
      %get3A_218 = vector.shape_cast %get3A_217 : vector<1x16xi32> to vector<16xi32>
      %mul3A_219 = arith.constant 200 : i32
      %mul3A_220 = arith.muli %scan3A_118, %mul3A_219 : i32
      %add3A_221 = arith.constant 128 : i32
      %add3A_222 = arith.addi %mul3A_220, %add3A_221 : i32
      %swap3A_223 = arith.index_cast %add3A_222 : i32 to index
      %swap3A_224 = tpu.vector_load %arg9[%swap3A_223] {strides = array<i32>} : memref<3200xi32, #tpu.memory_space<vmem>>, vector<16xi32>,
      %swap3A_225 = vector.shape_cast %swap3A_224 : vector<16xi32> to vector<16xi32>
      %swap3A_226 = vector.shape_cast %get3A_218 : vector<16xi32> to vector<16xi32>
      tpu.vector_store %arg9[%swap3A_223], %swap3A_226 {strides = array<i32>} : memref<3200xi32, #tpu.memory_space<vmem>>, vector<16xi32>,
      %get3A_227 = arith.index_cast %scan3A_118 : i32 to index
      %get3A_228 = arith.constant 144 : index
      %get3A_229 = tpu.vector_load %arg5[%get3A_227, %get3A_228] {strides = array<i32>} : memref<16x200xi32, #tpu.memory_space<vmem>>, vector<1x16xi32>,
      %get3A_230 = vector.shape_cast %get3A_229 : vector<1x16xi32> to vector<16xi32>
      %mul3A_231 = arith.constant 200 : i32
      %mul3A_232 = arith.muli %scan3A_118, %mul3A_231 : i32
      %add3A_233 = arith.constant 144 : i32
      %add3A_234 = arith.addi %mul3A_232, %add3A_233 : i32
      %swap3A_235 = arith.index_cast %add3A_234 : i32 to index
      %swap3A_236 = tpu.vector_load %arg9[%swap3A_235] {strides = array<i32>} : memref<3200xi32, #tpu.memory_space<vmem>>, vector<16xi32>,
      %swap3A_237 = vector.shape_cast %swap3A_236 : vector<16xi32> to vector<16xi32>
      %swap3A_238 = vector.shape_cast %get3A_230 : vector<16xi32> to vector<16xi32>
      tpu.vector_store %arg9[%swap3A_235], %swap3A_238 {strides = array<i32>} : memref<3200xi32, #tpu.memory_space<vmem>>, vector<16xi32>,
      %get3A_239 = arith.index_cast %scan3A_118 : i32 to index
      %get3A_240 = arith.constant 160 : index
      %get3A_241 = tpu.vector_load %arg5[%get3A_239, %get3A_240] {strides = array<i32>} : memref<16x200xi32, #tpu.memory_space<vmem>>, vector<1x16xi32>,
      %get3A_242 = vector.shape_cast %get3A_241 : vector<1x16xi32> to vector<16xi32>
      %mul3A_243 = arith.constant 200 : i32
      %mul3A_244 = arith.muli %scan3A_118, %mul3A_243 : i32
      %add3A_245 = arith.constant 160 : i32
      %add3A_246 = arith.addi %mul3A_244, %add3A_245 : i32
      %swap3A_247 = arith.index_cast %add3A_246 : i32 to index
      %swap3A_248 = tpu.vector_load %arg9[%swap3A_247] {strides = array<i32>} : memref<3200xi32, #tpu.memory_space<vmem>>, vector<16xi32>,
      %swap3A_249 = vector.shape_cast %swap3A_248 : vector<16xi32> to vector<16xi32>
      %swap3A_250 = vector.shape_cast %get3A_242 : vector<16xi32> to vector<16xi32>
      tpu.vector_store %arg9[%swap3A_247], %swap3A_250 {strides = array<i32>} : memref<3200xi32, #tpu.memory_space<vmem>>, vector<16xi32>,
      %get3A_251 = arith.index_cast %scan3A_118 : i32 to index
      %get3A_252 = arith.constant 176 : index
      %get3A_253 = tpu.vector_load %arg5[%get3A_251, %get3A_252] {strides = array<i32>} : memref<16x200xi32, #tpu.memory_space<vmem>>, vector<1x16xi32>,
      %get3A_254 = vector.shape_cast %get3A_253 : vector<1x16xi32> to vector<16xi32>
      %mul3A_255 = arith.constant 200 : i32
      %mul3A_256 = arith.muli %scan3A_118, %mul3A_255 : i32
      %add3A_257 = arith.constant 176 : i32
      %add3A_258 = arith.addi %mul3A_256, %add3A_257 : i32
      %swap3A_259 = arith.index_cast %add3A_258 : i32 to index
      %swap3A_260 = tpu.vector_load %arg9[%swap3A_259] {strides = array<i32>} : memref<3200xi32, #tpu.memory_space<vmem>>, vector<16xi32>,
      %swap3A_261 = vector.shape_cast %swap3A_260 : vector<16xi32> to vector<16xi32>
      %swap3A_262 = vector.shape_cast %get3A_254 : vector<16xi32> to vector<16xi32>
      tpu.vector_store %arg9[%swap3A_259], %swap3A_262 {strides = array<i32>} : memref<3200xi32, #tpu.memory_space<vmem>>, vector<16xi32>,
      %get3A_263 = arith.index_cast %scan3A_118 : i32 to index
      %get3A_264 = arith.constant 184 : index
      %get3A_265 = tpu.vector_load %arg5[%get3A_263, %get3A_264] {strides = array<i32>} : memref<16x200xi32, #tpu.memory_space<vmem>>, vector<1x16xi32>,
      %get3A_266 = vector.shape_cast %get3A_265 : vector<1x16xi32> to vector<16xi32>
      %mul3A_267 = arith.constant 200 : i32
      %mul3A_268 = arith.muli %scan3A_118, %mul3A_267 : i32
      %add3A_269 = arith.constant 184 : i32
      %add3A_270 = arith.addi %mul3A_268, %add3A_269 : i32
      %swap3A_271 = arith.index_cast %add3A_270 : i32 to index
      %swap3A_272 = tpu.vector_load %arg9[%swap3A_271] {strides = array<i32>} : memref<3200xi32, #tpu.memory_space<vmem>>, vector<16xi32>,
      %swap3A_273 = vector.shape_cast %swap3A_272 : vector<16xi32> to vector<16xi32>
      %swap3A_274 = vector.shape_cast %get3A_266 : vector<16xi32> to vector<16xi32>
      tpu.vector_store %arg9[%swap3A_271], %swap3A_274 {strides = array<i32>} : memref<3200xi32, #tpu.memory_space<vmem>>, vector<16xi32>,
      %scan3A_275 = arith.constant 0 : i32
      scf.yield %scan3A_275 : i32
    }
    %scan3A_36 = arith.constant 16 : i32
    %dma_start3A_37 = arith.constant 0 : i32
    %dma_start3A_38 = tpu.memref_slice %arg3[%dma_start3A_37] : memref<1000000xf32, #tpu.memory_space<hbm>> -> memref<1000000xf32, #tpu.memory_space<hbm>>
    tpu.enqueue_indirect_dma source(%dma_start3A_38 : memref<1000000xf32, #tpu.memory_space<hbm>>) target(%arg13 : memref<3200xf32, #tpu.memory_space<vmem>>) offsets(%arg9 : memref<3200xi32, #tpu.memory_space<vmem>>) semaphore(%arg18 : memref<!tpu.dma_semaphore, #tpu.memory_space<semaphore_mem>>)
    %add3A_39 = arith.constant 64 : i32
    %add3A_40 = arith.addi %mul3A_2, %add3A_39 : i32
    %dma_start3A_41 = arith.constant 0 : i32
    %dma_start3A_42 = tpu.memref_slice %arg2[%add3A_40, %dma_start3A_41] : memref<16384x200xi32, #tpu.memory_space<hbm>> -> memref<16x200xi32, #tpu.memory_space<hbm>>
    %dma_start3A_43 = arith.constant 0 : i32
    %dma_start3A_44 = tpu.memref_slice %arg2[%add3A_40, %dma_start3A_43] : memref<16384x200xi32, #tpu.memory_space<hbm>> -> memref<16x200xi32, #tpu.memory_space<hbm>>
    tpu.enqueue_dma source(%dma_start3A_44 : memref<16x200xi32, #tpu.memory_space<hbm>>) target(%arg5 : memref<16x200xi32, #tpu.memory_space<vmem>>) target_semaphore(%arg22 : memref<!tpu.dma_semaphore, #tpu.memory_space<semaphore_mem>>)
    %dma_wait3A_45 = arith.constant 0 : i32
    %dma_wait3A_46 = arith.constant 0 : i32
    %dma_wait3A_47 = tpu.memref_slice %arg2[%dma_wait3A_45, %dma_wait3A_46] : memref<16384x200xi32, #tpu.memory_space<hbm>> -> memref<16x200xi32, #tpu.memory_space<hbm>>
    %dma_wait3A_48 = arith.constant 0 : i32
    %dma_wait3A_49 = arith.constant 0 : i32
    %dma_wait3A_50 = tpu.memref_slice %arg2[%dma_wait3A_48, %dma_wait3A_49] : memref<16384x200xi32, #tpu.memory_space<hbm>> -> memref<16x200xi32, #tpu.memory_space<hbm>>
    tpu.wait_dma2 semaphore(%arg23 : memref<!tpu.dma_semaphore, #tpu.memory_space<semaphore_mem>>) src(%dma_wait3A_50 : memref<16x200xi32, #tpu.memory_space<hbm>>) dst(%arg6 : memref<16x200xi32, #tpu.memory_space<vmem>>)
    %scan3A_51 = arith.constant 0 : i32
    %scan3A_52 = arith.constant 0 : i32
    %scan3A_53 = arith.constant 16 : i32
    %scan3A_54 = arith.addi %scan3A_52, %scan3A_53 : i32
    %scan3A_55 = arith.constant 1 : i32
    %scan3A_56 = scf.for %scan3A_118 = %scan3A_52 to %scan3A_54 step %scan3A_55 iter_args(%scan3A_119 = %scan3A_51) -> (i32)  : i32 {
      %get3A = arith.index_cast %scan3A_118 : i32 to index
      %get3A_120 = arith.constant 0 : index
      %get3A_121 = tpu.vector_load %arg6[%get3A, %get3A_120] {strides = array<i32>} : memref<16x200xi32, #tpu.memory_space<vmem>>, vector<1x16xi32>,
      %get3A_122 = vector.shape_cast %get3A_121 : vector<1x16xi32> to vector<16xi32>
      %mul3A_123 = arith.constant 200 : i32
      %mul3A_124 = arith.muli %scan3A_118, %mul3A_123 : i32
      %add3A_125 = arith.constant 0 : i32
      %add3A_126 = arith.addi %mul3A_124, %add3A_125 : i32
      %swap3A_127 = arith.index_cast %add3A_126 : i32 to index
      %swap3A_128 = tpu.vector_load %arg10[%swap3A_127] {strides = array<i32>} : memref<3200xi32, #tpu.memory_space<vmem>>, vector<16xi32>,
      %swap3A_129 = vector.shape_cast %swap3A_128 : vector<16xi32> to vector<16xi32>
      %swap3A_130 = vector.shape_cast %get3A_122 : vector<16xi32> to vector<16xi32>
      tpu.vector_store %arg10[%swap3A_127], %swap3A_130 {strides = array<i32>} : memref<3200xi32, #tpu.memory_space<vmem>>, vector<16xi32>,
      %get3A_131 = arith.index_cast %scan3A_118 : i32 to index
      %get3A_132 = arith.constant 16 : index
      %get3A_133 = tpu.vector_load %arg6[%get3A_131, %get3A_132] {strides = array<i32>} : memref<16x200xi32, #tpu.memory_space<vmem>>, vector<1x16xi32>,
      %get3A_134 = vector.shape_cast %get3A_133 : vector<1x16xi32> to vector<16xi32>
      %mul3A_135 = arith.constant 200 : i32
      %mul3A_136 = arith.muli %scan3A_118, %mul3A_135 : i32
      %add3A_137 = arith.constant 16 : i32
      %add3A_138 = arith.addi %mul3A_136, %add3A_137 : i32
      %swap3A_139 = arith.index_cast %add3A_138 : i32 to index
      %swap3A_140 = tpu.vector_load %arg10[%swap3A_139] {strides = array<i32>} : memref<3200xi32, #tpu.memory_space<vmem>>, vector<16xi32>,
      %swap3A_141 = vector.shape_cast %swap3A_140 : vector<16xi32> to vector<16xi32>
      %swap3A_142 = vector.shape_cast %get3A_134 : vector<16xi32> to vector<16xi32>
      tpu.vector_store %arg10[%swap3A_139], %swap3A_142 {strides = array<i32>} : memref<3200xi32, #tpu.memory_space<vmem>>, vector<16xi32>,
      %get3A_143 = arith.index_cast %scan3A_118 : i32 to index
      %get3A_144 = arith.constant 32 : index
      %get3A_145 = tpu.vector_load %arg6[%get3A_143, %get3A_144] {strides = array<i32>} : memref<16x200xi32, #tpu.memory_space<vmem>>, vector<1x16xi32>,
      %get3A_146 = vector.shape_cast %get3A_145 : vector<1x16xi32> to vector<16xi32>
      %mul3A_147 = arith.constant 200 : i32
      %mul3A_148 = arith.muli %scan3A_118, %mul3A_147 : i32
      %add3A_149 = arith.constant 32 : i32
      %add3A_150 = arith.addi %mul3A_148, %add3A_149 : i32
      %swap3A_151 = arith.index_cast %add3A_150 : i32 to index
      %swap3A_152 = tpu.vector_load %arg10[%swap3A_151] {strides = array<i32>} : memref<3200xi32, #tpu.memory_space<vmem>>, vector<16xi32>,
      %swap3A_153 = vector.shape_cast %swap3A_152 : vector<16xi32> to vector<16xi32>
      %swap3A_154 = vector.shape_cast %get3A_146 : vector<16xi32> to vector<16xi32>
      tpu.vector_store %arg10[%swap3A_151], %swap3A_154 {strides = array<i32>} : memref<3200xi32, #tpu.memory_space<vmem>>, vector<16xi32>,
      %get3A_155 = arith.index_cast %scan3A_118 : i32 to index
      %get3A_156 = arith.constant 48 : index
      %get3A_157 = tpu.vector_load %arg6[%get3A_155, %get3A_156] {strides = array<i32>} : memref<16x200xi32, #tpu.memory_space<vmem>>, vector<1x16xi32>,
      %get3A_158 = vector.shape_cast %get3A_157 : vector<1x16xi32> to vector<16xi32>
      %mul3A_159 = arith.constant 200 : i32
      %mul3A_160 = arith.muli %scan3A_118, %mul3A_159 : i32
      %add3A_161 = arith.constant 48 : i32
      %add3A_162 = arith.addi %mul3A_160, %add3A_161 : i32
      %swap3A_163 = arith.index_cast %add3A_162 : i32 to index
      %swap3A_164 = tpu.vector_load %arg10[%swap3A_163] {strides = array<i32>} : memref<3200xi32, #tpu.memory_space<vmem>>, vector<16xi32>,
      %swap3A_165 = vector.shape_cast %swap3A_164 : vector<16xi32> to vector<16xi32>
      %swap3A_166 = vector.shape_cast %get3A_158 : vector<16xi32> to vector<16xi32>
      tpu.vector_store %arg10[%swap3A_163], %swap3A_166 {strides = array<i32>} : memref<3200xi32, #tpu.memory_space<vmem>>, vector<16xi32>,
      %get3A_167 = arith.index_cast %scan3A_118 : i32 to index
      %get3A_168 = arith.constant 64 : index
      %get3A_169 = tpu.vector_load %arg6[%get3A_167, %get3A_168] {strides = array<i32>} : memref<16x200xi32, #tpu.memory_space<vmem>>, vector<1x16xi32>,
      %get3A_170 = vector.shape_cast %get3A_169 : vector<1x16xi32> to vector<16xi32>
      %mul3A_171 = arith.constant 200 : i32
      %mul3A_172 = arith.muli %scan3A_118, %mul3A_171 : i32
      %add3A_173 = arith.constant 64 : i32
      %add3A_174 = arith.addi %mul3A_172, %add3A_173 : i32
      %swap3A_175 = arith.index_cast %add3A_174 : i32 to index
      %swap3A_176 = tpu.vector_load %arg10[%swap3A_175] {strides = array<i32>} : memref<3200xi32, #tpu.memory_space<vmem>>, vector<16xi32>,
      %swap3A_177 = vector.shape_cast %swap3A_176 : vector<16xi32> to vector<16xi32>
      %swap3A_178 = vector.shape_cast %get3A_170 : vector<16xi32> to vector<16xi32>
      tpu.vector_store %arg10[%swap3A_175], %swap3A_178 {strides = array<i32>} : memref<3200xi32, #tpu.memory_space<vmem>>, vector<16xi32>,
      %get3A_179 = arith.index_cast %scan3A_118 : i32 to index
      %get3A_180 = arith.constant 80 : index
      %get3A_181 = tpu.vector_load %arg6[%get3A_179, %get3A_180] {strides = array<i32>} : memref<16x200xi32, #tpu.memory_space<vmem>>, vector<1x16xi32>,
      %get3A_182 = vector.shape_cast %get3A_181 : vector<1x16xi32> to vector<16xi32>
      %mul3A_183 = arith.constant 200 : i32
      %mul3A_184 = arith.muli %scan3A_118, %mul3A_183 : i32
      %add3A_185 = arith.constant 80 : i32
      %add3A_186 = arith.addi %mul3A_184, %add3A_185 : i32
      %swap3A_187 = arith.index_cast %add3A_186 : i32 to index
      %swap3A_188 = tpu.vector_load %arg10[%swap3A_187] {strides = array<i32>} : memref<3200xi32, #tpu.memory_space<vmem>>, vector<16xi32>,
      %swap3A_189 = vector.shape_cast %swap3A_188 : vector<16xi32> to vector<16xi32>
      %swap3A_190 = vector.shape_cast %get3A_182 : vector<16xi32> to vector<16xi32>
      tpu.vector_store %arg10[%swap3A_187], %swap3A_190 {strides = array<i32>} : memref<3200xi32, #tpu.memory_space<vmem>>, vector<16xi32>,
      %get3A_191 = arith.index_cast %scan3A_118 : i32 to index
      %get3A_192 = arith.constant 96 : index
      %get3A_193 = tpu.vector_load %arg6[%get3A_191, %get3A_192] {strides = array<i32>} : memref<16x200xi32, #tpu.memory_space<vmem>>, vector<1x16xi32>,
      %get3A_194 = vector.shape_cast %get3A_193 : vector<1x16xi32> to vector<16xi32>
      %mul3A_195 = arith.constant 200 : i32
      %mul3A_196 = arith.muli %scan3A_118, %mul3A_195 : i32
      %add3A_197 = arith.constant 96 : i32
      %add3A_198 = arith.addi %mul3A_196, %add3A_197 : i32
      %swap3A_199 = arith.index_cast %add3A_198 : i32 to index
      %swap3A_200 = tpu.vector_load %arg10[%swap3A_199] {strides = array<i32>} : memref<3200xi32, #tpu.memory_space<vmem>>, vector<16xi32>,
      %swap3A_201 = vector.shape_cast %swap3A_200 : vector<16xi32> to vector<16xi32>
      %swap3A_202 = vector.shape_cast %get3A_194 : vector<16xi32> to vector<16xi32>
      tpu.vector_store %arg10[%swap3A_199], %swap3A_202 {strides = array<i32>} : memref<3200xi32, #tpu.memory_space<vmem>>, vector<16xi32>,
      %get3A_203 = arith.index_cast %scan3A_118 : i32 to index
      %get3A_204 = arith.constant 112 : index
      %get3A_205 = tpu.vector_load %arg6[%get3A_203, %get3A_204] {strides = array<i32>} : memref<16x200xi32, #tpu.memory_space<vmem>>, vector<1x16xi32>,
      %get3A_206 = vector.shape_cast %get3A_205 : vector<1x16xi32> to vector<16xi32>
      %mul3A_207 = arith.constant 200 : i32
      %mul3A_208 = arith.muli %scan3A_118, %mul3A_207 : i32
      %add3A_209 = arith.constant 112 : i32
      %add3A_210 = arith.addi %mul3A_208, %add3A_209 : i32
      %swap3A_211 = arith.index_cast %add3A_210 : i32 to index
      %swap3A_212 = tpu.vector_load %arg10[%swap3A_211] {strides = array<i32>} : memref<3200xi32, #tpu.memory_space<vmem>>, vector<16xi32>,
      %swap3A_213 = vector.shape_cast %swap3A_212 : vector<16xi32> to vector<16xi32>
      %swap3A_214 = vector.shape_cast %get3A_206 : vector<16xi32> to vector<16xi32>
      tpu.vector_store %arg10[%swap3A_211], %swap3A_214 {strides = array<i32>} : memref<3200xi32, #tpu.memory_space<vmem>>, vector<16xi32>,
      %get3A_215 = arith.index_cast %scan3A_118 : i32 to index
      %get3A_216 = arith.constant 128 : index
      %get3A_217 = tpu.vector_load %arg6[%get3A_215, %get3A_216] {strides = array<i32>} : memref<16x200xi32, #tpu.memory_space<vmem>>, vector<1x16xi32>,
      %get3A_218 = vector.shape_cast %get3A_217 : vector<1x16xi32> to vector<16xi32>
      %mul3A_219 = arith.constant 200 : i32
      %mul3A_220 = arith.muli %scan3A_118, %mul3A_219 : i32
      %add3A_221 = arith.constant 128 : i32
      %add3A_222 = arith.addi %mul3A_220, %add3A_221 : i32
      %swap3A_223 = arith.index_cast %add3A_222 : i32 to index
      %swap3A_224 = tpu.vector_load %arg10[%swap3A_223] {strides = array<i32>} : memref<3200xi32, #tpu.memory_space<vmem>>, vector<16xi32>,
      %swap3A_225 = vector.shape_cast %swap3A_224 : vector<16xi32> to vector<16xi32>
      %swap3A_226 = vector.shape_cast %get3A_218 : vector<16xi32> to vector<16xi32>
      tpu.vector_store %arg10[%swap3A_223], %swap3A_226 {strides = array<i32>} : memref<3200xi32, #tpu.memory_space<vmem>>, vector<16xi32>,
      %get3A_227 = arith.index_cast %scan3A_118 : i32 to index
      %get3A_228 = arith.constant 144 : index
      %get3A_229 = tpu.vector_load %arg6[%get3A_227, %get3A_228] {strides = array<i32>} : memref<16x200xi32, #tpu.memory_space<vmem>>, vector<1x16xi32>,
      %get3A_230 = vector.shape_cast %get3A_229 : vector<1x16xi32> to vector<16xi32>
      %mul3A_231 = arith.constant 200 : i32
      %mul3A_232 = arith.muli %scan3A_118, %mul3A_231 : i32
      %add3A_233 = arith.constant 144 : i32
      %add3A_234 = arith.addi %mul3A_232, %add3A_233 : i32
      %swap3A_235 = arith.index_cast %add3A_234 : i32 to index
      %swap3A_236 = tpu.vector_load %arg10[%swap3A_235] {strides = array<i32>} : memref<3200xi32, #tpu.memory_space<vmem>>, vector<16xi32>,
      %swap3A_237 = vector.shape_cast %swap3A_236 : vector<16xi32> to vector<16xi32>
      %swap3A_238 = vector.shape_cast %get3A_230 : vector<16xi32> to vector<16xi32>
      tpu.vector_store %arg10[%swap3A_235], %swap3A_238 {strides = array<i32>} : memref<3200xi32, #tpu.memory_space<vmem>>, vector<16xi32>,
      %get3A_239 = arith.index_cast %scan3A_118 : i32 to index
      %get3A_240 = arith.constant 160 : index
      %get3A_241 = tpu.vector_load %arg6[%get3A_239, %get3A_240] {strides = array<i32>} : memref<16x200xi32, #tpu.memory_space<vmem>>, vector<1x16xi32>,
      %get3A_242 = vector.shape_cast %get3A_241 : vector<1x16xi32> to vector<16xi32>
      %mul3A_243 = arith.constant 200 : i32
      %mul3A_244 = arith.muli %scan3A_118, %mul3A_243 : i32
      %add3A_245 = arith.constant 160 : i32
      %add3A_246 = arith.addi %mul3A_244, %add3A_245 : i32
      %swap3A_247 = arith.index_cast %add3A_246 : i32 to index
      %swap3A_248 = tpu.vector_load %arg10[%swap3A_247] {strides = array<i32>} : memref<3200xi32, #tpu.memory_space<vmem>>, vector<16xi32>,
      %swap3A_249 = vector.shape_cast %swap3A_248 : vector<16xi32> to vector<16xi32>
      %swap3A_250 = vector.shape_cast %get3A_242 : vector<16xi32> to vector<16xi32>
      tpu.vector_store %arg10[%swap3A_247], %swap3A_250 {strides = array<i32>} : memref<3200xi32, #tpu.memory_space<vmem>>, vector<16xi32>,
      %get3A_251 = arith.index_cast %scan3A_118 : i32 to index
      %get3A_252 = arith.constant 176 : index
      %get3A_253 = tpu.vector_load %arg6[%get3A_251, %get3A_252] {strides = array<i32>} : memref<16x200xi32, #tpu.memory_space<vmem>>, vector<1x16xi32>,
      %get3A_254 = vector.shape_cast %get3A_253 : vector<1x16xi32> to vector<16xi32>
      %mul3A_255 = arith.constant 200 : i32
      %mul3A_256 = arith.muli %scan3A_118, %mul3A_255 : i32
      %add3A_257 = arith.constant 176 : i32
      %add3A_258 = arith.addi %mul3A_256, %add3A_257 : i32
      %swap3A_259 = arith.index_cast %add3A_258 : i32 to index
      %swap3A_260 = tpu.vector_load %arg10[%swap3A_259] {strides = array<i32>} : memref<3200xi32, #tpu.memory_space<vmem>>, vector<16xi32>,
      %swap3A_261 = vector.shape_cast %swap3A_260 : vector<16xi32> to vector<16xi32>
      %swap3A_262 = vector.shape_cast %get3A_254 : vector<16xi32> to vector<16xi32>
      tpu.vector_store %arg10[%swap3A_259], %swap3A_262 {strides = array<i32>} : memref<3200xi32, #tpu.memory_space<vmem>>, vector<16xi32>,
      %get3A_263 = arith.index_cast %scan3A_118 : i32 to index
      %get3A_264 = arith.constant 184 : index
      %get3A_265 = tpu.vector_load %arg6[%get3A_263, %get3A_264] {strides = array<i32>} : memref<16x200xi32, #tpu.memory_space<vmem>>, vector<1x16xi32>,
      %get3A_266 = vector.shape_cast %get3A_265 : vector<1x16xi32> to vector<16xi32>
      %mul3A_267 = arith.constant 200 : i32
      %mul3A_268 = arith.muli %scan3A_118, %mul3A_267 : i32
      %add3A_269 = arith.constant 184 : i32
      %add3A_270 = arith.addi %mul3A_268, %add3A_269 : i32
      %swap3A_271 = arith.index_cast %add3A_270 : i32 to index
      %swap3A_272 = tpu.vector_load %arg10[%swap3A_271] {strides = array<i32>} : memref<3200xi32, #tpu.memory_space<vmem>>, vector<16xi32>,
      %swap3A_273 = vector.shape_cast %swap3A_272 : vector<16xi32> to vector<16xi32>
      %swap3A_274 = vector.shape_cast %get3A_266 : vector<16xi32> to vector<16xi32>
      tpu.vector_store %arg10[%swap3A_271], %swap3A_274 {strides = array<i32>} : memref<3200xi32, #tpu.memory_space<vmem>>, vector<16xi32>,
      %scan3A_275 = arith.constant 0 : i32
      scf.yield %scan3A_275 : i32
    }
    %scan3A_57 = arith.constant 16 : i32
    %dma_start3A_58 = arith.constant 0 : i32
    %dma_start3A_59 = tpu.memref_slice %arg3[%dma_start3A_58] : memref<1000000xf32, #tpu.memory_space<hbm>> -> memref<1000000xf32, #tpu.memory_space<hbm>>
    tpu.enqueue_indirect_dma source(%dma_start3A_59 : memref<1000000xf32, #tpu.memory_space<hbm>>) target(%arg14 : memref<3200xf32, #tpu.memory_space<vmem>>) offsets(%arg10 : memref<3200xi32, #tpu.memory_space<vmem>>) semaphore(%arg19 : memref<!tpu.dma_semaphore, #tpu.memory_space<semaphore_mem>>)
    %add3A_60 = arith.constant 80 : i32
    %add3A_61 = arith.addi %mul3A_2, %add3A_60 : i32
    %dma_start3A_62 = arith.constant 0 : i32
    %dma_start3A_63 = tpu.memref_slice %arg2[%add3A_61, %dma_start3A_62] : memref<16384x200xi32, #tpu.memory_space<hbm>> -> memref<16x200xi32, #tpu.memory_space<hbm>>
    %dma_start3A_64 = arith.constant 0 : i32
    %dma_start3A_65 = tpu.memref_slice %arg2[%add3A_61, %dma_start3A_64] : memref<16384x200xi32, #tpu.memory_space<hbm>> -> memref<16x200xi32, #tpu.memory_space<hbm>>
    tpu.enqueue_dma source(%dma_start3A_65 : memref<16x200xi32, #tpu.memory_space<hbm>>) target(%arg6 : memref<16x200xi32, #tpu.memory_space<vmem>>) target_semaphore(%arg23 : memref<!tpu.dma_semaphore, #tpu.memory_space<semaphore_mem>>)
    %dma_wait3A_66 = arith.constant 0 : i32
    %dma_wait3A_67 = arith.constant 0 : i32
    %dma_wait3A_68 = tpu.memref_slice %arg2[%dma_wait3A_66, %dma_wait3A_67] : memref<16384x200xi32, #tpu.memory_space<hbm>> -> memref<16x200xi32, #tpu.memory_space<hbm>>
    %dma_wait3A_69 = arith.constant 0 : i32
    %dma_wait3A_70 = arith.constant 0 : i32
    %dma_wait3A_71 = tpu.memref_slice %arg2[%dma_wait3A_69, %dma_wait3A_70] : memref<16384x200xi32, #tpu.memory_space<hbm>> -> memref<16x200xi32, #tpu.memory_space<hbm>>
    tpu.wait_dma2 semaphore(%arg24 : memref<!tpu.dma_semaphore, #tpu.memory_space<semaphore_mem>>) src(%dma_wait3A_71 : memref<16x200xi32, #tpu.memory_space<hbm>>) dst(%arg7 : memref<16x200xi32, #tpu.memory_space<vmem>>)
    %scan3A_72 = arith.constant 0 : i32
    %scan3A_73 = arith.constant 0 : i32
    %scan3A_74 = arith.constant 16 : i32
    %scan3A_75 = arith.addi %scan3A_73, %scan3A_74 : i32
    %scan3A_76 = arith.constant 1 : i32
    %scan3A_77 = scf.for %scan3A_118 = %scan3A_73 to %scan3A_75 step %scan3A_76 iter_args(%scan3A_119 = %scan3A_72) -> (i32)  : i32 {
      %get3A = arith.index_cast %scan3A_118 : i32 to index
      %get3A_120 = arith.constant 0 : index
      %get3A_121 = tpu.vector_load %arg7[%get3A, %get3A_120] {strides = array<i32>} : memref<16x200xi32, #tpu.memory_space<vmem>>, vector<1x16xi32>,
      %get3A_122 = vector.shape_cast %get3A_121 : vector<1x16xi32> to vector<16xi32>
      %mul3A_123 = arith.constant 200 : i32
      %mul3A_124 = arith.muli %scan3A_118, %mul3A_123 : i32
      %add3A_125 = arith.constant 0 : i32
      %add3A_126 = arith.addi %mul3A_124, %add3A_125 : i32
      %swap3A_127 = arith.index_cast %add3A_126 : i32 to index
      %swap3A_128 = tpu.vector_load %arg11[%swap3A_127] {strides = array<i32>} : memref<3200xi32, #tpu.memory_space<vmem>>, vector<16xi32>,
      %swap3A_129 = vector.shape_cast %swap3A_128 : vector<16xi32> to vector<16xi32>
      %swap3A_130 = vector.shape_cast %get3A_122 : vector<16xi32> to vector<16xi32>
      tpu.vector_store %arg11[%swap3A_127], %swap3A_130 {strides = array<i32>} : memref<3200xi32, #tpu.memory_space<vmem>>, vector<16xi32>,
      %get3A_131 = arith.index_cast %scan3A_118 : i32 to index
      %get3A_132 = arith.constant 16 : index
      %get3A_133 = tpu.vector_load %arg7[%get3A_131, %get3A_132] {strides = array<i32>} : memref<16x200xi32, #tpu.memory_space<vmem>>, vector<1x16xi32>,
      %get3A_134 = vector.shape_cast %get3A_133 : vector<1x16xi32> to vector<16xi32>
      %mul3A_135 = arith.constant 200 : i32
      %mul3A_136 = arith.muli %scan3A_118, %mul3A_135 : i32
      %add3A_137 = arith.constant 16 : i32
      %add3A_138 = arith.addi %mul3A_136, %add3A_137 : i32
      %swap3A_139 = arith.index_cast %add3A_138 : i32 to index
      %swap3A_140 = tpu.vector_load %arg11[%swap3A_139] {strides = array<i32>} : memref<3200xi32, #tpu.memory_space<vmem>>, vector<16xi32>,
      %swap3A_141 = vector.shape_cast %swap3A_140 : vector<16xi32> to vector<16xi32>
      %swap3A_142 = vector.shape_cast %get3A_134 : vector<16xi32> to vector<16xi32>
      tpu.vector_store %arg11[%swap3A_139], %swap3A_142 {strides = array<i32>} : memref<3200xi32, #tpu.memory_space<vmem>>, vector<16xi32>,
      %get3A_143 = arith.index_cast %scan3A_118 : i32 to index
      %get3A_144 = arith.constant 32 : index
      %get3A_145 = tpu.vector_load %arg7[%get3A_143, %get3A_144] {strides = array<i32>} : memref<16x200xi32, #tpu.memory_space<vmem>>, vector<1x16xi32>,
      %get3A_146 = vector.shape_cast %get3A_145 : vector<1x16xi32> to vector<16xi32>
      %mul3A_147 = arith.constant 200 : i32
      %mul3A_148 = arith.muli %scan3A_118, %mul3A_147 : i32
      %add3A_149 = arith.constant 32 : i32
      %add3A_150 = arith.addi %mul3A_148, %add3A_149 : i32
      %swap3A_151 = arith.index_cast %add3A_150 : i32 to index
      %swap3A_152 = tpu.vector_load %arg11[%swap3A_151] {strides = array<i32>} : memref<3200xi32, #tpu.memory_space<vmem>>, vector<16xi32>,
      %swap3A_153 = vector.shape_cast %swap3A_152 : vector<16xi32> to vector<16xi32>
      %swap3A_154 = vector.shape_cast %get3A_146 : vector<16xi32> to vector<16xi32>
      tpu.vector_store %arg11[%swap3A_151], %swap3A_154 {strides = array<i32>} : memref<3200xi32, #tpu.memory_space<vmem>>, vector<16xi32>,
      %get3A_155 = arith.index_cast %scan3A_118 : i32 to index
      %get3A_156 = arith.constant 48 : index
      %get3A_157 = tpu.vector_load %arg7[%get3A_155, %get3A_156] {strides = array<i32>} : memref<16x200xi32, #tpu.memory_space<vmem>>, vector<1x16xi32>,
      %get3A_158 = vector.shape_cast %get3A_157 : vector<1x16xi32> to vector<16xi32>
      %mul3A_159 = arith.constant 200 : i32
      %mul3A_160 = arith.muli %scan3A_118, %mul3A_159 : i32
      %add3A_161 = arith.constant 48 : i32
      %add3A_162 = arith.addi %mul3A_160, %add3A_161 : i32
      %swap3A_163 = arith.index_cast %add3A_162 : i32 to index
      %swap3A_164 = tpu.vector_load %arg11[%swap3A_163] {strides = array<i32>} : memref<3200xi32, #tpu.memory_space<vmem>>, vector<16xi32>,
      %swap3A_165 = vector.shape_cast %swap3A_164 : vector<16xi32> to vector<16xi32>
      %swap3A_166 = vector.shape_cast %get3A_158 : vector<16xi32> to vector<16xi32>
      tpu.vector_store %arg11[%swap3A_163], %swap3A_166 {strides = array<i32>} : memref<3200xi32, #tpu.memory_space<vmem>>, vector<16xi32>,
      %get3A_167 = arith.index_cast %scan3A_118 : i32 to index
      %get3A_168 = arith.constant 64 : index
      %get3A_169 = tpu.vector_load %arg7[%get3A_167, %get3A_168] {strides = array<i32>} : memref<16x200xi32, #tpu.memory_space<vmem>>, vector<1x16xi32>,
      %get3A_170 = vector.shape_cast %get3A_169 : vector<1x16xi32> to vector<16xi32>
      %mul3A_171 = arith.constant 200 : i32
      %mul3A_172 = arith.muli %scan3A_118, %mul3A_171 : i32
      %add3A_173 = arith.constant 64 : i32
      %add3A_174 = arith.addi %mul3A_172, %add3A_173 : i32
      %swap3A_175 = arith.index_cast %add3A_174 : i32 to index
      %swap3A_176 = tpu.vector_load %arg11[%swap3A_175] {strides = array<i32>} : memref<3200xi32, #tpu.memory_space<vmem>>, vector<16xi32>,
      %swap3A_177 = vector.shape_cast %swap3A_176 : vector<16xi32> to vector<16xi32>
      %swap3A_178 = vector.shape_cast %get3A_170 : vector<16xi32> to vector<16xi32>
      tpu.vector_store %arg11[%swap3A_175], %swap3A_178 {strides = array<i32>} : memref<3200xi32, #tpu.memory_space<vmem>>, vector<16xi32>,
      %get3A_179 = arith.index_cast %scan3A_118 : i32 to index
      %get3A_180 = arith.constant 80 : index
      %get3A_181 = tpu.vector_load %arg7[%get3A_179, %get3A_180] {strides = array<i32>} : memref<16x200xi32, #tpu.memory_space<vmem>>, vector<1x16xi32>,
      %get3A_182 = vector.shape_cast %get3A_181 : vector<1x16xi32> to vector<16xi32>
      %mul3A_183 = arith.constant 200 : i32
      %mul3A_184 = arith.muli %scan3A_118, %mul3A_183 : i32
      %add3A_185 = arith.constant 80 : i32
      %add3A_186 = arith.addi %mul3A_184, %add3A_185 : i32
      %swap3A_187 = arith.index_cast %add3A_186 : i32 to index
      %swap3A_188 = tpu.vector_load %arg11[%swap3A_187] {strides = array<i32>} : memref<3200xi32, #tpu.memory_space<vmem>>, vector<16xi32>,
      %swap3A_189 = vector.shape_cast %swap3A_188 : vector<16xi32> to vector<16xi32>
      %swap3A_190 = vector.shape_cast %get3A_182 : vector<16xi32> to vector<16xi32>
      tpu.vector_store %arg11[%swap3A_187], %swap3A_190 {strides = array<i32>} : memref<3200xi32, #tpu.memory_space<vmem>>, vector<16xi32>,
      %get3A_191 = arith.index_cast %scan3A_118 : i32 to index
      %get3A_192 = arith.constant 96 : index
      %get3A_193 = tpu.vector_load %arg7[%get3A_191, %get3A_192] {strides = array<i32>} : memref<16x200xi32, #tpu.memory_space<vmem>>, vector<1x16xi32>,
      %get3A_194 = vector.shape_cast %get3A_193 : vector<1x16xi32> to vector<16xi32>
      %mul3A_195 = arith.constant 200 : i32
      %mul3A_196 = arith.muli %scan3A_118, %mul3A_195 : i32
      %add3A_197 = arith.constant 96 : i32
      %add3A_198 = arith.addi %mul3A_196, %add3A_197 : i32
      %swap3A_199 = arith.index_cast %add3A_198 : i32 to index
      %swap3A_200 = tpu.vector_load %arg11[%swap3A_199] {strides = array<i32>} : memref<3200xi32, #tpu.memory_space<vmem>>, vector<16xi32>,
      %swap3A_201 = vector.shape_cast %swap3A_200 : vector<16xi32> to vector<16xi32>
      %swap3A_202 = vector.shape_cast %get3A_194 : vector<16xi32> to vector<16xi32>
      tpu.vector_store %arg11[%swap3A_199], %swap3A_202 {strides = array<i32>} : memref<3200xi32, #tpu.memory_space<vmem>>, vector<16xi32>,
      %get3A_203 = arith.index_cast %scan3A_118 : i32 to index
      %get3A_204 = arith.constant 112 : index
      %get3A_205 = tpu.vector_load %arg7[%get3A_203, %get3A_204] {strides = array<i32>} : memref<16x200xi32, #tpu.memory_space<vmem>>, vector<1x16xi32>,
      %get3A_206 = vector.shape_cast %get3A_205 : vector<1x16xi32> to vector<16xi32>
      %mul3A_207 = arith.constant 200 : i32
      %mul3A_208 = arith.muli %scan3A_118, %mul3A_207 : i32
      %add3A_209 = arith.constant 112 : i32
      %add3A_210 = arith.addi %mul3A_208, %add3A_209 : i32
      %swap3A_211 = arith.index_cast %add3A_210 : i32 to index
      %swap3A_212 = tpu.vector_load %arg11[%swap3A_211] {strides = array<i32>} : memref<3200xi32, #tpu.memory_space<vmem>>, vector<16xi32>,
      %swap3A_213 = vector.shape_cast %swap3A_212 : vector<16xi32> to vector<16xi32>
      %swap3A_214 = vector.shape_cast %get3A_206 : vector<16xi32> to vector<16xi32>
      tpu.vector_store %arg11[%swap3A_211], %swap3A_214 {strides = array<i32>} : memref<3200xi32, #tpu.memory_space<vmem>>, vector<16xi32>,
      %get3A_215 = arith.index_cast %scan3A_118 : i32 to index
      %get3A_216 = arith.constant 128 : index
      %get3A_217 = tpu.vector_load %arg7[%get3A_215, %get3A_216] {strides = array<i32>} : memref<16x200xi32, #tpu.memory_space<vmem>>, vector<1x16xi32>,
      %get3A_218 = vector.shape_cast %get3A_217 : vector<1x16xi32> to vector<16xi32>
      %mul3A_219 = arith.constant 200 : i32
      %mul3A_220 = arith.muli %scan3A_118, %mul3A_219 : i32
      %add3A_221 = arith.constant 128 : i32
      %add3A_222 = arith.addi %mul3A_220, %add3A_221 : i32
      %swap3A_223 = arith.index_cast %add3A_222 : i32 to index
      %swap3A_224 = tpu.vector_load %arg11[%swap3A_223] {strides = array<i32>} : memref<3200xi32, #tpu.memory_space<vmem>>, vector<16xi32>,
      %swap3A_225 = vector.shape_cast %swap3A_224 : vector<16xi32> to vector<16xi32>
      %swap3A_226 = vector.shape_cast %get3A_218 : vector<16xi32> to vector<16xi32>
      tpu.vector_store %arg11[%swap3A_223], %swap3A_226 {strides = array<i32>} : memref<3200xi32, #tpu.memory_space<vmem>>, vector<16xi32>,
      %get3A_227 = arith.index_cast %scan3A_118 : i32 to index
      %get3A_228 = arith.constant 144 : index
      %get3A_229 = tpu.vector_load %arg7[%get3A_227, %get3A_228] {strides = array<i32>} : memref<16x200xi32, #tpu.memory_space<vmem>>, vector<1x16xi32>,
      %get3A_230 = vector.shape_cast %get3A_229 : vector<1x16xi32> to vector<16xi32>
      %mul3A_231 = arith.constant 200 : i32
      %mul3A_232 = arith.muli %scan3A_118, %mul3A_231 : i32
      %add3A_233 = arith.constant 144 : i32
      %add3A_234 = arith.addi %mul3A_232, %add3A_233 : i32
      %swap3A_235 = arith.index_cast %add3A_234 : i32 to index
      %swap3A_236 = tpu.vector_load %arg11[%swap3A_235] {strides = array<i32>} : memref<3200xi32, #tpu.memory_space<vmem>>, vector<16xi32>,
      %swap3A_237 = vector.shape_cast %swap3A_236 : vector<16xi32> to vector<16xi32>
      %swap3A_238 = vector.shape_cast %get3A_230 : vector<16xi32> to vector<16xi32>
      tpu.vector_store %arg11[%swap3A_235], %swap3A_238 {strides = array<i32>} : memref<3200xi32, #tpu.memory_space<vmem>>, vector<16xi32>,
      %get3A_239 = arith.index_cast %scan3A_118 : i32 to index
      %get3A_240 = arith.constant 160 : index
      %get3A_241 = tpu.vector_load %arg7[%get3A_239, %get3A_240] {strides = array<i32>} : memref<16x200xi32, #tpu.memory_space<vmem>>, vector<1x16xi32>,
      %get3A_242 = vector.shape_cast %get3A_241 : vector<1x16xi32> to vector<16xi32>
      %mul3A_243 = arith.constant 200 : i32
      %mul3A_244 = arith.muli %scan3A_118, %mul3A_243 : i32
      %add3A_245 = arith.constant 160 : i32
      %add3A_246 = arith.addi %mul3A_244, %add3A_245 : i32
      %swap3A_247 = arith.index_cast %add3A_246 : i32 to index
      %swap3A_248 = tpu.vector_load %arg11[%swap3A_247] {strides = array<i32>} : memref<3200xi32, #tpu.memory_space<vmem>>, vector<16xi32>,
      %swap3A_249 = vector.shape_cast %swap3A_248 : vector<16xi32> to vector<16xi32>
      %swap3A_250 = vector.shape_cast %get3A_242 : vector<16xi32> to vector<16xi32>
      tpu.vector_store %arg11[%swap3A_247], %swap3A_250 {strides = array<i32>} : memref<3200xi32, #tpu.memory_space<vmem>>, vector<16xi32>,
      %get3A_251 = arith.index_cast %scan3A_118 : i32 to index
      %get3A_252 = arith.constant 176 : index
      %get3A_253 = tpu.vector_load %arg7[%get3A_251, %get3A_252] {strides = array<i32>} : memref<16x200xi32, #tpu.memory_space<vmem>>, vector<1x16xi32>,
      %get3A_254 = vector.shape_cast %get3A_253 : vector<1x16xi32> to vector<16xi32>
      %mul3A_255 = arith.constant 200 : i32
      %mul3A_256 = arith.muli %scan3A_118, %mul3A_255 : i32
      %add3A_257 = arith.constant 176 : i32
      %add3A_258 = arith.addi %mul3A_256, %add3A_257 : i32
      %swap3A_259 = arith.index_cast %add3A_258 : i32 to index
      %swap3A_260 = tpu.vector_load %arg11[%swap3A_259] {strides = array<i32>} : memref<3200xi32, #tpu.memory_space<vmem>>, vector<16xi32>,
      %swap3A_261 = vector.shape_cast %swap3A_260 : vector<16xi32> to vector<16xi32>
      %swap3A_262 = vector.shape_cast %get3A_254 : vector<16xi32> to vector<16xi32>
      tpu.vector_store %arg11[%swap3A_259], %swap3A_262 {strides = array<i32>} : memref<3200xi32, #tpu.memory_space<vmem>>, vector<16xi32>,
      %get3A_263 = arith.index_cast %scan3A_118 : i32 to index
      %get3A_264 = arith.constant 184 : index
      %get3A_265 = tpu.vector_load %arg7[%get3A_263, %get3A_264] {strides = array<i32>} : memref<16x200xi32, #tpu.memory_space<vmem>>, vector<1x16xi32>,
      %get3A_266 = vector.shape_cast %get3A_265 : vector<1x16xi32> to vector<16xi32>
      %mul3A_267 = arith.constant 200 : i32
      %mul3A_268 = arith.muli %scan3A_118, %mul3A_267 : i32
      %add3A_269 = arith.constant 184 : i32
      %add3A_270 = arith.addi %mul3A_268, %add3A_269 : i32
      %swap3A_271 = arith.index_cast %add3A_270 : i32 to index
      %swap3A_272 = tpu.vector_load %arg11[%swap3A_271] {strides = array<i32>} : memref<3200xi32, #tpu.memory_space<vmem>>, vector<16xi32>,
      %swap3A_273 = vector.shape_cast %swap3A_272 : vector<16xi32> to vector<16xi32>
      %swap3A_274 = vector.shape_cast %get3A_266 : vector<16xi32> to vector<16xi32>
      tpu.vector_store %arg11[%swap3A_271], %swap3A_274 {strides = array<i32>} : memref<3200xi32, #tpu.memory_space<vmem>>, vector<16xi32>,
      %scan3A_275 = arith.constant 0 : i32
      scf.yield %scan3A_275 : i32
    }
    %scan3A_78 = arith.constant 16 : i32
    %dma_start3A_79 = arith.constant 0 : i32
    %dma_start3A_80 = tpu.memref_slice %arg3[%dma_start3A_79] : memref<1000000xf32, #tpu.memory_space<hbm>> -> memref<1000000xf32, #tpu.memory_space<hbm>>
    tpu.enqueue_indirect_dma source(%dma_start3A_80 : memref<1000000xf32, #tpu.memory_space<hbm>>) target(%arg15 : memref<3200xf32, #tpu.memory_space<vmem>>) offsets(%arg11 : memref<3200xi32, #tpu.memory_space<vmem>>) semaphore(%arg20 : memref<!tpu.dma_semaphore, #tpu.memory_space<semaphore_mem>>)
    %add3A_81 = arith.constant 96 : i32
    %add3A_82 = arith.addi %mul3A_2, %add3A_81 : i32
    %dma_start3A_83 = arith.constant 0 : i32
    %dma_start3A_84 = tpu.memref_slice %arg2[%add3A_82, %dma_start3A_83] : memref<16384x200xi32, #tpu.memory_space<hbm>> -> memref<16x200xi32, #tpu.memory_space<hbm>>
    %dma_start3A_85 = arith.constant 0 : i32
    %dma_start3A_86 = tpu.memref_slice %arg2[%add3A_82, %dma_start3A_85] : memref<16384x200xi32, #tpu.memory_space<hbm>> -> memref<16x200xi32, #tpu.memory_space<hbm>>
    tpu.enqueue_dma source(%dma_start3A_86 : memref<16x200xi32, #tpu.memory_space<hbm>>) target(%arg7 : memref<16x200xi32, #tpu.memory_space<vmem>>) target_semaphore(%arg24 : memref<!tpu.dma_semaphore, #tpu.memory_space<semaphore_mem>>)
    %dma_wait3A_87 = arith.constant 0 : i32
    %dma_wait3A_88 = arith.constant 0 : i32
    %dma_wait3A_89 = tpu.memref_slice %arg2[%dma_wait3A_87, %dma_wait3A_88] : memref<16384x200xi32, #tpu.memory_space<hbm>> -> memref<16x200xi32, #tpu.memory_space<hbm>>
    %dma_wait3A_90 = arith.constant 0 : i32
    %dma_wait3A_91 = arith.constant 0 : i32
    %dma_wait3A_92 = tpu.memref_slice %arg2[%dma_wait3A_90, %dma_wait3A_91] : memref<16384x200xi32, #tpu.memory_space<hbm>> -> memref<16x200xi32, #tpu.memory_space<hbm>>
    tpu.wait_dma2 semaphore(%arg25 : memref<!tpu.dma_semaphore, #tpu.memory_space<semaphore_mem>>) src(%dma_wait3A_92 : memref<16x200xi32, #tpu.memory_space<hbm>>) dst(%arg8 : memref<16x200xi32, #tpu.memory_space<vmem>>)
    %scan3A_93 = arith.constant 0 : i32
    %scan3A_94 = arith.constant 0 : i32
    %scan3A_95 = arith.constant 16 : i32
    %scan3A_96 = arith.addi %scan3A_94, %scan3A_95 : i32
    %scan3A_97 = arith.constant 1 : i32
    %scan3A_98 = scf.for %scan3A_118 = %scan3A_94 to %scan3A_96 step %scan3A_97 iter_args(%scan3A_119 = %scan3A_93) -> (i32)  : i32 {
      %get3A = arith.index_cast %scan3A_118 : i32 to index
      %get3A_120 = arith.constant 0 : index
      %get3A_121 = tpu.vector_load %arg8[%get3A, %get3A_120] {strides = array<i32>} : memref<16x200xi32, #tpu.memory_space<vmem>>, vector<1x16xi32>,
      %get3A_122 = vector.shape_cast %get3A_121 : vector<1x16xi32> to vector<16xi32>
      %mul3A_123 = arith.constant 200 : i32
      %mul3A_124 = arith.muli %scan3A_118, %mul3A_123 : i32
      %add3A_125 = arith.constant 0 : i32
      %add3A_126 = arith.addi %mul3A_124, %add3A_125 : i32
      %swap3A_127 = arith.index_cast %add3A_126 : i32 to index
      %swap3A_128 = tpu.vector_load %arg12[%swap3A_127] {strides = array<i32>} : memref<3200xi32, #tpu.memory_space<vmem>>, vector<16xi32>,
      %swap3A_129 = vector.shape_cast %swap3A_128 : vector<16xi32> to vector<16xi32>
      %swap3A_130 = vector.shape_cast %get3A_122 : vector<16xi32> to vector<16xi32>
      tpu.vector_store %arg12[%swap3A_127], %swap3A_130 {strides = array<i32>} : memref<3200xi32, #tpu.memory_space<vmem>>, vector<16xi32>,
      %get3A_131 = arith.index_cast %scan3A_118 : i32 to index
      %get3A_132 = arith.constant 16 : index
      %get3A_133 = tpu.vector_load %arg8[%get3A_131, %get3A_132] {strides = array<i32>} : memref<16x200xi32, #tpu.memory_space<vmem>>, vector<1x16xi32>,
      %get3A_134 = vector.shape_cast %get3A_133 : vector<1x16xi32> to vector<16xi32>
      %mul3A_135 = arith.constant 200 : i32
      %mul3A_136 = arith.muli %scan3A_118, %mul3A_135 : i32
      %add3A_137 = arith.constant 16 : i32
      %add3A_138 = arith.addi %mul3A_136, %add3A_137 : i32
      %swap3A_139 = arith.index_cast %add3A_138 : i32 to index
      %swap3A_140 = tpu.vector_load %arg12[%swap3A_139] {strides = array<i32>} : memref<3200xi32, #tpu.memory_space<vmem>>, vector<16xi32>,
      %swap3A_141 = vector.shape_cast %swap3A_140 : vector<16xi32> to vector<16xi32>
      %swap3A_142 = vector.shape_cast %get3A_134 : vector<16xi32> to vector<16xi32>
      tpu.vector_store %arg12[%swap3A_139], %swap3A_142 {strides = array<i32>} : memref<3200xi32, #tpu.memory_space<vmem>>, vector<16xi32>,
      %get3A_143 = arith.index_cast %scan3A_118 : i32 to index
      %get3A_144 = arith.constant 32 : index
      %get3A_145 = tpu.vector_load %arg8[%get3A_143, %get3A_144] {strides = array<i32>} : memref<16x200xi32, #tpu.memory_space<vmem>>, vector<1x16xi32>,
      %get3A_146 = vector.shape_cast %get3A_145 : vector<1x16xi32> to vector<16xi32>
      %mul3A_147 = arith.constant 200 : i32
      %mul3A_148 = arith.muli %scan3A_118, %mul3A_147 : i32
      %add3A_149 = arith.constant 32 : i32
      %add3A_150 = arith.addi %mul3A_148, %add3A_149 : i32
      %swap3A_151 = arith.index_cast %add3A_150 : i32 to index
      %swap3A_152 = tpu.vector_load %arg12[%swap3A_151] {strides = array<i32>} : memref<3200xi32, #tpu.memory_space<vmem>>, vector<16xi32>,
      %swap3A_153 = vector.shape_cast %swap3A_152 : vector<16xi32> to vector<16xi32>
      %swap3A_154 = vector.shape_cast %get3A_146 : vector<16xi32> to vector<16xi32>
      tpu.vector_store %arg12[%swap3A_151], %swap3A_154 {strides = array<i32>} : memref<3200xi32, #tpu.memory_space<vmem>>, vector<16xi32>,
      %get3A_155 = arith.index_cast %scan3A_118 : i32 to index
      %get3A_156 = arith.constant 48 : index
      %get3A_157 = tpu.vector_load %arg8[%get3A_155, %get3A_156] {strides = array<i32>} : memref<16x200xi32, #tpu.memory_space<vmem>>, vector<1x16xi32>,
      %get3A_158 = vector.shape_cast %get3A_157 : vector<1x16xi32> to vector<16xi32>
      %mul3A_159 = arith.constant 200 : i32
      %mul3A_160 = arith.muli %scan3A_118, %mul3A_159 : i32
      %add3A_161 = arith.constant 48 : i32
      %add3A_162 = arith.addi %mul3A_160, %add3A_161 : i32
      %swap3A_163 = arith.index_cast %add3A_162 : i32 to index
      %swap3A_164 = tpu.vector_load %arg12[%swap3A_163] {strides = array<i32>} : memref<3200xi32, #tpu.memory_space<vmem>>, vector<16xi32>,
      %swap3A_165 = vector.shape_cast %swap3A_164 : vector<16xi32> to vector<16xi32>
      %swap3A_166 = vector.shape_cast %get3A_158 : vector<16xi32> to vector<16xi32>
      tpu.vector_store %arg12[%swap3A_163], %swap3A_166 {strides = array<i32>} : memref<3200xi32, #tpu.memory_space<vmem>>, vector<16xi32>,
      %get3A_167 = arith.index_cast %scan3A_118 : i32 to index
      %get3A_168 = arith.constant 64 : index
      %get3A_169 = tpu.vector_load %arg8[%get3A_167, %get3A_168] {strides = array<i32>} : memref<16x200xi32, #tpu.memory_space<vmem>>, vector<1x16xi32>,
      %get3A_170 = vector.shape_cast %get3A_169 : vector<1x16xi32> to vector<16xi32>
      %mul3A_171 = arith.constant 200 : i32
      %mul3A_172 = arith.muli %scan3A_118, %mul3A_171 : i32
      %add3A_173 = arith.constant 64 : i32
      %add3A_174 = arith.addi %mul3A_172, %add3A_173 : i32
      %swap3A_175 = arith.index_cast %add3A_174 : i32 to index
      %swap3A_176 = tpu.vector_load %arg12[%swap3A_175] {strides = array<i32>} : memref<3200xi32, #tpu.memory_space<vmem>>, vector<16xi32>,
      %swap3A_177 = vector.shape_cast %swap3A_176 : vector<16xi32> to vector<16xi32>
      %swap3A_178 = vector.shape_cast %get3A_170 : vector<16xi32> to vector<16xi32>
      tpu.vector_store %arg12[%swap3A_175], %swap3A_178 {strides = array<i32>} : memref<3200xi32, #tpu.memory_space<vmem>>, vector<16xi32>,
      %get3A_179 = arith.index_cast %scan3A_118 : i32 to index
      %get3A_180 = arith.constant 80 : index
      %get3A_181 = tpu.vector_load %arg8[%get3A_179, %get3A_180] {strides = array<i32>} : memref<16x200xi32, #tpu.memory_space<vmem>>, vector<1x16xi32>,
      %get3A_182 = vector.shape_cast %get3A_181 : vector<1x16xi32> to vector<16xi32>
      %mul3A_183 = arith.constant 200 : i32
      %mul3A_184 = arith.muli %scan3A_118, %mul3A_183 : i32
      %add3A_185 = arith.constant 80 : i32
      %add3A_186 = arith.addi %mul3A_184, %add3A_185 : i32
      %swap3A_187 = arith.index_cast %add3A_186 : i32 to index
      %swap3A_188 = tpu.vector_load %arg12[%swap3A_187] {strides = array<i32>} : memref<3200xi32, #tpu.memory_space<vmem>>, vector<16xi32>,
      %swap3A_189 = vector.shape_cast %swap3A_188 : vector<16xi32> to vector<16xi32>
      %swap3A_190 = vector.shape_cast %get3A_182 : vector<16xi32> to vector<16xi32>
      tpu.vector_store %arg12[%swap3A_187], %swap3A_190 {strides = array<i32>} : memref<3200xi32, #tpu.memory_space<vmem>>, vector<16xi32>,
      %get3A_191 = arith.index_cast %scan3A_118 : i32 to index
      %get3A_192 = arith.constant 96 : index
      %get3A_193 = tpu.vector_load %arg8[%get3A_191, %get3A_192] {strides = array<i32>} : memref<16x200xi32, #tpu.memory_space<vmem>>, vector<1x16xi32>,
      %get3A_194 = vector.shape_cast %get3A_193 : vector<1x16xi32> to vector<16xi32>
      %mul3A_195 = arith.constant 200 : i32
      %mul3A_196 = arith.muli %scan3A_118, %mul3A_195 : i32
      %add3A_197 = arith.constant 96 : i32
      %add3A_198 = arith.addi %mul3A_196, %add3A_197 : i32
      %swap3A_199 = arith.index_cast %add3A_198 : i32 to index
      %swap3A_200 = tpu.vector_load %arg12[%swap3A_199] {strides = array<i32>} : memref<3200xi32, #tpu.memory_space<vmem>>, vector<16xi32>,
      %swap3A_201 = vector.shape_cast %swap3A_200 : vector<16xi32> to vector<16xi32>
      %swap3A_202 = vector.shape_cast %get3A_194 : vector<16xi32> to vector<16xi32>
      tpu.vector_store %arg12[%swap3A_199], %swap3A_202 {strides = array<i32>} : memref<3200xi32, #tpu.memory_space<vmem>>, vector<16xi32>,
      %get3A_203 = arith.index_cast %scan3A_118 : i32 to index
      %get3A_204 = arith.constant 112 : index
      %get3A_205 = tpu.vector_load %arg8[%get3A_203, %get3A_204] {strides = array<i32>} : memref<16x200xi32, #tpu.memory_space<vmem>>, vector<1x16xi32>,
      %get3A_206 = vector.shape_cast %get3A_205 : vector<1x16xi32> to vector<16xi32>
      %mul3A_207 = arith.constant 200 : i32
      %mul3A_208 = arith.muli %scan3A_118, %mul3A_207 : i32
      %add3A_209 = arith.constant 112 : i32
      %add3A_210 = arith.addi %mul3A_208, %add3A_209 : i32
      %swap3A_211 = arith.index_cast %add3A_210 : i32 to index
      %swap3A_212 = tpu.vector_load %arg12[%swap3A_211] {strides = array<i32>} : memref<3200xi32, #tpu.memory_space<vmem>>, vector<16xi32>,
      %swap3A_213 = vector.shape_cast %swap3A_212 : vector<16xi32> to vector<16xi32>
      %swap3A_214 = vector.shape_cast %get3A_206 : vector<16xi32> to vector<16xi32>
      tpu.vector_store %arg12[%swap3A_211], %swap3A_214 {strides = array<i32>} : memref<3200xi32, #tpu.memory_space<vmem>>, vector<16xi32>,
      %get3A_215 = arith.index_cast %scan3A_118 : i32 to index
      %get3A_216 = arith.constant 128 : index
      %get3A_217 = tpu.vector_load %arg8[%get3A_215, %get3A_216] {strides = array<i32>} : memref<16x200xi32, #tpu.memory_space<vmem>>, vector<1x16xi32>,
      %get3A_218 = vector.shape_cast %get3A_217 : vector<1x16xi32> to vector<16xi32>
      %mul3A_219 = arith.constant 200 : i32
      %mul3A_220 = arith.muli %scan3A_118, %mul3A_219 : i32
      %add3A_221 = arith.constant 128 : i32
      %add3A_222 = arith.addi %mul3A_220, %add3A_221 : i32
      %swap3A_223 = arith.index_cast %add3A_222 : i32 to index
      %swap3A_224 = tpu.vector_load %arg12[%swap3A_223] {strides = array<i32>} : memref<3200xi32, #tpu.memory_space<vmem>>, vector<16xi32>,
      %swap3A_225 = vector.shape_cast %swap3A_224 : vector<16xi32> to vector<16xi32>
      %swap3A_226 = vector.shape_cast %get3A_218 : vector<16xi32> to vector<16xi32>
      tpu.vector_store %arg12[%swap3A_223], %swap3A_226 {strides = array<i32>} : memref<3200xi32, #tpu.memory_space<vmem>>, vector<16xi32>,
      %get3A_227 = arith.index_cast %scan3A_118 : i32 to index
      %get3A_228 = arith.constant 144 : index
      %get3A_229 = tpu.vector_load %arg8[%get3A_227, %get3A_228] {strides = array<i32>} : memref<16x200xi32, #tpu.memory_space<vmem>>, vector<1x16xi32>,
      %get3A_230 = vector.shape_cast %get3A_229 : vector<1x16xi32> to vector<16xi32>
      %mul3A_231 = arith.constant 200 : i32
      %mul3A_232 = arith.muli %scan3A_118, %mul3A_231 : i32
      %add3A_233 = arith.constant 144 : i32
      %add3A_234 = arith.addi %mul3A_232, %add3A_233 : i32
      %swap3A_235 = arith.index_cast %add3A_234 : i32 to index
      %swap3A_236 = tpu.vector_load %arg12[%swap3A_235] {strides = array<i32>} : memref<3200xi32, #tpu.memory_space<vmem>>, vector<16xi32>,
      %swap3A_237 = vector.shape_cast %swap3A_236 : vector<16xi32> to vector<16xi32>
      %swap3A_238 = vector.shape_cast %get3A_230 : vector<16xi32> to vector<16xi32>
      tpu.vector_store %arg12[%swap3A_235], %swap3A_238 {strides = array<i32>} : memref<3200xi32, #tpu.memory_space<vmem>>, vector<16xi32>,
      %get3A_239 = arith.index_cast %scan3A_118 : i32 to index
      %get3A_240 = arith.constant 160 : index
      %get3A_241 = tpu.vector_load %arg8[%get3A_239, %get3A_240] {strides = array<i32>} : memref<16x200xi32, #tpu.memory_space<vmem>>, vector<1x16xi32>,
      %get3A_242 = vector.shape_cast %get3A_241 : vector<1x16xi32> to vector<16xi32>
      %mul3A_243 = arith.constant 200 : i32
      %mul3A_244 = arith.muli %scan3A_118, %mul3A_243 : i32
      %add3A_245 = arith.constant 160 : i32
      %add3A_246 = arith.addi %mul3A_244, %add3A_245 : i32
      %swap3A_247 = arith.index_cast %add3A_246 : i32 to index
      %swap3A_248 = tpu.vector_load %arg12[%swap3A_247] {strides = array<i32>} : memref<3200xi32, #tpu.memory_space<vmem>>, vector<16xi32>,
      %swap3A_249 = vector.shape_cast %swap3A_248 : vector<16xi32> to vector<16xi32>
      %swap3A_250 = vector.shape_cast %get3A_242 : vector<16xi32> to vector<16xi32>
      tpu.vector_store %arg12[%swap3A_247], %swap3A_250 {strides = array<i32>} : memref<3200xi32, #tpu.memory_space<vmem>>, vector<16xi32>,
      %get3A_251 = arith.index_cast %scan3A_118 : i32 to index
      %get3A_252 = arith.constant 176 : index
      %get3A_253 = tpu.vector_load %arg8[%get3A_251, %get3A_252] {strides = array<i32>} : memref<16x200xi32, #tpu.memory_space<vmem>>, vector<1x16xi32>,
      %get3A_254 = vector.shape_cast %get3A_253 : vector<1x16xi32> to vector<16xi32>
      %mul3A_255 = arith.constant 200 : i32
      %mul3A_256 = arith.muli %scan3A_118, %mul3A_255 : i32
      %add3A_257 = arith.constant 176 : i32
      %add3A_258 = arith.addi %mul3A_256, %add3A_257 : i32
      %swap3A_259 = arith.index_cast %add3A_258 : i32 to index
      %swap3A_260 = tpu.vector_load %arg12[%swap3A_259] {strides = array<i32>} : memref<3200xi32, #tpu.memory_space<vmem>>, vector<16xi32>,
      %swap3A_261 = vector.shape_cast %swap3A_260 : vector<16xi32> to vector<16xi32>
      %swap3A_262 = vector.shape_cast %get3A_254 : vector<16xi32> to vector<16xi32>
      tpu.vector_store %arg12[%swap3A_259], %swap3A_262 {strides = array<i32>} : memref<3200xi32, #tpu.memory_space<vmem>>, vector<16xi32>,
      %get3A_263 = arith.index_cast %scan3A_118 : i32 to index
      %get3A_264 = arith.constant 184 : index
      %get3A_265 = tpu.vector_load %arg8[%get3A_263, %get3A_264] {strides = array<i32>} : memref<16x200xi32, #tpu.memory_space<vmem>>, vector<1x16xi32>,
      %get3A_266 = vector.shape_cast %get3A_265 : vector<1x16xi32> to vector<16xi32>
      %mul3A_267 = arith.constant 200 : i32
      %mul3A_268 = arith.muli %scan3A_118, %mul3A_267 : i32
      %add3A_269 = arith.constant 184 : i32
      %add3A_270 = arith.addi %mul3A_268, %add3A_269 : i32
      %swap3A_271 = arith.index_cast %add3A_270 : i32 to index
      %swap3A_272 = tpu.vector_load %arg12[%swap3A_271] {strides = array<i32>} : memref<3200xi32, #tpu.memory_space<vmem>>, vector<16xi32>,
      %swap3A_273 = vector.shape_cast %swap3A_272 : vector<16xi32> to vector<16xi32>
      %swap3A_274 = vector.shape_cast %get3A_266 : vector<16xi32> to vector<16xi32>
      tpu.vector_store %arg12[%swap3A_271], %swap3A_274 {strides = array<i32>} : memref<3200xi32, #tpu.memory_space<vmem>>, vector<16xi32>,
      %scan3A_275 = arith.constant 0 : i32
      scf.yield %scan3A_275 : i32
    }
    %scan3A_99 = arith.constant 16 : i32
    %dma_start3A_100 = arith.constant 0 : i32
    %dma_start3A_101 = tpu.memref_slice %arg3[%dma_start3A_100] : memref<1000000xf32, #tpu.memory_space<hbm>> -> memref<1000000xf32, #tpu.memory_space<hbm>>
    tpu.enqueue_indirect_dma source(%dma_start3A_101 : memref<1000000xf32, #tpu.memory_space<hbm>>) target(%arg16 : memref<3200xf32, #tpu.memory_space<vmem>>) offsets(%arg12 : memref<3200xi32, #tpu.memory_space<vmem>>) semaphore(%arg21 : memref<!tpu.dma_semaphore, #tpu.memory_space<semaphore_mem>>)
    %add3A_102 = arith.constant 112 : i32
    %add3A_103 = arith.addi %mul3A_2, %add3A_102 : i32
    %dma_start3A_104 = arith.constant 0 : i32
    %dma_start3A_105 = tpu.memref_slice %arg2[%add3A_103, %dma_start3A_104] : memref<16384x200xi32, #tpu.memory_space<hbm>> -> memref<16x200xi32, #tpu.memory_space<hbm>>
    %dma_start3A_106 = arith.constant 0 : i32
    %dma_start3A_107 = tpu.memref_slice %arg2[%add3A_103, %dma_start3A_106] : memref<16384x200xi32, #tpu.memory_space<hbm>> -> memref<16x200xi32, #tpu.memory_space<hbm>>
    tpu.enqueue_dma source(%dma_start3A_107 : memref<16x200xi32, #tpu.memory_space<hbm>>) target(%arg8 : memref<16x200xi32, #tpu.memory_space<vmem>>) target_semaphore(%arg25 : memref<!tpu.dma_semaphore, #tpu.memory_space<semaphore_mem>>)
    %broadcast_in_dim3A = arith.constant 0.000000e+00 : f32
    %broadcast_in_dim3A_108 = vector.broadcast %broadcast_in_dim3A : f32 to vector<16xf32>
    %scan3A_109 = arith.constant 0 : i32
    %scan3A_110 = arith.constant 8 : i32
    %scan3A_111 = arith.addi %scan3A_109, %scan3A_110 : i32
    %scan3A_112 = arith.constant 1 : i32
    %scan3A_113 = scf.for %scan3A_118 = %scan3A_109 to %scan3A_111 step %scan3A_112 iter_args(%scan3A_119 = %broadcast_in_dim3A_108) -> (vector<16xf32>)  : i32 {
      %mul3A_120 = arith.constant 4 : i32
      %mul3A_121 = arith.muli %scan3A_118, %mul3A_120 : i32
      %add3A_122 = arith.constant 0 : i32
      %add3A_123 = arith.addi %mul3A_121, %add3A_122 : i32
      %dma_wait3A_124 = arith.constant 0 : i32
      %dma_wait3A_125 = tpu.memref_slice %arg3[%dma_wait3A_124] : memref<1000000xf32, #tpu.memory_space<hbm>> -> memref<1000000xf32, #tpu.memory_space<hbm>>
      tpu.wait_indirect_dma semaphore(%arg18 : memref<!tpu.dma_semaphore, #tpu.memory_space<semaphore_mem>>) src(%dma_wait3A_125 : memref<1000000xf32, #tpu.memory_space<hbm>>) dst(%arg13 : memref<3200xf32, #tpu.memory_space<vmem>>)
      %scan3A_126 = arith.constant 0 : i32
      %scan3A_127 = arith.constant 100 : i32
      %scan3A_128 = arith.addi %scan3A_126, %scan3A_127 : i32
      %scan3A_129 = arith.constant 4 : i32
      %scan3A_130 = scf.for %scan3A_193 = %scan3A_126 to %scan3A_128 step %scan3A_129 iter_args(%scan3A_194 = %scan3A_119) -> (vector<16xf32>)  : i32 {
        %mul3A_195 = arith.constant 32 : i32
        %mul3A_196 = arith.muli %scan3A_193, %mul3A_195 : i32
        %get3A = arith.index_cast %mul3A_196 : i32 to index
        %get3A_197 = tpu.vector_load %arg13[%get3A] {strides = array<i32>} : memref<3200xf32, #tpu.memory_space<vmem>>, vector<16xf32>,
        %get3A_198 = vector.shape_cast %get3A_197 : vector<16xf32> to vector<16xf32>
        %mul3A_199 = arith.constant 32 : i32
        %mul3A_200 = arith.muli %scan3A_193, %mul3A_199 : i32
        %add3A_201 = arith.constant 16 : i32
        %add3A_202 = arith.addi %mul3A_200, %add3A_201 : i32
        %get3A_203 = arith.index_cast %add3A_202 : i32 to index
        %get3A_204 = tpu.vector_load %arg13[%get3A_203] {strides = array<i32>} : memref<3200xf32, #tpu.memory_space<vmem>>, vector<16xf32>,
        %get3A_205 = vector.shape_cast %get3A_204 : vector<16xf32> to vector<16xf32>
        %add3A_206 = arith.addf %get3A_198, %get3A_205 : vector<16xf32>
        %add3A_207 = arith.addf %scan3A_194, %add3A_206 : vector<16xf32>
        %scan3A_208 = arith.constant 1 : i32
        %scan3A_209 = arith.addi %scan3A_193, %scan3A_208 : i32
        %mul3A_210 = arith.constant 32 : i32
        %mul3A_211 = arith.muli %scan3A_209, %mul3A_210 : i32
        %get3A_212 = arith.index_cast %mul3A_211 : i32 to index
        %get3A_213 = tpu.vector_load %arg13[%get3A_212] {strides = array<i32>} : memref<3200xf32, #tpu.memory_space<vmem>>, vector<16xf32>,
        %get3A_214 = vector.shape_cast %get3A_213 : vector<16xf32> to vector<16xf32>
        %mul3A_215 = arith.constant 32 : i32
        %mul3A_216 = arith.muli %scan3A_209, %mul3A_215 : i32
        %add3A_217 = arith.constant 16 : i32
        %add3A_218 = arith.addi %mul3A_216, %add3A_217 : i32
        %get3A_219 = arith.index_cast %add3A_218 : i32 to index
        %get3A_220 = tpu.vector_load %arg13[%get3A_219] {strides = array<i32>} : memref<3200xf32, #tpu.memory_space<vmem>>, vector<16xf32>,
        %get3A_221 = vector.shape_cast %get3A_220 : vector<16xf32> to vector<16xf32>
        %add3A_222 = arith.addf %get3A_214, %get3A_221 : vector<16xf32>
        %add3A_223 = arith.addf %add3A_207, %add3A_222 : vector<16xf32>
        %scan3A_224 = arith.constant 2 : i32
        %scan3A_225 = arith.addi %scan3A_193, %scan3A_224 : i32
        %mul3A_226 = arith.constant 32 : i32
        %mul3A_227 = arith.muli %scan3A_225, %mul3A_226 : i32
        %get3A_228 = arith.index_cast %mul3A_227 : i32 to index
        %get3A_229 = tpu.vector_load %arg13[%get3A_228] {strides = array<i32>} : memref<3200xf32, #tpu.memory_space<vmem>>, vector<16xf32>,
        %get3A_230 = vector.shape_cast %get3A_229 : vector<16xf32> to vector<16xf32>
        %mul3A_231 = arith.constant 32 : i32
        %mul3A_232 = arith.muli %scan3A_225, %mul3A_231 : i32
        %add3A_233 = arith.constant 16 : i32
        %add3A_234 = arith.addi %mul3A_232, %add3A_233 : i32
        %get3A_235 = arith.index_cast %add3A_234 : i32 to index
        %get3A_236 = tpu.vector_load %arg13[%get3A_235] {strides = array<i32>} : memref<3200xf32, #tpu.memory_space<vmem>>, vector<16xf32>,
        %get3A_237 = vector.shape_cast %get3A_236 : vector<16xf32> to vector<16xf32>
        %add3A_238 = arith.addf %get3A_230, %get3A_237 : vector<16xf32>
        %add3A_239 = arith.addf %add3A_223, %add3A_238 : vector<16xf32>
        %scan3A_240 = arith.constant 3 : i32
        %scan3A_241 = arith.addi %scan3A_193, %scan3A_240 : i32
        %mul3A_242 = arith.constant 32 : i32
        %mul3A_243 = arith.muli %scan3A_241, %mul3A_242 : i32
        %get3A_244 = arith.index_cast %mul3A_243 : i32 to index
        %get3A_245 = tpu.vector_load %arg13[%get3A_244] {strides = array<i32>} : memref<3200xf32, #tpu.memory_space<vmem>>, vector<16xf32>,
        %get3A_246 = vector.shape_cast %get3A_245 : vector<16xf32> to vector<16xf32>
        %mul3A_247 = arith.constant 32 : i32
        %mul3A_248 = arith.muli %scan3A_241, %mul3A_247 : i32
        %add3A_249 = arith.constant 16 : i32
        %add3A_250 = arith.addi %mul3A_248, %add3A_249 : i32
        %get3A_251 = arith.index_cast %add3A_250 : i32 to index
        %get3A_252 = tpu.vector_load %arg13[%get3A_251] {strides = array<i32>} : memref<3200xf32, #tpu.memory_space<vmem>>, vector<16xf32>,
        %get3A_253 = vector.shape_cast %get3A_252 : vector<16xf32> to vector<16xf32>
        %add3A_254 = arith.addf %get3A_246, %get3A_253 : vector<16xf32>
        %add3A_255 = arith.addf %add3A_239, %add3A_254 : vector<16xf32>
        scf.yield %add3A_255 : vector<16xf32>
      }
      %scan3A_131 = arith.constant 100 : i32
      %add3A_132 = arith.constant 4 : i32
      %add3A_133 = arith.addi %add3A_123, %add3A_132 : i32
      %lt3A = arith.constant 32 : i32
      %lt3A_134 = arith.cmpi slt, %add3A_133, %lt3A : i32
      %convert_element_type3A = arith.extui %lt3A_134 : i1 to i32
      %cond3A = arith.constant 0 : i32
      %cond3A_135 = arith.cmpi ne, %convert_element_type3A, %cond3A : i32
      scf.if %cond3A_135 {
        %dma_wait3A_193 = arith.constant 0 : i32
        %dma_wait3A_194 = arith.constant 0 : i32
        %dma_wait3A_195 = tpu.memref_slice %arg2[%dma_wait3A_193, %dma_wait3A_194] : memref<16384x200xi32, #tpu.memory_space<hbm>> -> memref<16x200xi32, #tpu.memory_space<hbm>>
        %dma_wait3A_196 = arith.constant 0 : i32
        %dma_wait3A_197 = arith.constant 0 : i32
        %dma_wait3A_198 = tpu.memref_slice %arg2[%dma_wait3A_196, %dma_wait3A_197] : memref<16384x200xi32, #tpu.memory_space<hbm>> -> memref<16x200xi32, #tpu.memory_space<hbm>>
        tpu.wait_dma2 semaphore(%arg22 : memref<!tpu.dma_semaphore, #tpu.memory_space<semaphore_mem>>) src(%dma_wait3A_198 : memref<16x200xi32, #tpu.memory_space<hbm>>) dst(%arg5 : memref<16x200xi32, #tpu.memory_space<vmem>>)
        %scan3A_199 = arith.constant 0 : i32
        %scan3A_200 = arith.constant 0 : i32
        %scan3A_201 = arith.constant 16 : i32
        %scan3A_202 = arith.addi %scan3A_200, %scan3A_201 : i32
        %scan3A_203 = arith.constant 1 : i32
        %scan3A_204 = scf.for %scan3A_215 = %scan3A_200 to %scan3A_202 step %scan3A_203 iter_args(%scan3A_216 = %scan3A_199) -> (i32)  : i32 {
          %get3A = arith.index_cast %scan3A_215 : i32 to index
          %get3A_217 = arith.constant 0 : index
          %get3A_218 = tpu.vector_load %arg5[%get3A, %get3A_217] {strides = array<i32>} : memref<16x200xi32, #tpu.memory_space<vmem>>, vector<1x16xi32>,
          %get3A_219 = vector.shape_cast %get3A_218 : vector<1x16xi32> to vector<16xi32>
          %mul3A_220 = arith.constant 200 : i32
          %mul3A_221 = arith.muli %scan3A_215, %mul3A_220 : i32
          %add3A_222 = arith.constant 0 : i32
          %add3A_223 = arith.addi %mul3A_221, %add3A_222 : i32
          %swap3A_224 = arith.index_cast %add3A_223 : i32 to index
          %swap3A_225 = tpu.vector_load %arg9[%swap3A_224] {strides = array<i32>} : memref<3200xi32, #tpu.memory_space<vmem>>, vector<16xi32>,
          %swap3A_226 = vector.shape_cast %swap3A_225 : vector<16xi32> to vector<16xi32>
          %swap3A_227 = vector.shape_cast %get3A_219 : vector<16xi32> to vector<16xi32>
          tpu.vector_store %arg9[%swap3A_224], %swap3A_227 {strides = array<i32>} : memref<3200xi32, #tpu.memory_space<vmem>>, vector<16xi32>,
          %get3A_228 = arith.index_cast %scan3A_215 : i32 to index
          %get3A_229 = arith.constant 16 : index
          %get3A_230 = tpu.vector_load %arg5[%get3A_228, %get3A_229] {strides = array<i32>} : memref<16x200xi32, #tpu.memory_space<vmem>>, vector<1x16xi32>,
          %get3A_231 = vector.shape_cast %get3A_230 : vector<1x16xi32> to vector<16xi32>
          %mul3A_232 = arith.constant 200 : i32
          %mul3A_233 = arith.muli %scan3A_215, %mul3A_232 : i32
          %add3A_234 = arith.constant 16 : i32
          %add3A_235 = arith.addi %mul3A_233, %add3A_234 : i32
          %swap3A_236 = arith.index_cast %add3A_235 : i32 to index
          %swap3A_237 = tpu.vector_load %arg9[%swap3A_236] {strides = array<i32>} : memref<3200xi32, #tpu.memory_space<vmem>>, vector<16xi32>,
          %swap3A_238 = vector.shape_cast %swap3A_237 : vector<16xi32> to vector<16xi32>
          %swap3A_239 = vector.shape_cast %get3A_231 : vector<16xi32> to vector<16xi32>
          tpu.vector_store %arg9[%swap3A_236], %swap3A_239 {strides = array<i32>} : memref<3200xi32, #tpu.memory_space<vmem>>, vector<16xi32>,
          %get3A_240 = arith.index_cast %scan3A_215 : i32 to index
          %get3A_241 = arith.constant 32 : index
          %get3A_242 = tpu.vector_load %arg5[%get3A_240, %get3A_241] {strides = array<i32>} : memref<16x200xi32, #tpu.memory_space<vmem>>, vector<1x16xi32>,
          %get3A_243 = vector.shape_cast %get3A_242 : vector<1x16xi32> to vector<16xi32>
          %mul3A_244 = arith.constant 200 : i32
          %mul3A_245 = arith.muli %scan3A_215, %mul3A_244 : i32
          %add3A_246 = arith.constant 32 : i32
          %add3A_247 = arith.addi %mul3A_245, %add3A_246 : i32
          %swap3A_248 = arith.index_cast %add3A_247 : i32 to index
          %swap3A_249 = tpu.vector_load %arg9[%swap3A_248] {strides = array<i32>} : memref<3200xi32, #tpu.memory_space<vmem>>, vector<16xi32>,
          %swap3A_250 = vector.shape_cast %swap3A_249 : vector<16xi32> to vector<16xi32>
          %swap3A_251 = vector.shape_cast %get3A_243 : vector<16xi32> to vector<16xi32>
          tpu.vector_store %arg9[%swap3A_248], %swap3A_251 {strides = array<i32>} : memref<3200xi32, #tpu.memory_space<vmem>>, vector<16xi32>,
          %get3A_252 = arith.index_cast %scan3A_215 : i32 to index
          %get3A_253 = arith.constant 48 : index
          %get3A_254 = tpu.vector_load %arg5[%get3A_252, %get3A_253] {strides = array<i32>} : memref<16x200xi32, #tpu.memory_space<vmem>>, vector<1x16xi32>,
          %get3A_255 = vector.shape_cast %get3A_254 : vector<1x16xi32> to vector<16xi32>
          %mul3A_256 = arith.constant 200 : i32
          %mul3A_257 = arith.muli %scan3A_215, %mul3A_256 : i32
          %add3A_258 = arith.constant 48 : i32
          %add3A_259 = arith.addi %mul3A_257, %add3A_258 : i32
          %swap3A_260 = arith.index_cast %add3A_259 : i32 to index
          %swap3A_261 = tpu.vector_load %arg9[%swap3A_260] {strides = array<i32>} : memref<3200xi32, #tpu.memory_space<vmem>>, vector<16xi32>,
          %swap3A_262 = vector.shape_cast %swap3A_261 : vector<16xi32> to vector<16xi32>
          %swap3A_263 = vector.shape_cast %get3A_255 : vector<16xi32> to vector<16xi32>
          tpu.vector_store %arg9[%swap3A_260], %swap3A_263 {strides = array<i32>} : memref<3200xi32, #tpu.memory_space<vmem>>, vector<16xi32>,
          %get3A_264 = arith.index_cast %scan3A_215 : i32 to index
          %get3A_265 = arith.constant 64 : index
          %get3A_266 = tpu.vector_load %arg5[%get3A_264, %get3A_265] {strides = array<i32>} : memref<16x200xi32, #tpu.memory_space<vmem>>, vector<1x16xi32>,
          %get3A_267 = vector.shape_cast %get3A_266 : vector<1x16xi32> to vector<16xi32>
          %mul3A_268 = arith.constant 200 : i32
          %mul3A_269 = arith.muli %scan3A_215, %mul3A_268 : i32
          %add3A_270 = arith.constant 64 : i32
          %add3A_271 = arith.addi %mul3A_269, %add3A_270 : i32
          %swap3A_272 = arith.index_cast %add3A_271 : i32 to index
          %swap3A_273 = tpu.vector_load %arg9[%swap3A_272] {strides = array<i32>} : memref<3200xi32, #tpu.memory_space<vmem>>, vector<16xi32>,
          %swap3A_274 = vector.shape_cast %swap3A_273 : vector<16xi32> to vector<16xi32>
          %swap3A_275 = vector.shape_cast %get3A_267 : vector<16xi32> to vector<16xi32>
          tpu.vector_store %arg9[%swap3A_272], %swap3A_275 {strides = array<i32>} : memref<3200xi32, #tpu.memory_space<vmem>>, vector<16xi32>,
          %get3A_276 = arith.index_cast %scan3A_215 : i32 to index
          %get3A_277 = arith.constant 80 : index
          %get3A_278 = tpu.vector_load %arg5[%get3A_276, %get3A_277] {strides = array<i32>} : memref<16x200xi32, #tpu.memory_space<vmem>>, vector<1x16xi32>,
          %get3A_279 = vector.shape_cast %get3A_278 : vector<1x16xi32> to vector<16xi32>
          %mul3A_280 = arith.constant 200 : i32
          %mul3A_281 = arith.muli %scan3A_215, %mul3A_280 : i32
          %add3A_282 = arith.constant 80 : i32
          %add3A_283 = arith.addi %mul3A_281, %add3A_282 : i32
          %swap3A_284 = arith.index_cast %add3A_283 : i32 to index
          %swap3A_285 = tpu.vector_load %arg9[%swap3A_284] {strides = array<i32>} : memref<3200xi32, #tpu.memory_space<vmem>>, vector<16xi32>,
          %swap3A_286 = vector.shape_cast %swap3A_285 : vector<16xi32> to vector<16xi32>
          %swap3A_287 = vector.shape_cast %get3A_279 : vector<16xi32> to vector<16xi32>
          tpu.vector_store %arg9[%swap3A_284], %swap3A_287 {strides = array<i32>} : memref<3200xi32, #tpu.memory_space<vmem>>, vector<16xi32>,
          %get3A_288 = arith.index_cast %scan3A_215 : i32 to index
          %get3A_289 = arith.constant 96 : index
          %get3A_290 = tpu.vector_load %arg5[%get3A_288, %get3A_289] {strides = array<i32>} : memref<16x200xi32, #tpu.memory_space<vmem>>, vector<1x16xi32>,
          %get3A_291 = vector.shape_cast %get3A_290 : vector<1x16xi32> to vector<16xi32>
          %mul3A_292 = arith.constant 200 : i32
          %mul3A_293 = arith.muli %scan3A_215, %mul3A_292 : i32
          %add3A_294 = arith.constant 96 : i32
          %add3A_295 = arith.addi %mul3A_293, %add3A_294 : i32
          %swap3A_296 = arith.index_cast %add3A_295 : i32 to index
          %swap3A_297 = tpu.vector_load %arg9[%swap3A_296] {strides = array<i32>} : memref<3200xi32, #tpu.memory_space<vmem>>, vector<16xi32>,
          %swap3A_298 = vector.shape_cast %swap3A_297 : vector<16xi32> to vector<16xi32>
          %swap3A_299 = vector.shape_cast %get3A_291 : vector<16xi32> to vector<16xi32>
          tpu.vector_store %arg9[%swap3A_296], %swap3A_299 {strides = array<i32>} : memref<3200xi32, #tpu.memory_space<vmem>>, vector<16xi32>,
          %get3A_300 = arith.index_cast %scan3A_215 : i32 to index
          %get3A_301 = arith.constant 112 : index
          %get3A_302 = tpu.vector_load %arg5[%get3A_300, %get3A_301] {strides = array<i32>} : memref<16x200xi32, #tpu.memory_space<vmem>>, vector<1x16xi32>,
          %get3A_303 = vector.shape_cast %get3A_302 : vector<1x16xi32> to vector<16xi32>
          %mul3A_304 = arith.constant 200 : i32
          %mul3A_305 = arith.muli %scan3A_215, %mul3A_304 : i32
          %add3A_306 = arith.constant 112 : i32
          %add3A_307 = arith.addi %mul3A_305, %add3A_306 : i32
          %swap3A_308 = arith.index_cast %add3A_307 : i32 to index
          %swap3A_309 = tpu.vector_load %arg9[%swap3A_308] {strides = array<i32>} : memref<3200xi32, #tpu.memory_space<vmem>>, vector<16xi32>,
          %swap3A_310 = vector.shape_cast %swap3A_309 : vector<16xi32> to vector<16xi32>
          %swap3A_311 = vector.shape_cast %get3A_303 : vector<16xi32> to vector<16xi32>
          tpu.vector_store %arg9[%swap3A_308], %swap3A_311 {strides = array<i32>} : memref<3200xi32, #tpu.memory_space<vmem>>, vector<16xi32>,
          %get3A_312 = arith.index_cast %scan3A_215 : i32 to index
          %get3A_313 = arith.constant 128 : index
          %get3A_314 = tpu.vector_load %arg5[%get3A_312, %get3A_313] {strides = array<i32>} : memref<16x200xi32, #tpu.memory_space<vmem>>, vector<1x16xi32>,
          %get3A_315 = vector.shape_cast %get3A_314 : vector<1x16xi32> to vector<16xi32>
          %mul3A_316 = arith.constant 200 : i32
          %mul3A_317 = arith.muli %scan3A_215, %mul3A_316 : i32
          %add3A_318 = arith.constant 128 : i32
          %add3A_319 = arith.addi %mul3A_317, %add3A_318 : i32
          %swap3A_320 = arith.index_cast %add3A_319 : i32 to index
          %swap3A_321 = tpu.vector_load %arg9[%swap3A_320] {strides = array<i32>} : memref<3200xi32, #tpu.memory_space<vmem>>, vector<16xi32>,
          %swap3A_322 = vector.shape_cast %swap3A_321 : vector<16xi32> to vector<16xi32>
          %swap3A_323 = vector.shape_cast %get3A_315 : vector<16xi32> to vector<16xi32>
          tpu.vector_store %arg9[%swap3A_320], %swap3A_323 {strides = array<i32>} : memref<3200xi32, #tpu.memory_space<vmem>>, vector<16xi32>,
          %get3A_324 = arith.index_cast %scan3A_215 : i32 to index
          %get3A_325 = arith.constant 144 : index
          %get3A_326 = tpu.vector_load %arg5[%get3A_324, %get3A_325] {strides = array<i32>} : memref<16x200xi32, #tpu.memory_space<vmem>>, vector<1x16xi32>,
          %get3A_327 = vector.shape_cast %get3A_326 : vector<1x16xi32> to vector<16xi32>
          %mul3A_328 = arith.constant 200 : i32
          %mul3A_329 = arith.muli %scan3A_215, %mul3A_328 : i32
          %add3A_330 = arith.constant 144 : i32
          %add3A_331 = arith.addi %mul3A_329, %add3A_330 : i32
          %swap3A_332 = arith.index_cast %add3A_331 : i32 to index
          %swap3A_333 = tpu.vector_load %arg9[%swap3A_332] {strides = array<i32>} : memref<3200xi32, #tpu.memory_space<vmem>>, vector<16xi32>,
          %swap3A_334 = vector.shape_cast %swap3A_333 : vector<16xi32> to vector<16xi32>
          %swap3A_335 = vector.shape_cast %get3A_327 : vector<16xi32> to vector<16xi32>
          tpu.vector_store %arg9[%swap3A_332], %swap3A_335 {strides = array<i32>} : memref<3200xi32, #tpu.memory_space<vmem>>, vector<16xi32>,
          %get3A_336 = arith.index_cast %scan3A_215 : i32 to index
          %get3A_337 = arith.constant 160 : index
          %get3A_338 = tpu.vector_load %arg5[%get3A_336, %get3A_337] {strides = array<i32>} : memref<16x200xi32, #tpu.memory_space<vmem>>, vector<1x16xi32>,
          %get3A_339 = vector.shape_cast %get3A_338 : vector<1x16xi32> to vector<16xi32>
          %mul3A_340 = arith.constant 200 : i32
          %mul3A_341 = arith.muli %scan3A_215, %mul3A_340 : i32
          %add3A_342 = arith.constant 160 : i32
          %add3A_343 = arith.addi %mul3A_341, %add3A_342 : i32
          %swap3A_344 = arith.index_cast %add3A_343 : i32 to index
          %swap3A_345 = tpu.vector_load %arg9[%swap3A_344] {strides = array<i32>} : memref<3200xi32, #tpu.memory_space<vmem>>, vector<16xi32>,
          %swap3A_346 = vector.shape_cast %swap3A_345 : vector<16xi32> to vector<16xi32>
          %swap3A_347 = vector.shape_cast %get3A_339 : vector<16xi32> to vector<16xi32>
          tpu.vector_store %arg9[%swap3A_344], %swap3A_347 {strides = array<i32>} : memref<3200xi32, #tpu.memory_space<vmem>>, vector<16xi32>,
          %get3A_348 = arith.index_cast %scan3A_215 : i32 to index
          %get3A_349 = arith.constant 176 : index
          %get3A_350 = tpu.vector_load %arg5[%get3A_348, %get3A_349] {strides = array<i32>} : memref<16x200xi32, #tpu.memory_space<vmem>>, vector<1x16xi32>,
          %get3A_351 = vector.shape_cast %get3A_350 : vector<1x16xi32> to vector<16xi32>
          %mul3A_352 = arith.constant 200 : i32
          %mul3A_353 = arith.muli %scan3A_215, %mul3A_352 : i32
          %add3A_354 = arith.constant 176 : i32
          %add3A_355 = arith.addi %mul3A_353, %add3A_354 : i32
          %swap3A_356 = arith.index_cast %add3A_355 : i32 to index
          %swap3A_357 = tpu.vector_load %arg9[%swap3A_356] {strides = array<i32>} : memref<3200xi32, #tpu.memory_space<vmem>>, vector<16xi32>,
          %swap3A_358 = vector.shape_cast %swap3A_357 : vector<16xi32> to vector<16xi32>
          %swap3A_359 = vector.shape_cast %get3A_351 : vector<16xi32> to vector<16xi32>
          tpu.vector_store %arg9[%swap3A_356], %swap3A_359 {strides = array<i32>} : memref<3200xi32, #tpu.memory_space<vmem>>, vector<16xi32>,
          %get3A_360 = arith.index_cast %scan3A_215 : i32 to index
          %get3A_361 = arith.constant 184 : index
          %get3A_362 = tpu.vector_load %arg5[%get3A_360, %get3A_361] {strides = array<i32>} : memref<16x200xi32, #tpu.memory_space<vmem>>, vector<1x16xi32>,
          %get3A_363 = vector.shape_cast %get3A_362 : vector<1x16xi32> to vector<16xi32>
          %mul3A_364 = arith.constant 200 : i32
          %mul3A_365 = arith.muli %scan3A_215, %mul3A_364 : i32
          %add3A_366 = arith.constant 184 : i32
          %add3A_367 = arith.addi %mul3A_365, %add3A_366 : i32
          %swap3A_368 = arith.index_cast %add3A_367 : i32 to index
          %swap3A_369 = tpu.vector_load %arg9[%swap3A_368] {strides = array<i32>} : memref<3200xi32, #tpu.memory_space<vmem>>, vector<16xi32>,
          %swap3A_370 = vector.shape_cast %swap3A_369 : vector<16xi32> to vector<16xi32>
          %swap3A_371 = vector.shape_cast %get3A_363 : vector<16xi32> to vector<16xi32>
          tpu.vector_store %arg9[%swap3A_368], %swap3A_371 {strides = array<i32>} : memref<3200xi32, #tpu.memory_space<vmem>>, vector<16xi32>,
          %scan3A_372 = arith.constant 0 : i32
          scf.yield %scan3A_372 : i32
        }
        %scan3A_205 = arith.constant 16 : i32
        %dma_start3A_206 = arith.constant 0 : i32
        %dma_start3A_207 = tpu.memref_slice %arg3[%dma_start3A_206] : memref<1000000xf32, #tpu.memory_space<hbm>> -> memref<1000000xf32, #tpu.memory_space<hbm>>
        tpu.enqueue_indirect_dma source(%dma_start3A_207 : memref<1000000xf32, #tpu.memory_space<hbm>>) target(%arg13 : memref<3200xf32, #tpu.memory_space<vmem>>) offsets(%arg9 : memref<3200xi32, #tpu.memory_space<vmem>>) semaphore(%arg18 : memref<!tpu.dma_semaphore, #tpu.memory_space<semaphore_mem>>)
        %add3A_208 = arith.constant 4 : i32
        %add3A_209 = arith.addi %add3A_133, %add3A_208 : i32
        %lt3A_210 = arith.constant 32 : i32
        %lt3A_211 = arith.cmpi slt, %add3A_209, %lt3A_210 : i32
        %convert_element_type3A_212 = arith.extui %lt3A_211 : i1 to i32
        %cond3A_213 = arith.constant 0 : i32
        %cond3A_214 = arith.cmpi ne, %convert_element_type3A_212, %cond3A_213 : i32
        scf.if %cond3A_214 {
          %add3A_215 = arith.constant 4 : i32
          %add3A_216 = arith.addi %add3A_133, %add3A_215 : i32
          %mul3A_217 = arith.constant 16 : i32
          %mul3A_218 = arith.muli %add3A_216, %mul3A_217 : i32
          %add3A_219 = arith.addi %mul3A_2, %mul3A_218 : i32
          %dma_start3A_220 = arith.constant 0 : i32
          %dma_start3A_221 = tpu.memref_slice %arg2[%add3A_219, %dma_start3A_220] : memref<16384x200xi32, #tpu.memory_space<hbm>> -> memref<16x200xi32, #tpu.memory_space<hbm>>
          %dma_start3A_222 = arith.constant 0 : i32
          %dma_start3A_223 = tpu.memref_slice %arg2[%add3A_219, %dma_start3A_222] : memref<16384x200xi32, #tpu.memory_space<hbm>> -> memref<16x200xi32, #tpu.memory_space<hbm>>
          tpu.enqueue_dma source(%dma_start3A_223 : memref<16x200xi32, #tpu.memory_space<hbm>>) target(%arg5 : memref<16x200xi32, #tpu.memory_space<vmem>>) target_semaphore(%arg22 : memref<!tpu.dma_semaphore, #tpu.memory_space<semaphore_mem>>)
        } else {
        }
      } else {
      }
      %mul3A_136 = arith.constant 4 : i32
      %mul3A_137 = arith.muli %scan3A_118, %mul3A_136 : i32
      %add3A_138 = arith.constant 1 : i32
      %add3A_139 = arith.addi %mul3A_137, %add3A_138 : i32
      %dma_wait3A_140 = arith.constant 0 : i32
      %dma_wait3A_141 = tpu.memref_slice %arg3[%dma_wait3A_140] : memref<1000000xf32, #tpu.memory_space<hbm>> -> memref<1000000xf32, #tpu.memory_space<hbm>>
      tpu.wait_indirect_dma semaphore(%arg19 : memref<!tpu.dma_semaphore, #tpu.memory_space<semaphore_mem>>) src(%dma_wait3A_141 : memref<1000000xf32, #tpu.memory_space<hbm>>) dst(%arg14 : memref<3200xf32, #tpu.memory_space<vmem>>)
      %scan3A_142 = arith.constant 0 : i32
      %scan3A_143 = arith.constant 100 : i32
      %scan3A_144 = arith.addi %scan3A_142, %scan3A_143 : i32
      %scan3A_145 = arith.constant 4 : i32
      %scan3A_146 = scf.for %scan3A_193 = %scan3A_142 to %scan3A_144 step %scan3A_145 iter_args(%scan3A_194 = %scan3A_130) -> (vector<16xf32>)  : i32 {
        %mul3A_195 = arith.constant 32 : i32
        %mul3A_196 = arith.muli %scan3A_193, %mul3A_195 : i32
        %get3A = arith.index_cast %mul3A_196 : i32 to index
        %get3A_197 = tpu.vector_load %arg14[%get3A] {strides = array<i32>} : memref<3200xf32, #tpu.memory_space<vmem>>, vector<16xf32>,
        %get3A_198 = vector.shape_cast %get3A_197 : vector<16xf32> to vector<16xf32>
        %mul3A_199 = arith.constant 32 : i32
        %mul3A_200 = arith.muli %scan3A_193, %mul3A_199 : i32
        %add3A_201 = arith.constant 16 : i32
        %add3A_202 = arith.addi %mul3A_200, %add3A_201 : i32
        %get3A_203 = arith.index_cast %add3A_202 : i32 to index
        %get3A_204 = tpu.vector_load %arg14[%get3A_203] {strides = array<i32>} : memref<3200xf32, #tpu.memory_space<vmem>>, vector<16xf32>,
        %get3A_205 = vector.shape_cast %get3A_204 : vector<16xf32> to vector<16xf32>
        %add3A_206 = arith.addf %get3A_198, %get3A_205 : vector<16xf32>
        %add3A_207 = arith.addf %scan3A_194, %add3A_206 : vector<16xf32>
        %scan3A_208 = arith.constant 1 : i32
        %scan3A_209 = arith.addi %scan3A_193, %scan3A_208 : i32
        %mul3A_210 = arith.constant 32 : i32
        %mul3A_211 = arith.muli %scan3A_209, %mul3A_210 : i32
        %get3A_212 = arith.index_cast %mul3A_211 : i32 to index
        %get3A_213 = tpu.vector_load %arg14[%get3A_212] {strides = array<i32>} : memref<3200xf32, #tpu.memory_space<vmem>>, vector<16xf32>,
        %get3A_214 = vector.shape_cast %get3A_213 : vector<16xf32> to vector<16xf32>
        %mul3A_215 = arith.constant 32 : i32
        %mul3A_216 = arith.muli %scan3A_209, %mul3A_215 : i32
        %add3A_217 = arith.constant 16 : i32
        %add3A_218 = arith.addi %mul3A_216, %add3A_217 : i32
        %get3A_219 = arith.index_cast %add3A_218 : i32 to index
        %get3A_220 = tpu.vector_load %arg14[%get3A_219] {strides = array<i32>} : memref<3200xf32, #tpu.memory_space<vmem>>, vector<16xf32>,
        %get3A_221 = vector.shape_cast %get3A_220 : vector<16xf32> to vector<16xf32>
        %add3A_222 = arith.addf %get3A_214, %get3A_221 : vector<16xf32>
        %add3A_223 = arith.addf %add3A_207, %add3A_222 : vector<16xf32>
        %scan3A_224 = arith.constant 2 : i32
        %scan3A_225 = arith.addi %scan3A_193, %scan3A_224 : i32
        %mul3A_226 = arith.constant 32 : i32
        %mul3A_227 = arith.muli %scan3A_225, %mul3A_226 : i32
        %get3A_228 = arith.index_cast %mul3A_227 : i32 to index
        %get3A_229 = tpu.vector_load %arg14[%get3A_228] {strides = array<i32>} : memref<3200xf32, #tpu.memory_space<vmem>>, vector<16xf32>,
        %get3A_230 = vector.shape_cast %get3A_229 : vector<16xf32> to vector<16xf32>
        %mul3A_231 = arith.constant 32 : i32
        %mul3A_232 = arith.muli %scan3A_225, %mul3A_231 : i32
        %add3A_233 = arith.constant 16 : i32
        %add3A_234 = arith.addi %mul3A_232, %add3A_233 : i32
        %get3A_235 = arith.index_cast %add3A_234 : i32 to index
        %get3A_236 = tpu.vector_load %arg14[%get3A_235] {strides = array<i32>} : memref<3200xf32, #tpu.memory_space<vmem>>, vector<16xf32>,
        %get3A_237 = vector.shape_cast %get3A_236 : vector<16xf32> to vector<16xf32>
        %add3A_238 = arith.addf %get3A_230, %get3A_237 : vector<16xf32>
        %add3A_239 = arith.addf %add3A_223, %add3A_238 : vector<16xf32>
        %scan3A_240 = arith.constant 3 : i32
        %scan3A_241 = arith.addi %scan3A_193, %scan3A_240 : i32
        %mul3A_242 = arith.constant 32 : i32
        %mul3A_243 = arith.muli %scan3A_241, %mul3A_242 : i32
        %get3A_244 = arith.index_cast %mul3A_243 : i32 to index
        %get3A_245 = tpu.vector_load %arg14[%get3A_244] {strides = array<i32>} : memref<3200xf32, #tpu.memory_space<vmem>>, vector<16xf32>,
        %get3A_246 = vector.shape_cast %get3A_245 : vector<16xf32> to vector<16xf32>
        %mul3A_247 = arith.constant 32 : i32
        %mul3A_248 = arith.muli %scan3A_241, %mul3A_247 : i32
        %add3A_249 = arith.constant 16 : i32
        %add3A_250 = arith.addi %mul3A_248, %add3A_249 : i32
        %get3A_251 = arith.index_cast %add3A_250 : i32 to index
        %get3A_252 = tpu.vector_load %arg14[%get3A_251] {strides = array<i32>} : memref<3200xf32, #tpu.memory_space<vmem>>, vector<16xf32>,
        %get3A_253 = vector.shape_cast %get3A_252 : vector<16xf32> to vector<16xf32>
        %add3A_254 = arith.addf %get3A_246, %get3A_253 : vector<16xf32>
        %add3A_255 = arith.addf %add3A_239, %add3A_254 : vector<16xf32>
        scf.yield %add3A_255 : vector<16xf32>
      }
      %scan3A_147 = arith.constant 100 : i32
      %add3A_148 = arith.constant 4 : i32
      %add3A_149 = arith.addi %add3A_139, %add3A_148 : i32
      %lt3A_150 = arith.constant 32 : i32
      %lt3A_151 = arith.cmpi slt, %add3A_149, %lt3A_150 : i32
      %convert_element_type3A_152 = arith.extui %lt3A_151 : i1 to i32
      %cond3A_153 = arith.constant 0 : i32
      %cond3A_154 = arith.cmpi ne, %convert_element_type3A_152, %cond3A_153 : i32
      scf.if %cond3A_154 {
        %dma_wait3A_193 = arith.constant 0 : i32
        %dma_wait3A_194 = arith.constant 0 : i32
        %dma_wait3A_195 = tpu.memref_slice %arg2[%dma_wait3A_193, %dma_wait3A_194] : memref<16384x200xi32, #tpu.memory_space<hbm>> -> memref<16x200xi32, #tpu.memory_space<hbm>>
        %dma_wait3A_196 = arith.constant 0 : i32
        %dma_wait3A_197 = arith.constant 0 : i32
        %dma_wait3A_198 = tpu.memref_slice %arg2[%dma_wait3A_196, %dma_wait3A_197] : memref<16384x200xi32, #tpu.memory_space<hbm>> -> memref<16x200xi32, #tpu.memory_space<hbm>>
        tpu.wait_dma2 semaphore(%arg23 : memref<!tpu.dma_semaphore, #tpu.memory_space<semaphore_mem>>) src(%dma_wait3A_198 : memref<16x200xi32, #tpu.memory_space<hbm>>) dst(%arg6 : memref<16x200xi32, #tpu.memory_space<vmem>>)
        %scan3A_199 = arith.constant 0 : i32
        %scan3A_200 = arith.constant 0 : i32
        %scan3A_201 = arith.constant 16 : i32
        %scan3A_202 = arith.addi %scan3A_200, %scan3A_201 : i32
        %scan3A_203 = arith.constant 1 : i32
        %scan3A_204 = scf.for %scan3A_215 = %scan3A_200 to %scan3A_202 step %scan3A_203 iter_args(%scan3A_216 = %scan3A_199) -> (i32)  : i32 {
          %get3A = arith.index_cast %scan3A_215 : i32 to index
          %get3A_217 = arith.constant 0 : index
          %get3A_218 = tpu.vector_load %arg6[%get3A, %get3A_217] {strides = array<i32>} : memref<16x200xi32, #tpu.memory_space<vmem>>, vector<1x16xi32>,
          %get3A_219 = vector.shape_cast %get3A_218 : vector<1x16xi32> to vector<16xi32>
          %mul3A_220 = arith.constant 200 : i32
          %mul3A_221 = arith.muli %scan3A_215, %mul3A_220 : i32
          %add3A_222 = arith.constant 0 : i32
          %add3A_223 = arith.addi %mul3A_221, %add3A_222 : i32
          %swap3A_224 = arith.index_cast %add3A_223 : i32 to index
          %swap3A_225 = tpu.vector_load %arg10[%swap3A_224] {strides = array<i32>} : memref<3200xi32, #tpu.memory_space<vmem>>, vector<16xi32>,
          %swap3A_226 = vector.shape_cast %swap3A_225 : vector<16xi32> to vector<16xi32>
          %swap3A_227 = vector.shape_cast %get3A_219 : vector<16xi32> to vector<16xi32>
          tpu.vector_store %arg10[%swap3A_224], %swap3A_227 {strides = array<i32>} : memref<3200xi32, #tpu.memory_space<vmem>>, vector<16xi32>,
          %get3A_228 = arith.index_cast %scan3A_215 : i32 to index
          %get3A_229 = arith.constant 16 : index
          %get3A_230 = tpu.vector_load %arg6[%get3A_228, %get3A_229] {strides = array<i32>} : memref<16x200xi32, #tpu.memory_space<vmem>>, vector<1x16xi32>,
          %get3A_231 = vector.shape_cast %get3A_230 : vector<1x16xi32> to vector<16xi32>
          %mul3A_232 = arith.constant 200 : i32
          %mul3A_233 = arith.muli %scan3A_215, %mul3A_232 : i32
          %add3A_234 = arith.constant 16 : i32
          %add3A_235 = arith.addi %mul3A_233, %add3A_234 : i32
          %swap3A_236 = arith.index_cast %add3A_235 : i32 to index
          %swap3A_237 = tpu.vector_load %arg10[%swap3A_236] {strides = array<i32>} : memref<3200xi32, #tpu.memory_space<vmem>>, vector<16xi32>,
          %swap3A_238 = vector.shape_cast %swap3A_237 : vector<16xi32> to vector<16xi32>
          %swap3A_239 = vector.shape_cast %get3A_231 : vector<16xi32> to vector<16xi32>
          tpu.vector_store %arg10[%swap3A_236], %swap3A_239 {strides = array<i32>} : memref<3200xi32, #tpu.memory_space<vmem>>, vector<16xi32>,
          %get3A_240 = arith.index_cast %scan3A_215 : i32 to index
          %get3A_241 = arith.constant 32 : index
          %get3A_242 = tpu.vector_load %arg6[%get3A_240, %get3A_241] {strides = array<i32>} : memref<16x200xi32, #tpu.memory_space<vmem>>, vector<1x16xi32>,
          %get3A_243 = vector.shape_cast %get3A_242 : vector<1x16xi32> to vector<16xi32>
          %mul3A_244 = arith.constant 200 : i32
          %mul3A_245 = arith.muli %scan3A_215, %mul3A_244 : i32
          %add3A_246 = arith.constant 32 : i32
          %add3A_247 = arith.addi %mul3A_245, %add3A_246 : i32
          %swap3A_248 = arith.index_cast %add3A_247 : i32 to index
          %swap3A_249 = tpu.vector_load %arg10[%swap3A_248] {strides = array<i32>} : memref<3200xi32, #tpu.memory_space<vmem>>, vector<16xi32>,
          %swap3A_250 = vector.shape_cast %swap3A_249 : vector<16xi32> to vector<16xi32>
          %swap3A_251 = vector.shape_cast %get3A_243 : vector<16xi32> to vector<16xi32>
          tpu.vector_store %arg10[%swap3A_248], %swap3A_251 {strides = array<i32>} : memref<3200xi32, #tpu.memory_space<vmem>>, vector<16xi32>,
          %get3A_252 = arith.index_cast %scan3A_215 : i32 to index
          %get3A_253 = arith.constant 48 : index
          %get3A_254 = tpu.vector_load %arg6[%get3A_252, %get3A_253] {strides = array<i32>} : memref<16x200xi32, #tpu.memory_space<vmem>>, vector<1x16xi32>,
          %get3A_255 = vector.shape_cast %get3A_254 : vector<1x16xi32> to vector<16xi32>
          %mul3A_256 = arith.constant 200 : i32
          %mul3A_257 = arith.muli %scan3A_215, %mul3A_256 : i32
          %add3A_258 = arith.constant 48 : i32
          %add3A_259 = arith.addi %mul3A_257, %add3A_258 : i32
          %swap3A_260 = arith.index_cast %add3A_259 : i32 to index
          %swap3A_261 = tpu.vector_load %arg10[%swap3A_260] {strides = array<i32>} : memref<3200xi32, #tpu.memory_space<vmem>>, vector<16xi32>,
          %swap3A_262 = vector.shape_cast %swap3A_261 : vector<16xi32> to vector<16xi32>
          %swap3A_263 = vector.shape_cast %get3A_255 : vector<16xi32> to vector<16xi32>
          tpu.vector_store %arg10[%swap3A_260], %swap3A_263 {strides = array<i32>} : memref<3200xi32, #tpu.memory_space<vmem>>, vector<16xi32>,
          %get3A_264 = arith.index_cast %scan3A_215 : i32 to index
          %get3A_265 = arith.constant 64 : index
          %get3A_266 = tpu.vector_load %arg6[%get3A_264, %get3A_265] {strides = array<i32>} : memref<16x200xi32, #tpu.memory_space<vmem>>, vector<1x16xi32>,
          %get3A_267 = vector.shape_cast %get3A_266 : vector<1x16xi32> to vector<16xi32>
          %mul3A_268 = arith.constant 200 : i32
          %mul3A_269 = arith.muli %scan3A_215, %mul3A_268 : i32
          %add3A_270 = arith.constant 64 : i32
          %add3A_271 = arith.addi %mul3A_269, %add3A_270 : i32
          %swap3A_272 = arith.index_cast %add3A_271 : i32 to index
          %swap3A_273 = tpu.vector_load %arg10[%swap3A_272] {strides = array<i32>} : memref<3200xi32, #tpu.memory_space<vmem>>, vector<16xi32>,
          %swap3A_274 = vector.shape_cast %swap3A_273 : vector<16xi32> to vector<16xi32>
          %swap3A_275 = vector.shape_cast %get3A_267 : vector<16xi32> to vector<16xi32>
          tpu.vector_store %arg10[%swap3A_272], %swap3A_275 {strides = array<i32>} : memref<3200xi32, #tpu.memory_space<vmem>>, vector<16xi32>,
          %get3A_276 = arith.index_cast %scan3A_215 : i32 to index
          %get3A_277 = arith.constant 80 : index
          %get3A_278 = tpu.vector_load %arg6[%get3A_276, %get3A_277] {strides = array<i32>} : memref<16x200xi32, #tpu.memory_space<vmem>>, vector<1x16xi32>,
          %get3A_279 = vector.shape_cast %get3A_278 : vector<1x16xi32> to vector<16xi32>
          %mul3A_280 = arith.constant 200 : i32
          %mul3A_281 = arith.muli %scan3A_215, %mul3A_280 : i32
          %add3A_282 = arith.constant 80 : i32
          %add3A_283 = arith.addi %mul3A_281, %add3A_282 : i32
          %swap3A_284 = arith.index_cast %add3A_283 : i32 to index
          %swap3A_285 = tpu.vector_load %arg10[%swap3A_284] {strides = array<i32>} : memref<3200xi32, #tpu.memory_space<vmem>>, vector<16xi32>,
          %swap3A_286 = vector.shape_cast %swap3A_285 : vector<16xi32> to vector<16xi32>
          %swap3A_287 = vector.shape_cast %get3A_279 : vector<16xi32> to vector<16xi32>
          tpu.vector_store %arg10[%swap3A_284], %swap3A_287 {strides = array<i32>} : memref<3200xi32, #tpu.memory_space<vmem>>, vector<16xi32>,
          %get3A_288 = arith.index_cast %scan3A_215 : i32 to index
          %get3A_289 = arith.constant 96 : index
          %get3A_290 = tpu.vector_load %arg6[%get3A_288, %get3A_289] {strides = array<i32>} : memref<16x200xi32, #tpu.memory_space<vmem>>, vector<1x16xi32>,
          %get3A_291 = vector.shape_cast %get3A_290 : vector<1x16xi32> to vector<16xi32>
          %mul3A_292 = arith.constant 200 : i32
          %mul3A_293 = arith.muli %scan3A_215, %mul3A_292 : i32
          %add3A_294 = arith.constant 96 : i32
          %add3A_295 = arith.addi %mul3A_293, %add3A_294 : i32
          %swap3A_296 = arith.index_cast %add3A_295 : i32 to index
          %swap3A_297 = tpu.vector_load %arg10[%swap3A_296] {strides = array<i32>} : memref<3200xi32, #tpu.memory_space<vmem>>, vector<16xi32>,
          %swap3A_298 = vector.shape_cast %swap3A_297 : vector<16xi32> to vector<16xi32>
          %swap3A_299 = vector.shape_cast %get3A_291 : vector<16xi32> to vector<16xi32>
          tpu.vector_store %arg10[%swap3A_296], %swap3A_299 {strides = array<i32>} : memref<3200xi32, #tpu.memory_space<vmem>>, vector<16xi32>,
          %get3A_300 = arith.index_cast %scan3A_215 : i32 to index
          %get3A_301 = arith.constant 112 : index
          %get3A_302 = tpu.vector_load %arg6[%get3A_300, %get3A_301] {strides = array<i32>} : memref<16x200xi32, #tpu.memory_space<vmem>>, vector<1x16xi32>,
          %get3A_303 = vector.shape_cast %get3A_302 : vector<1x16xi32> to vector<16xi32>
          %mul3A_304 = arith.constant 200 : i32
          %mul3A_305 = arith.muli %scan3A_215, %mul3A_304 : i32
          %add3A_306 = arith.constant 112 : i32
          %add3A_307 = arith.addi %mul3A_305, %add3A_306 : i32
          %swap3A_308 = arith.index_cast %add3A_307 : i32 to index
          %swap3A_309 = tpu.vector_load %arg10[%swap3A_308] {strides = array<i32>} : memref<3200xi32, #tpu.memory_space<vmem>>, vector<16xi32>,
          %swap3A_310 = vector.shape_cast %swap3A_309 : vector<16xi32> to vector<16xi32>
          %swap3A_311 = vector.shape_cast %get3A_303 : vector<16xi32> to vector<16xi32>
          tpu.vector_store %arg10[%swap3A_308], %swap3A_311 {strides = array<i32>} : memref<3200xi32, #tpu.memory_space<vmem>>, vector<16xi32>,
          %get3A_312 = arith.index_cast %scan3A_215 : i32 to index
          %get3A_313 = arith.constant 128 : index
          %get3A_314 = tpu.vector_load %arg6[%get3A_312, %get3A_313] {strides = array<i32>} : memref<16x200xi32, #tpu.memory_space<vmem>>, vector<1x16xi32>,
          %get3A_315 = vector.shape_cast %get3A_314 : vector<1x16xi32> to vector<16xi32>
          %mul3A_316 = arith.constant 200 : i32
          %mul3A_317 = arith.muli %scan3A_215, %mul3A_316 : i32
          %add3A_318 = arith.constant 128 : i32
          %add3A_319 = arith.addi %mul3A_317, %add3A_318 : i32
          %swap3A_320 = arith.index_cast %add3A_319 : i32 to index
          %swap3A_321 = tpu.vector_load %arg10[%swap3A_320] {strides = array<i32>} : memref<3200xi32, #tpu.memory_space<vmem>>, vector<16xi32>,
          %swap3A_322 = vector.shape_cast %swap3A_321 : vector<16xi32> to vector<16xi32>
          %swap3A_323 = vector.shape_cast %get3A_315 : vector<16xi32> to vector<16xi32>
          tpu.vector_store %arg10[%swap3A_320], %swap3A_323 {strides = array<i32>} : memref<3200xi32, #tpu.memory_space<vmem>>, vector<16xi32>,
          %get3A_324 = arith.index_cast %scan3A_215 : i32 to index
          %get3A_325 = arith.constant 144 : index
          %get3A_326 = tpu.vector_load %arg6[%get3A_324, %get3A_325] {strides = array<i32>} : memref<16x200xi32, #tpu.memory_space<vmem>>, vector<1x16xi32>,
          %get3A_327 = vector.shape_cast %get3A_326 : vector<1x16xi32> to vector<16xi32>
          %mul3A_328 = arith.constant 200 : i32
          %mul3A_329 = arith.muli %scan3A_215, %mul3A_328 : i32
          %add3A_330 = arith.constant 144 : i32
          %add3A_331 = arith.addi %mul3A_329, %add3A_330 : i32
          %swap3A_332 = arith.index_cast %add3A_331 : i32 to index
          %swap3A_333 = tpu.vector_load %arg10[%swap3A_332] {strides = array<i32>} : memref<3200xi32, #tpu.memory_space<vmem>>, vector<16xi32>,
          %swap3A_334 = vector.shape_cast %swap3A_333 : vector<16xi32> to vector<16xi32>
          %swap3A_335 = vector.shape_cast %get3A_327 : vector<16xi32> to vector<16xi32>
          tpu.vector_store %arg10[%swap3A_332], %swap3A_335 {strides = array<i32>} : memref<3200xi32, #tpu.memory_space<vmem>>, vector<16xi32>,
          %get3A_336 = arith.index_cast %scan3A_215 : i32 to index
          %get3A_337 = arith.constant 160 : index
          %get3A_338 = tpu.vector_load %arg6[%get3A_336, %get3A_337] {strides = array<i32>} : memref<16x200xi32, #tpu.memory_space<vmem>>, vector<1x16xi32>,
          %get3A_339 = vector.shape_cast %get3A_338 : vector<1x16xi32> to vector<16xi32>
          %mul3A_340 = arith.constant 200 : i32
          %mul3A_341 = arith.muli %scan3A_215, %mul3A_340 : i32
          %add3A_342 = arith.constant 160 : i32
          %add3A_343 = arith.addi %mul3A_341, %add3A_342 : i32
          %swap3A_344 = arith.index_cast %add3A_343 : i32 to index
          %swap3A_345 = tpu.vector_load %arg10[%swap3A_344] {strides = array<i32>} : memref<3200xi32, #tpu.memory_space<vmem>>, vector<16xi32>,
          %swap3A_346 = vector.shape_cast %swap3A_345 : vector<16xi32> to vector<16xi32>
          %swap3A_347 = vector.shape_cast %get3A_339 : vector<16xi32> to vector<16xi32>
          tpu.vector_store %arg10[%swap3A_344], %swap3A_347 {strides = array<i32>} : memref<3200xi32, #tpu.memory_space<vmem>>, vector<16xi32>,
          %get3A_348 = arith.index_cast %scan3A_215 : i32 to index
          %get3A_349 = arith.constant 176 : index
          %get3A_350 = tpu.vector_load %arg6[%get3A_348, %get3A_349] {strides = array<i32>} : memref<16x200xi32, #tpu.memory_space<vmem>>, vector<1x16xi32>,
          %get3A_351 = vector.shape_cast %get3A_350 : vector<1x16xi32> to vector<16xi32>
          %mul3A_352 = arith.constant 200 : i32
          %mul3A_353 = arith.muli %scan3A_215, %mul3A_352 : i32
          %add3A_354 = arith.constant 176 : i32
          %add3A_355 = arith.addi %mul3A_353, %add3A_354 : i32
          %swap3A_356 = arith.index_cast %add3A_355 : i32 to index
          %swap3A_357 = tpu.vector_load %arg10[%swap3A_356] {strides = array<i32>} : memref<3200xi32, #tpu.memory_space<vmem>>, vector<16xi32>,
          %swap3A_358 = vector.shape_cast %swap3A_357 : vector<16xi32> to vector<16xi32>
          %swap3A_359 = vector.shape_cast %get3A_351 : vector<16xi32> to vector<16xi32>
          tpu.vector_store %arg10[%swap3A_356], %swap3A_359 {strides = array<i32>} : memref<3200xi32, #tpu.memory_space<vmem>>, vector<16xi32>,
          %get3A_360 = arith.index_cast %scan3A_215 : i32 to index
          %get3A_361 = arith.constant 184 : index
          %get3A_362 = tpu.vector_load %arg6[%get3A_360, %get3A_361] {strides = array<i32>} : memref<16x200xi32, #tpu.memory_space<vmem>>, vector<1x16xi32>,
          %get3A_363 = vector.shape_cast %get3A_362 : vector<1x16xi32> to vector<16xi32>
          %mul3A_364 = arith.constant 200 : i32
          %mul3A_365 = arith.muli %scan3A_215, %mul3A_364 : i32
          %add3A_366 = arith.constant 184 : i32
          %add3A_367 = arith.addi %mul3A_365, %add3A_366 : i32
          %swap3A_368 = arith.index_cast %add3A_367 : i32 to index
          %swap3A_369 = tpu.vector_load %arg10[%swap3A_368] {strides = array<i32>} : memref<3200xi32, #tpu.memory_space<vmem>>, vector<16xi32>,
          %swap3A_370 = vector.shape_cast %swap3A_369 : vector<16xi32> to vector<16xi32>
          %swap3A_371 = vector.shape_cast %get3A_363 : vector<16xi32> to vector<16xi32>
          tpu.vector_store %arg10[%swap3A_368], %swap3A_371 {strides = array<i32>} : memref<3200xi32, #tpu.memory_space<vmem>>, vector<16xi32>,
          %scan3A_372 = arith.constant 0 : i32
          scf.yield %scan3A_372 : i32
        }
        %scan3A_205 = arith.constant 16 : i32
        %dma_start3A_206 = arith.constant 0 : i32
        %dma_start3A_207 = tpu.memref_slice %arg3[%dma_start3A_206] : memref<1000000xf32, #tpu.memory_space<hbm>> -> memref<1000000xf32, #tpu.memory_space<hbm>>
        tpu.enqueue_indirect_dma source(%dma_start3A_207 : memref<1000000xf32, #tpu.memory_space<hbm>>) target(%arg14 : memref<3200xf32, #tpu.memory_space<vmem>>) offsets(%arg10 : memref<3200xi32, #tpu.memory_space<vmem>>) semaphore(%arg19 : memref<!tpu.dma_semaphore, #tpu.memory_space<semaphore_mem>>)
        %add3A_208 = arith.constant 4 : i32
        %add3A_209 = arith.addi %add3A_149, %add3A_208 : i32
        %lt3A_210 = arith.constant 32 : i32
        %lt3A_211 = arith.cmpi slt, %add3A_209, %lt3A_210 : i32
        %convert_element_type3A_212 = arith.extui %lt3A_211 : i1 to i32
        %cond3A_213 = arith.constant 0 : i32
        %cond3A_214 = arith.cmpi ne, %convert_element_type3A_212, %cond3A_213 : i32
        scf.if %cond3A_214 {
          %add3A_215 = arith.constant 4 : i32
          %add3A_216 = arith.addi %add3A_149, %add3A_215 : i32
          %mul3A_217 = arith.constant 16 : i32
          %mul3A_218 = arith.muli %add3A_216, %mul3A_217 : i32
          %add3A_219 = arith.addi %mul3A_2, %mul3A_218 : i32
          %dma_start3A_220 = arith.constant 0 : i32
          %dma_start3A_221 = tpu.memref_slice %arg2[%add3A_219, %dma_start3A_220] : memref<16384x200xi32, #tpu.memory_space<hbm>> -> memref<16x200xi32, #tpu.memory_space<hbm>>
          %dma_start3A_222 = arith.constant 0 : i32
          %dma_start3A_223 = tpu.memref_slice %arg2[%add3A_219, %dma_start3A_222] : memref<16384x200xi32, #tpu.memory_space<hbm>> -> memref<16x200xi32, #tpu.memory_space<hbm>>
          tpu.enqueue_dma source(%dma_start3A_223 : memref<16x200xi32, #tpu.memory_space<hbm>>) target(%arg6 : memref<16x200xi32, #tpu.memory_space<vmem>>) target_semaphore(%arg23 : memref<!tpu.dma_semaphore, #tpu.memory_space<semaphore_mem>>)
        } else {
        }
      } else {
      }
      %mul3A_155 = arith.constant 4 : i32
      %mul3A_156 = arith.muli %scan3A_118, %mul3A_155 : i32
      %add3A_157 = arith.constant 2 : i32
      %add3A_158 = arith.addi %mul3A_156, %add3A_157 : i32
      %dma_wait3A_159 = arith.constant 0 : i32
      %dma_wait3A_160 = tpu.memref_slice %arg3[%dma_wait3A_159] : memref<1000000xf32, #tpu.memory_space<hbm>> -> memref<1000000xf32, #tpu.memory_space<hbm>>
      tpu.wait_indirect_dma semaphore(%arg20 : memref<!tpu.dma_semaphore, #tpu.memory_space<semaphore_mem>>) src(%dma_wait3A_160 : memref<1000000xf32, #tpu.memory_space<hbm>>) dst(%arg15 : memref<3200xf32, #tpu.memory_space<vmem>>)
      %scan3A_161 = arith.constant 0 : i32
      %scan3A_162 = arith.constant 100 : i32
      %scan3A_163 = arith.addi %scan3A_161, %scan3A_162 : i32
      %scan3A_164 = arith.constant 4 : i32
      %scan3A_165 = scf.for %scan3A_193 = %scan3A_161 to %scan3A_163 step %scan3A_164 iter_args(%scan3A_194 = %scan3A_146) -> (vector<16xf32>)  : i32 {
        %mul3A_195 = arith.constant 32 : i32
        %mul3A_196 = arith.muli %scan3A_193, %mul3A_195 : i32
        %get3A = arith.index_cast %mul3A_196 : i32 to index
        %get3A_197 = tpu.vector_load %arg15[%get3A] {strides = array<i32>} : memref<3200xf32, #tpu.memory_space<vmem>>, vector<16xf32>,
        %get3A_198 = vector.shape_cast %get3A_197 : vector<16xf32> to vector<16xf32>
        %mul3A_199 = arith.constant 32 : i32
        %mul3A_200 = arith.muli %scan3A_193, %mul3A_199 : i32
        %add3A_201 = arith.constant 16 : i32
        %add3A_202 = arith.addi %mul3A_200, %add3A_201 : i32
        %get3A_203 = arith.index_cast %add3A_202 : i32 to index
        %get3A_204 = tpu.vector_load %arg15[%get3A_203] {strides = array<i32>} : memref<3200xf32, #tpu.memory_space<vmem>>, vector<16xf32>,
        %get3A_205 = vector.shape_cast %get3A_204 : vector<16xf32> to vector<16xf32>
        %add3A_206 = arith.addf %get3A_198, %get3A_205 : vector<16xf32>
        %add3A_207 = arith.addf %scan3A_194, %add3A_206 : vector<16xf32>
        %scan3A_208 = arith.constant 1 : i32
        %scan3A_209 = arith.addi %scan3A_193, %scan3A_208 : i32
        %mul3A_210 = arith.constant 32 : i32
        %mul3A_211 = arith.muli %scan3A_209, %mul3A_210 : i32
        %get3A_212 = arith.index_cast %mul3A_211 : i32 to index
        %get3A_213 = tpu.vector_load %arg15[%get3A_212] {strides = array<i32>} : memref<3200xf32, #tpu.memory_space<vmem>>, vector<16xf32>,
        %get3A_214 = vector.shape_cast %get3A_213 : vector<16xf32> to vector<16xf32>
        %mul3A_215 = arith.constant 32 : i32
        %mul3A_216 = arith.muli %scan3A_209, %mul3A_215 : i32
        %add3A_217 = arith.constant 16 : i32
        %add3A_218 = arith.addi %mul3A_216, %add3A_217 : i32
        %get3A_219 = arith.index_cast %add3A_218 : i32 to index
        %get3A_220 = tpu.vector_load %arg15[%get3A_219] {strides = array<i32>} : memref<3200xf32, #tpu.memory_space<vmem>>, vector<16xf32>,
        %get3A_221 = vector.shape_cast %get3A_220 : vector<16xf32> to vector<16xf32>
        %add3A_222 = arith.addf %get3A_214, %get3A_221 : vector<16xf32>
        %add3A_223 = arith.addf %add3A_207, %add3A_222 : vector<16xf32>
        %scan3A_224 = arith.constant 2 : i32
        %scan3A_225 = arith.addi %scan3A_193, %scan3A_224 : i32
        %mul3A_226 = arith.constant 32 : i32
        %mul3A_227 = arith.muli %scan3A_225, %mul3A_226 : i32
        %get3A_228 = arith.index_cast %mul3A_227 : i32 to index
        %get3A_229 = tpu.vector_load %arg15[%get3A_228] {strides = array<i32>} : memref<3200xf32, #tpu.memory_space<vmem>>, vector<16xf32>,
        %get3A_230 = vector.shape_cast %get3A_229 : vector<16xf32> to vector<16xf32>
        %mul3A_231 = arith.constant 32 : i32
        %mul3A_232 = arith.muli %scan3A_225, %mul3A_231 : i32
        %add3A_233 = arith.constant 16 : i32
        %add3A_234 = arith.addi %mul3A_232, %add3A_233 : i32
        %get3A_235 = arith.index_cast %add3A_234 : i32 to index
        %get3A_236 = tpu.vector_load %arg15[%get3A_235] {strides = array<i32>} : memref<3200xf32, #tpu.memory_space<vmem>>, vector<16xf32>,
        %get3A_237 = vector.shape_cast %get3A_236 : vector<16xf32> to vector<16xf32>
        %add3A_238 = arith.addf %get3A_230, %get3A_237 : vector<16xf32>
        %add3A_239 = arith.addf %add3A_223, %add3A_238 : vector<16xf32>
        %scan3A_240 = arith.constant 3 : i32
        %scan3A_241 = arith.addi %scan3A_193, %scan3A_240 : i32
        %mul3A_242 = arith.constant 32 : i32
        %mul3A_243 = arith.muli %scan3A_241, %mul3A_242 : i32
        %get3A_244 = arith.index_cast %mul3A_243 : i32 to index
        %get3A_245 = tpu.vector_load %arg15[%get3A_244] {strides = array<i32>} : memref<3200xf32, #tpu.memory_space<vmem>>, vector<16xf32>,
        %get3A_246 = vector.shape_cast %get3A_245 : vector<16xf32> to vector<16xf32>
        %mul3A_247 = arith.constant 32 : i32
        %mul3A_248 = arith.muli %scan3A_241, %mul3A_247 : i32
        %add3A_249 = arith.constant 16 : i32
        %add3A_250 = arith.addi %mul3A_248, %add3A_249 : i32
        %get3A_251 = arith.index_cast %add3A_250 : i32 to index
        %get3A_252 = tpu.vector_load %arg15[%get3A_251] {strides = array<i32>} : memref<3200xf32, #tpu.memory_space<vmem>>, vector<16xf32>,
        %get3A_253 = vector.shape_cast %get3A_252 : vector<16xf32> to vector<16xf32>
        %add3A_254 = arith.addf %get3A_246, %get3A_253 : vector<16xf32>
        %add3A_255 = arith.addf %add3A_239, %add3A_254 : vector<16xf32>
        scf.yield %add3A_255 : vector<16xf32>
      }
      %scan3A_166 = arith.constant 100 : i32
      %add3A_167 = arith.constant 4 : i32
      %add3A_168 = arith.addi %add3A_158, %add3A_167 : i32
      %lt3A_169 = arith.constant 32 : i32
      %lt3A_170 = arith.cmpi slt, %add3A_168, %lt3A_169 : i32
      %convert_element_type3A_171 = arith.extui %lt3A_170 : i1 to i32
      %cond3A_172 = arith.constant 0 : i32
      %cond3A_173 = arith.cmpi ne, %convert_element_type3A_171, %cond3A_172 : i32
      scf.if %cond3A_173 {
        %dma_wait3A_193 = arith.constant 0 : i32
        %dma_wait3A_194 = arith.constant 0 : i32
        %dma_wait3A_195 = tpu.memref_slice %arg2[%dma_wait3A_193, %dma_wait3A_194] : memref<16384x200xi32, #tpu.memory_space<hbm>> -> memref<16x200xi32, #tpu.memory_space<hbm>>
        %dma_wait3A_196 = arith.constant 0 : i32
        %dma_wait3A_197 = arith.constant 0 : i32
        %dma_wait3A_198 = tpu.memref_slice %arg2[%dma_wait3A_196, %dma_wait3A_197] : memref<16384x200xi32, #tpu.memory_space<hbm>> -> memref<16x200xi32, #tpu.memory_space<hbm>>
        tpu.wait_dma2 semaphore(%arg24 : memref<!tpu.dma_semaphore, #tpu.memory_space<semaphore_mem>>) src(%dma_wait3A_198 : memref<16x200xi32, #tpu.memory_space<hbm>>) dst(%arg7 : memref<16x200xi32, #tpu.memory_space<vmem>>)
        %scan3A_199 = arith.constant 0 : i32
        %scan3A_200 = arith.constant 0 : i32
        %scan3A_201 = arith.constant 16 : i32
        %scan3A_202 = arith.addi %scan3A_200, %scan3A_201 : i32
        %scan3A_203 = arith.constant 1 : i32
        %scan3A_204 = scf.for %scan3A_215 = %scan3A_200 to %scan3A_202 step %scan3A_203 iter_args(%scan3A_216 = %scan3A_199) -> (i32)  : i32 {
          %get3A = arith.index_cast %scan3A_215 : i32 to index
          %get3A_217 = arith.constant 0 : index
          %get3A_218 = tpu.vector_load %arg7[%get3A, %get3A_217] {strides = array<i32>} : memref<16x200xi32, #tpu.memory_space<vmem>>, vector<1x16xi32>,
          %get3A_219 = vector.shape_cast %get3A_218 : vector<1x16xi32> to vector<16xi32>
          %mul3A_220 = arith.constant 200 : i32
          %mul3A_221 = arith.muli %scan3A_215, %mul3A_220 : i32
          %add3A_222 = arith.constant 0 : i32
          %add3A_223 = arith.addi %mul3A_221, %add3A_222 : i32
          %swap3A_224 = arith.index_cast %add3A_223 : i32 to index
          %swap3A_225 = tpu.vector_load %arg11[%swap3A_224] {strides = array<i32>} : memref<3200xi32, #tpu.memory_space<vmem>>, vector<16xi32>,
          %swap3A_226 = vector.shape_cast %swap3A_225 : vector<16xi32> to vector<16xi32>
          %swap3A_227 = vector.shape_cast %get3A_219 : vector<16xi32> to vector<16xi32>
          tpu.vector_store %arg11[%swap3A_224], %swap3A_227 {strides = array<i32>} : memref<3200xi32, #tpu.memory_space<vmem>>, vector<16xi32>,
          %get3A_228 = arith.index_cast %scan3A_215 : i32 to index
          %get3A_229 = arith.constant 16 : index
          %get3A_230 = tpu.vector_load %arg7[%get3A_228, %get3A_229] {strides = array<i32>} : memref<16x200xi32, #tpu.memory_space<vmem>>, vector<1x16xi32>,
          %get3A_231 = vector.shape_cast %get3A_230 : vector<1x16xi32> to vector<16xi32>
          %mul3A_232 = arith.constant 200 : i32
          %mul3A_233 = arith.muli %scan3A_215, %mul3A_232 : i32
          %add3A_234 = arith.constant 16 : i32
          %add3A_235 = arith.addi %mul3A_233, %add3A_234 : i32
          %swap3A_236 = arith.index_cast %add3A_235 : i32 to index
          %swap3A_237 = tpu.vector_load %arg11[%swap3A_236] {strides = array<i32>} : memref<3200xi32, #tpu.memory_space<vmem>>, vector<16xi32>,
          %swap3A_238 = vector.shape_cast %swap3A_237 : vector<16xi32> to vector<16xi32>
          %swap3A_239 = vector.shape_cast %get3A_231 : vector<16xi32> to vector<16xi32>
          tpu.vector_store %arg11[%swap3A_236], %swap3A_239 {strides = array<i32>} : memref<3200xi32, #tpu.memory_space<vmem>>, vector<16xi32>,
          %get3A_240 = arith.index_cast %scan3A_215 : i32 to index
          %get3A_241 = arith.constant 32 : index
          %get3A_242 = tpu.vector_load %arg7[%get3A_240, %get3A_241] {strides = array<i32>} : memref<16x200xi32, #tpu.memory_space<vmem>>, vector<1x16xi32>,
          %get3A_243 = vector.shape_cast %get3A_242 : vector<1x16xi32> to vector<16xi32>
          %mul3A_244 = arith.constant 200 : i32
          %mul3A_245 = arith.muli %scan3A_215, %mul3A_244 : i32
          %add3A_246 = arith.constant 32 : i32
          %add3A_247 = arith.addi %mul3A_245, %add3A_246 : i32
          %swap3A_248 = arith.index_cast %add3A_247 : i32 to index
          %swap3A_249 = tpu.vector_load %arg11[%swap3A_248] {strides = array<i32>} : memref<3200xi32, #tpu.memory_space<vmem>>, vector<16xi32>,
          %swap3A_250 = vector.shape_cast %swap3A_249 : vector<16xi32> to vector<16xi32>
          %swap3A_251 = vector.shape_cast %get3A_243 : vector<16xi32> to vector<16xi32>
          tpu.vector_store %arg11[%swap3A_248], %swap3A_251 {strides = array<i32>} : memref<3200xi32, #tpu.memory_space<vmem>>, vector<16xi32>,
          %get3A_252 = arith.index_cast %scan3A_215 : i32 to index
          %get3A_253 = arith.constant 48 : index
          %get3A_254 = tpu.vector_load %arg7[%get3A_252, %get3A_253] {strides = array<i32>} : memref<16x200xi32, #tpu.memory_space<vmem>>, vector<1x16xi32>,
          %get3A_255 = vector.shape_cast %get3A_254 : vector<1x16xi32> to vector<16xi32>
          %mul3A_256 = arith.constant 200 : i32
          %mul3A_257 = arith.muli %scan3A_215, %mul3A_256 : i32
          %add3A_258 = arith.constant 48 : i32
          %add3A_259 = arith.addi %mul3A_257, %add3A_258 : i32
          %swap3A_260 = arith.index_cast %add3A_259 : i32 to index
          %swap3A_261 = tpu.vector_load %arg11[%swap3A_260] {strides = array<i32>} : memref<3200xi32, #tpu.memory_space<vmem>>, vector<16xi32>,
          %swap3A_262 = vector.shape_cast %swap3A_261 : vector<16xi32> to vector<16xi32>
          %swap3A_263 = vector.shape_cast %get3A_255 : vector<16xi32> to vector<16xi32>
          tpu.vector_store %arg11[%swap3A_260], %swap3A_263 {strides = array<i32>} : memref<3200xi32, #tpu.memory_space<vmem>>, vector<16xi32>,
          %get3A_264 = arith.index_cast %scan3A_215 : i32 to index
          %get3A_265 = arith.constant 64 : index
          %get3A_266 = tpu.vector_load %arg7[%get3A_264, %get3A_265] {strides = array<i32>} : memref<16x200xi32, #tpu.memory_space<vmem>>, vector<1x16xi32>,
          %get3A_267 = vector.shape_cast %get3A_266 : vector<1x16xi32> to vector<16xi32>
          %mul3A_268 = arith.constant 200 : i32
          %mul3A_269 = arith.muli %scan3A_215, %mul3A_268 : i32
          %add3A_270 = arith.constant 64 : i32
          %add3A_271 = arith.addi %mul3A_269, %add3A_270 : i32
          %swap3A_272 = arith.index_cast %add3A_271 : i32 to index
          %swap3A_273 = tpu.vector_load %arg11[%swap3A_272] {strides = array<i32>} : memref<3200xi32, #tpu.memory_space<vmem>>, vector<16xi32>,
          %swap3A_274 = vector.shape_cast %swap3A_273 : vector<16xi32> to vector<16xi32>
          %swap3A_275 = vector.shape_cast %get3A_267 : vector<16xi32> to vector<16xi32>
          tpu.vector_store %arg11[%swap3A_272], %swap3A_275 {strides = array<i32>} : memref<3200xi32, #tpu.memory_space<vmem>>, vector<16xi32>,
          %get3A_276 = arith.index_cast %scan3A_215 : i32 to index
          %get3A_277 = arith.constant 80 : index
          %get3A_278 = tpu.vector_load %arg7[%get3A_276, %get3A_277] {strides = array<i32>} : memref<16x200xi32, #tpu.memory_space<vmem>>, vector<1x16xi32>,
          %get3A_279 = vector.shape_cast %get3A_278 : vector<1x16xi32> to vector<16xi32>
          %mul3A_280 = arith.constant 200 : i32
          %mul3A_281 = arith.muli %scan3A_215, %mul3A_280 : i32
          %add3A_282 = arith.constant 80 : i32
          %add3A_283 = arith.addi %mul3A_281, %add3A_282 : i32
          %swap3A_284 = arith.index_cast %add3A_283 : i32 to index
          %swap3A_285 = tpu.vector_load %arg11[%swap3A_284] {strides = array<i32>} : memref<3200xi32, #tpu.memory_space<vmem>>, vector<16xi32>,
          %swap3A_286 = vector.shape_cast %swap3A_285 : vector<16xi32> to vector<16xi32>
          %swap3A_287 = vector.shape_cast %get3A_279 : vector<16xi32> to vector<16xi32>
          tpu.vector_store %arg11[%swap3A_284], %swap3A_287 {strides = array<i32>} : memref<3200xi32, #tpu.memory_space<vmem>>, vector<16xi32>,
          %get3A_288 = arith.index_cast %scan3A_215 : i32 to index
          %get3A_289 = arith.constant 96 : index
          %get3A_290 = tpu.vector_load %arg7[%get3A_288, %get3A_289] {strides = array<i32>} : memref<16x200xi32, #tpu.memory_space<vmem>>, vector<1x16xi32>,
          %get3A_291 = vector.shape_cast %get3A_290 : vector<1x16xi32> to vector<16xi32>
          %mul3A_292 = arith.constant 200 : i32
          %mul3A_293 = arith.muli %scan3A_215, %mul3A_292 : i32
          %add3A_294 = arith.constant 96 : i32
          %add3A_295 = arith.addi %mul3A_293, %add3A_294 : i32
          %swap3A_296 = arith.index_cast %add3A_295 : i32 to index
          %swap3A_297 = tpu.vector_load %arg11[%swap3A_296] {strides = array<i32>} : memref<3200xi32, #tpu.memory_space<vmem>>, vector<16xi32>,
          %swap3A_298 = vector.shape_cast %swap3A_297 : vector<16xi32> to vector<16xi32>
          %swap3A_299 = vector.shape_cast %get3A_291 : vector<16xi32> to vector<16xi32>
          tpu.vector_store %arg11[%swap3A_296], %swap3A_299 {strides = array<i32>} : memref<3200xi32, #tpu.memory_space<vmem>>, vector<16xi32>,
          %get3A_300 = arith.index_cast %scan3A_215 : i32 to index
          %get3A_301 = arith.constant 112 : index
          %get3A_302 = tpu.vector_load %arg7[%get3A_300, %get3A_301] {strides = array<i32>} : memref<16x200xi32, #tpu.memory_space<vmem>>, vector<1x16xi32>,
          %get3A_303 = vector.shape_cast %get3A_302 : vector<1x16xi32> to vector<16xi32>
          %mul3A_304 = arith.constant 200 : i32
          %mul3A_305 = arith.muli %scan3A_215, %mul3A_304 : i32
          %add3A_306 = arith.constant 112 : i32
          %add3A_307 = arith.addi %mul3A_305, %add3A_306 : i32
          %swap3A_308 = arith.index_cast %add3A_307 : i32 to index
          %swap3A_309 = tpu.vector_load %arg11[%swap3A_308] {strides = array<i32>} : memref<3200xi32, #tpu.memory_space<vmem>>, vector<16xi32>,
          %swap3A_310 = vector.shape_cast %swap3A_309 : vector<16xi32> to vector<16xi32>
          %swap3A_311 = vector.shape_cast %get3A_303 : vector<16xi32> to vector<16xi32>
          tpu.vector_store %arg11[%swap3A_308], %swap3A_311 {strides = array<i32>} : memref<3200xi32, #tpu.memory_space<vmem>>, vector<16xi32>,
          %get3A_312 = arith.index_cast %scan3A_215 : i32 to index
          %get3A_313 = arith.constant 128 : index
          %get3A_314 = tpu.vector_load %arg7[%get3A_312, %get3A_313] {strides = array<i32>} : memref<16x200xi32, #tpu.memory_space<vmem>>, vector<1x16xi32>,
          %get3A_315 = vector.shape_cast %get3A_314 : vector<1x16xi32> to vector<16xi32>
          %mul3A_316 = arith.constant 200 : i32
          %mul3A_317 = arith.muli %scan3A_215, %mul3A_316 : i32
          %add3A_318 = arith.constant 128 : i32
          %add3A_319 = arith.addi %mul3A_317, %add3A_318 : i32
          %swap3A_320 = arith.index_cast %add3A_319 : i32 to index
          %swap3A_321 = tpu.vector_load %arg11[%swap3A_320] {strides = array<i32>} : memref<3200xi32, #tpu.memory_space<vmem>>, vector<16xi32>,
          %swap3A_322 = vector.shape_cast %swap3A_321 : vector<16xi32> to vector<16xi32>
          %swap3A_323 = vector.shape_cast %get3A_315 : vector<16xi32> to vector<16xi32>
          tpu.vector_store %arg11[%swap3A_320], %swap3A_323 {strides = array<i32>} : memref<3200xi32, #tpu.memory_space<vmem>>, vector<16xi32>,
          %get3A_324 = arith.index_cast %scan3A_215 : i32 to index
          %get3A_325 = arith.constant 144 : index
          %get3A_326 = tpu.vector_load %arg7[%get3A_324, %get3A_325] {strides = array<i32>} : memref<16x200xi32, #tpu.memory_space<vmem>>, vector<1x16xi32>,
          %get3A_327 = vector.shape_cast %get3A_326 : vector<1x16xi32> to vector<16xi32>
          %mul3A_328 = arith.constant 200 : i32
          %mul3A_329 = arith.muli %scan3A_215, %mul3A_328 : i32
          %add3A_330 = arith.constant 144 : i32
          %add3A_331 = arith.addi %mul3A_329, %add3A_330 : i32
          %swap3A_332 = arith.index_cast %add3A_331 : i32 to index
          %swap3A_333 = tpu.vector_load %arg11[%swap3A_332] {strides = array<i32>} : memref<3200xi32, #tpu.memory_space<vmem>>, vector<16xi32>,
          %swap3A_334 = vector.shape_cast %swap3A_333 : vector<16xi32> to vector<16xi32>
          %swap3A_335 = vector.shape_cast %get3A_327 : vector<16xi32> to vector<16xi32>
          tpu.vector_store %arg11[%swap3A_332], %swap3A_335 {strides = array<i32>} : memref<3200xi32, #tpu.memory_space<vmem>>, vector<16xi32>,
          %get3A_336 = arith.index_cast %scan3A_215 : i32 to index
          %get3A_337 = arith.constant 160 : index
          %get3A_338 = tpu.vector_load %arg7[%get3A_336, %get3A_337] {strides = array<i32>} : memref<16x200xi32, #tpu.memory_space<vmem>>, vector<1x16xi32>,
          %get3A_339 = vector.shape_cast %get3A_338 : vector<1x16xi32> to vector<16xi32>
          %mul3A_340 = arith.constant 200 : i32
          %mul3A_341 = arith.muli %scan3A_215, %mul3A_340 : i32
          %add3A_342 = arith.constant 160 : i32
          %add3A_343 = arith.addi %mul3A_341, %add3A_342 : i32
          %swap3A_344 = arith.index_cast %add3A_343 : i32 to index
          %swap3A_345 = tpu.vector_load %arg11[%swap3A_344] {strides = array<i32>} : memref<3200xi32, #tpu.memory_space<vmem>>, vector<16xi32>,
          %swap3A_346 = vector.shape_cast %swap3A_345 : vector<16xi32> to vector<16xi32>
          %swap3A_347 = vector.shape_cast %get3A_339 : vector<16xi32> to vector<16xi32>
          tpu.vector_store %arg11[%swap3A_344], %swap3A_347 {strides = array<i32>} : memref<3200xi32, #tpu.memory_space<vmem>>, vector<16xi32>,
          %get3A_348 = arith.index_cast %scan3A_215 : i32 to index
          %get3A_349 = arith.constant 176 : index
          %get3A_350 = tpu.vector_load %arg7[%get3A_348, %get3A_349] {strides = array<i32>} : memref<16x200xi32, #tpu.memory_space<vmem>>, vector<1x16xi32>,
          %get3A_351 = vector.shape_cast %get3A_350 : vector<1x16xi32> to vector<16xi32>
          %mul3A_352 = arith.constant 200 : i32
          %mul3A_353 = arith.muli %scan3A_215, %mul3A_352 : i32
          %add3A_354 = arith.constant 176 : i32
          %add3A_355 = arith.addi %mul3A_353, %add3A_354 : i32
          %swap3A_356 = arith.index_cast %add3A_355 : i32 to index
          %swap3A_357 = tpu.vector_load %arg11[%swap3A_356] {strides = array<i32>} : memref<3200xi32, #tpu.memory_space<vmem>>, vector<16xi32>,
          %swap3A_358 = vector.shape_cast %swap3A_357 : vector<16xi32> to vector<16xi32>
          %swap3A_359 = vector.shape_cast %get3A_351 : vector<16xi32> to vector<16xi32>
          tpu.vector_store %arg11[%swap3A_356], %swap3A_359 {strides = array<i32>} : memref<3200xi32, #tpu.memory_space<vmem>>, vector<16xi32>,
          %get3A_360 = arith.index_cast %scan3A_215 : i32 to index
          %get3A_361 = arith.constant 184 : index
          %get3A_362 = tpu.vector_load %arg7[%get3A_360, %get3A_361] {strides = array<i32>} : memref<16x200xi32, #tpu.memory_space<vmem>>, vector<1x16xi32>,
          %get3A_363 = vector.shape_cast %get3A_362 : vector<1x16xi32> to vector<16xi32>
          %mul3A_364 = arith.constant 200 : i32
          %mul3A_365 = arith.muli %scan3A_215, %mul3A_364 : i32
          %add3A_366 = arith.constant 184 : i32
          %add3A_367 = arith.addi %mul3A_365, %add3A_366 : i32
          %swap3A_368 = arith.index_cast %add3A_367 : i32 to index
          %swap3A_369 = tpu.vector_load %arg11[%swap3A_368] {strides = array<i32>} : memref<3200xi32, #tpu.memory_space<vmem>>, vector<16xi32>,
          %swap3A_370 = vector.shape_cast %swap3A_369 : vector<16xi32> to vector<16xi32>
          %swap3A_371 = vector.shape_cast %get3A_363 : vector<16xi32> to vector<16xi32>
          tpu.vector_store %arg11[%swap3A_368], %swap3A_371 {strides = array<i32>} : memref<3200xi32, #tpu.memory_space<vmem>>, vector<16xi32>,
          %scan3A_372 = arith.constant 0 : i32
          scf.yield %scan3A_372 : i32
        }
        %scan3A_205 = arith.constant 16 : i32
        %dma_start3A_206 = arith.constant 0 : i32
        %dma_start3A_207 = tpu.memref_slice %arg3[%dma_start3A_206] : memref<1000000xf32, #tpu.memory_space<hbm>> -> memref<1000000xf32, #tpu.memory_space<hbm>>
        tpu.enqueue_indirect_dma source(%dma_start3A_207 : memref<1000000xf32, #tpu.memory_space<hbm>>) target(%arg15 : memref<3200xf32, #tpu.memory_space<vmem>>) offsets(%arg11 : memref<3200xi32, #tpu.memory_space<vmem>>) semaphore(%arg20 : memref<!tpu.dma_semaphore, #tpu.memory_space<semaphore_mem>>)
        %add3A_208 = arith.constant 4 : i32
        %add3A_209 = arith.addi %add3A_168, %add3A_208 : i32
        %lt3A_210 = arith.constant 32 : i32
        %lt3A_211 = arith.cmpi slt, %add3A_209, %lt3A_210 : i32
        %convert_element_type3A_212 = arith.extui %lt3A_211 : i1 to i32
        %cond3A_213 = arith.constant 0 : i32
        %cond3A_214 = arith.cmpi ne, %convert_element_type3A_212, %cond3A_213 : i32
        scf.if %cond3A_214 {
          %add3A_215 = arith.constant 4 : i32
          %add3A_216 = arith.addi %add3A_168, %add3A_215 : i32
          %mul3A_217 = arith.constant 16 : i32
          %mul3A_218 = arith.muli %add3A_216, %mul3A_217 : i32
          %add3A_219 = arith.addi %mul3A_2, %mul3A_218 : i32
          %dma_start3A_220 = arith.constant 0 : i32
          %dma_start3A_221 = tpu.memref_slice %arg2[%add3A_219, %dma_start3A_220] : memref<16384x200xi32, #tpu.memory_space<hbm>> -> memref<16x200xi32, #tpu.memory_space<hbm>>
          %dma_start3A_222 = arith.constant 0 : i32
          %dma_start3A_223 = tpu.memref_slice %arg2[%add3A_219, %dma_start3A_222] : memref<16384x200xi32, #tpu.memory_space<hbm>> -> memref<16x200xi32, #tpu.memory_space<hbm>>
          tpu.enqueue_dma source(%dma_start3A_223 : memref<16x200xi32, #tpu.memory_space<hbm>>) target(%arg7 : memref<16x200xi32, #tpu.memory_space<vmem>>) target_semaphore(%arg24 : memref<!tpu.dma_semaphore, #tpu.memory_space<semaphore_mem>>)
        } else {
        }
      } else {
      }
      %mul3A_174 = arith.constant 4 : i32
      %mul3A_175 = arith.muli %scan3A_118, %mul3A_174 : i32
      %add3A_176 = arith.constant 3 : i32
      %add3A_177 = arith.addi %mul3A_175, %add3A_176 : i32
      %dma_wait3A_178 = arith.constant 0 : i32
      %dma_wait3A_179 = tpu.memref_slice %arg3[%dma_wait3A_178] : memref<1000000xf32, #tpu.memory_space<hbm>> -> memref<1000000xf32, #tpu.memory_space<hbm>>
      tpu.wait_indirect_dma semaphore(%arg21 : memref<!tpu.dma_semaphore, #tpu.memory_space<semaphore_mem>>) src(%dma_wait3A_179 : memref<1000000xf32, #tpu.memory_space<hbm>>) dst(%arg16 : memref<3200xf32, #tpu.memory_space<vmem>>)
      %scan3A_180 = arith.constant 0 : i32
      %scan3A_181 = arith.constant 100 : i32
      %scan3A_182 = arith.addi %scan3A_180, %scan3A_181 : i32
      %scan3A_183 = arith.constant 4 : i32
      %scan3A_184 = scf.for %scan3A_193 = %scan3A_180 to %scan3A_182 step %scan3A_183 iter_args(%scan3A_194 = %scan3A_165) -> (vector<16xf32>)  : i32 {
        %mul3A_195 = arith.constant 32 : i32
        %mul3A_196 = arith.muli %scan3A_193, %mul3A_195 : i32
        %get3A = arith.index_cast %mul3A_196 : i32 to index
        %get3A_197 = tpu.vector_load %arg16[%get3A] {strides = array<i32>} : memref<3200xf32, #tpu.memory_space<vmem>>, vector<16xf32>,
        %get3A_198 = vector.shape_cast %get3A_197 : vector<16xf32> to vector<16xf32>
        %mul3A_199 = arith.constant 32 : i32
        %mul3A_200 = arith.muli %scan3A_193, %mul3A_199 : i32
        %add3A_201 = arith.constant 16 : i32
        %add3A_202 = arith.addi %mul3A_200, %add3A_201 : i32
        %get3A_203 = arith.index_cast %add3A_202 : i32 to index
        %get3A_204 = tpu.vector_load %arg16[%get3A_203] {strides = array<i32>} : memref<3200xf32, #tpu.memory_space<vmem>>, vector<16xf32>,
        %get3A_205 = vector.shape_cast %get3A_204 : vector<16xf32> to vector<16xf32>
        %add3A_206 = arith.addf %get3A_198, %get3A_205 : vector<16xf32>
        %add3A_207 = arith.addf %scan3A_194, %add3A_206 : vector<16xf32>
        %scan3A_208 = arith.constant 1 : i32
        %scan3A_209 = arith.addi %scan3A_193, %scan3A_208 : i32
        %mul3A_210 = arith.constant 32 : i32
        %mul3A_211 = arith.muli %scan3A_209, %mul3A_210 : i32
        %get3A_212 = arith.index_cast %mul3A_211 : i32 to index
        %get3A_213 = tpu.vector_load %arg16[%get3A_212] {strides = array<i32>} : memref<3200xf32, #tpu.memory_space<vmem>>, vector<16xf32>,
        %get3A_214 = vector.shape_cast %get3A_213 : vector<16xf32> to vector<16xf32>
        %mul3A_215 = arith.constant 32 : i32
        %mul3A_216 = arith.muli %scan3A_209, %mul3A_215 : i32
        %add3A_217 = arith.constant 16 : i32
        %add3A_218 = arith.addi %mul3A_216, %add3A_217 : i32
        %get3A_219 = arith.index_cast %add3A_218 : i32 to index
        %get3A_220 = tpu.vector_load %arg16[%get3A_219] {strides = array<i32>} : memref<3200xf32, #tpu.memory_space<vmem>>, vector<16xf32>,
        %get3A_221 = vector.shape_cast %get3A_220 : vector<16xf32> to vector<16xf32>
        %add3A_222 = arith.addf %get3A_214, %get3A_221 : vector<16xf32>
        %add3A_223 = arith.addf %add3A_207, %add3A_222 : vector<16xf32>
        %scan3A_224 = arith.constant 2 : i32
        %scan3A_225 = arith.addi %scan3A_193, %scan3A_224 : i32
        %mul3A_226 = arith.constant 32 : i32
        %mul3A_227 = arith.muli %scan3A_225, %mul3A_226 : i32
        %get3A_228 = arith.index_cast %mul3A_227 : i32 to index
        %get3A_229 = tpu.vector_load %arg16[%get3A_228] {strides = array<i32>} : memref<3200xf32, #tpu.memory_space<vmem>>, vector<16xf32>,
        %get3A_230 = vector.shape_cast %get3A_229 : vector<16xf32> to vector<16xf32>
        %mul3A_231 = arith.constant 32 : i32
        %mul3A_232 = arith.muli %scan3A_225, %mul3A_231 : i32
        %add3A_233 = arith.constant 16 : i32
        %add3A_234 = arith.addi %mul3A_232, %add3A_233 : i32
        %get3A_235 = arith.index_cast %add3A_234 : i32 to index
        %get3A_236 = tpu.vector_load %arg16[%get3A_235] {strides = array<i32>} : memref<3200xf32, #tpu.memory_space<vmem>>, vector<16xf32>,
        %get3A_237 = vector.shape_cast %get3A_236 : vector<16xf32> to vector<16xf32>
        %add3A_238 = arith.addf %get3A_230, %get3A_237 : vector<16xf32>
        %add3A_239 = arith.addf %add3A_223, %add3A_238 : vector<16xf32>
        %scan3A_240 = arith.constant 3 : i32
        %scan3A_241 = arith.addi %scan3A_193, %scan3A_240 : i32
        %mul3A_242 = arith.constant 32 : i32
        %mul3A_243 = arith.muli %scan3A_241, %mul3A_242 : i32
        %get3A_244 = arith.index_cast %mul3A_243 : i32 to index
        %get3A_245 = tpu.vector_load %arg16[%get3A_244] {strides = array<i32>} : memref<3200xf32, #tpu.memory_space<vmem>>, vector<16xf32>,
        %get3A_246 = vector.shape_cast %get3A_245 : vector<16xf32> to vector<16xf32>
        %mul3A_247 = arith.constant 32 : i32
        %mul3A_248 = arith.muli %scan3A_241, %mul3A_247 : i32
        %add3A_249 = arith.constant 16 : i32
        %add3A_250 = arith.addi %mul3A_248, %add3A_249 : i32
        %get3A_251 = arith.index_cast %add3A_250 : i32 to index
        %get3A_252 = tpu.vector_load %arg16[%get3A_251] {strides = array<i32>} : memref<3200xf32, #tpu.memory_space<vmem>>, vector<16xf32>,
        %get3A_253 = vector.shape_cast %get3A_252 : vector<16xf32> to vector<16xf32>
        %add3A_254 = arith.addf %get3A_246, %get3A_253 : vector<16xf32>
        %add3A_255 = arith.addf %add3A_239, %add3A_254 : vector<16xf32>
        scf.yield %add3A_255 : vector<16xf32>
      }
      %scan3A_185 = arith.constant 100 : i32
      %add3A_186 = arith.constant 4 : i32
      %add3A_187 = arith.addi %add3A_177, %add3A_186 : i32
      %lt3A_188 = arith.constant 32 : i32
      %lt3A_189 = arith.cmpi slt, %add3A_187, %lt3A_188 : i32
      %convert_element_type3A_190 = arith.extui %lt3A_189 : i1 to i32
      %cond3A_191 = arith.constant 0 : i32
      %cond3A_192 = arith.cmpi ne, %convert_element_type3A_190, %cond3A_191 : i32
      scf.if %cond3A_192 {
        %dma_wait3A_193 = arith.constant 0 : i32
        %dma_wait3A_194 = arith.constant 0 : i32
        %dma_wait3A_195 = tpu.memref_slice %arg2[%dma_wait3A_193, %dma_wait3A_194] : memref<16384x200xi32, #tpu.memory_space<hbm>> -> memref<16x200xi32, #tpu.memory_space<hbm>>
        %dma_wait3A_196 = arith.constant 0 : i32
        %dma_wait3A_197 = arith.constant 0 : i32
        %dma_wait3A_198 = tpu.memref_slice %arg2[%dma_wait3A_196, %dma_wait3A_197] : memref<16384x200xi32, #tpu.memory_space<hbm>> -> memref<16x200xi32, #tpu.memory_space<hbm>>
        tpu.wait_dma2 semaphore(%arg25 : memref<!tpu.dma_semaphore, #tpu.memory_space<semaphore_mem>>) src(%dma_wait3A_198 : memref<16x200xi32, #tpu.memory_space<hbm>>) dst(%arg8 : memref<16x200xi32, #tpu.memory_space<vmem>>)
        %scan3A_199 = arith.constant 0 : i32
        %scan3A_200 = arith.constant 0 : i32
        %scan3A_201 = arith.constant 16 : i32
        %scan3A_202 = arith.addi %scan3A_200, %scan3A_201 : i32
        %scan3A_203 = arith.constant 1 : i32
        %scan3A_204 = scf.for %scan3A_215 = %scan3A_200 to %scan3A_202 step %scan3A_203 iter_args(%scan3A_216 = %scan3A_199) -> (i32)  : i32 {
          %get3A = arith.index_cast %scan3A_215 : i32 to index
          %get3A_217 = arith.constant 0 : index
          %get3A_218 = tpu.vector_load %arg8[%get3A, %get3A_217] {strides = array<i32>} : memref<16x200xi32, #tpu.memory_space<vmem>>, vector<1x16xi32>,
          %get3A_219 = vector.shape_cast %get3A_218 : vector<1x16xi32> to vector<16xi32>
          %mul3A_220 = arith.constant 200 : i32
          %mul3A_221 = arith.muli %scan3A_215, %mul3A_220 : i32
          %add3A_222 = arith.constant 0 : i32
          %add3A_223 = arith.addi %mul3A_221, %add3A_222 : i32
          %swap3A_224 = arith.index_cast %add3A_223 : i32 to index
          %swap3A_225 = tpu.vector_load %arg12[%swap3A_224] {strides = array<i32>} : memref<3200xi32, #tpu.memory_space<vmem>>, vector<16xi32>,
          %swap3A_226 = vector.shape_cast %swap3A_225 : vector<16xi32> to vector<16xi32>
          %swap3A_227 = vector.shape_cast %get3A_219 : vector<16xi32> to vector<16xi32>
          tpu.vector_store %arg12[%swap3A_224], %swap3A_227 {strides = array<i32>} : memref<3200xi32, #tpu.memory_space<vmem>>, vector<16xi32>,
          %get3A_228 = arith.index_cast %scan3A_215 : i32 to index
          %get3A_229 = arith.constant 16 : index
          %get3A_230 = tpu.vector_load %arg8[%get3A_228, %get3A_229] {strides = array<i32>} : memref<16x200xi32, #tpu.memory_space<vmem>>, vector<1x16xi32>,
          %get3A_231 = vector.shape_cast %get3A_230 : vector<1x16xi32> to vector<16xi32>
          %mul3A_232 = arith.constant 200 : i32
          %mul3A_233 = arith.muli %scan3A_215, %mul3A_232 : i32
          %add3A_234 = arith.constant 16 : i32
          %add3A_235 = arith.addi %mul3A_233, %add3A_234 : i32
          %swap3A_236 = arith.index_cast %add3A_235 : i32 to index
          %swap3A_237 = tpu.vector_load %arg12[%swap3A_236] {strides = array<i32>} : memref<3200xi32, #tpu.memory_space<vmem>>, vector<16xi32>,
          %swap3A_238 = vector.shape_cast %swap3A_237 : vector<16xi32> to vector<16xi32>
          %swap3A_239 = vector.shape_cast %get3A_231 : vector<16xi32> to vector<16xi32>
          tpu.vector_store %arg12[%swap3A_236], %swap3A_239 {strides = array<i32>} : memref<3200xi32, #tpu.memory_space<vmem>>, vector<16xi32>,
          %get3A_240 = arith.index_cast %scan3A_215 : i32 to index
          %get3A_241 = arith.constant 32 : index
          %get3A_242 = tpu.vector_load %arg8[%get3A_240, %get3A_241] {strides = array<i32>} : memref<16x200xi32, #tpu.memory_space<vmem>>, vector<1x16xi32>,
          %get3A_243 = vector.shape_cast %get3A_242 : vector<1x16xi32> to vector<16xi32>
          %mul3A_244 = arith.constant 200 : i32
          %mul3A_245 = arith.muli %scan3A_215, %mul3A_244 : i32
          %add3A_246 = arith.constant 32 : i32
          %add3A_247 = arith.addi %mul3A_245, %add3A_246 : i32
          %swap3A_248 = arith.index_cast %add3A_247 : i32 to index
          %swap3A_249 = tpu.vector_load %arg12[%swap3A_248] {strides = array<i32>} : memref<3200xi32, #tpu.memory_space<vmem>>, vector<16xi32>,
          %swap3A_250 = vector.shape_cast %swap3A_249 : vector<16xi32> to vector<16xi32>
          %swap3A_251 = vector.shape_cast %get3A_243 : vector<16xi32> to vector<16xi32>
          tpu.vector_store %arg12[%swap3A_248], %swap3A_251 {strides = array<i32>} : memref<3200xi32, #tpu.memory_space<vmem>>, vector<16xi32>,
          %get3A_252 = arith.index_cast %scan3A_215 : i32 to index
          %get3A_253 = arith.constant 48 : index
          %get3A_254 = tpu.vector_load %arg8[%get3A_252, %get3A_253] {strides = array<i32>} : memref<16x200xi32, #tpu.memory_space<vmem>>, vector<1x16xi32>,
          %get3A_255 = vector.shape_cast %get3A_254 : vector<1x16xi32> to vector<16xi32>
          %mul3A_256 = arith.constant 200 : i32
          %mul3A_257 = arith.muli %scan3A_215, %mul3A_256 : i32
          %add3A_258 = arith.constant 48 : i32
          %add3A_259 = arith.addi %mul3A_257, %add3A_258 : i32
          %swap3A_260 = arith.index_cast %add3A_259 : i32 to index
          %swap3A_261 = tpu.vector_load %arg12[%swap3A_260] {strides = array<i32>} : memref<3200xi32, #tpu.memory_space<vmem>>, vector<16xi32>,
          %swap3A_262 = vector.shape_cast %swap3A_261 : vector<16xi32> to vector<16xi32>
          %swap3A_263 = vector.shape_cast %get3A_255 : vector<16xi32> to vector<16xi32>
          tpu.vector_store %arg12[%swap3A_260], %swap3A_263 {strides = array<i32>} : memref<3200xi32, #tpu.memory_space<vmem>>, vector<16xi32>,
          %get3A_264 = arith.index_cast %scan3A_215 : i32 to index
          %get3A_265 = arith.constant 64 : index
          %get3A_266 = tpu.vector_load %arg8[%get3A_264, %get3A_265] {strides = array<i32>} : memref<16x200xi32, #tpu.memory_space<vmem>>, vector<1x16xi32>,
          %get3A_267 = vector.shape_cast %get3A_266 : vector<1x16xi32> to vector<16xi32>
          %mul3A_268 = arith.constant 200 : i32
          %mul3A_269 = arith.muli %scan3A_215, %mul3A_268 : i32
          %add3A_270 = arith.constant 64 : i32
          %add3A_271 = arith.addi %mul3A_269, %add3A_270 : i32
          %swap3A_272 = arith.index_cast %add3A_271 : i32 to index
          %swap3A_273 = tpu.vector_load %arg12[%swap3A_272] {strides = array<i32>} : memref<3200xi32, #tpu.memory_space<vmem>>, vector<16xi32>,
          %swap3A_274 = vector.shape_cast %swap3A_273 : vector<16xi32> to vector<16xi32>
          %swap3A_275 = vector.shape_cast %get3A_267 : vector<16xi32> to vector<16xi32>
          tpu.vector_store %arg12[%swap3A_272], %swap3A_275 {strides = array<i32>} : memref<3200xi32, #tpu.memory_space<vmem>>, vector<16xi32>,
          %get3A_276 = arith.index_cast %scan3A_215 : i32 to index
          %get3A_277 = arith.constant 80 : index
          %get3A_278 = tpu.vector_load %arg8[%get3A_276, %get3A_277] {strides = array<i32>} : memref<16x200xi32, #tpu.memory_space<vmem>>, vector<1x16xi32>,
          %get3A_279 = vector.shape_cast %get3A_278 : vector<1x16xi32> to vector<16xi32>
          %mul3A_280 = arith.constant 200 : i32
          %mul3A_281 = arith.muli %scan3A_215, %mul3A_280 : i32
          %add3A_282 = arith.constant 80 : i32
          %add3A_283 = arith.addi %mul3A_281, %add3A_282 : i32
          %swap3A_284 = arith.index_cast %add3A_283 : i32 to index
          %swap3A_285 = tpu.vector_load %arg12[%swap3A_284] {strides = array<i32>} : memref<3200xi32, #tpu.memory_space<vmem>>, vector<16xi32>,
          %swap3A_286 = vector.shape_cast %swap3A_285 : vector<16xi32> to vector<16xi32>
          %swap3A_287 = vector.shape_cast %get3A_279 : vector<16xi32> to vector<16xi32>
          tpu.vector_store %arg12[%swap3A_284], %swap3A_287 {strides = array<i32>} : memref<3200xi32, #tpu.memory_space<vmem>>, vector<16xi32>,
          %get3A_288 = arith.index_cast %scan3A_215 : i32 to index
          %get3A_289 = arith.constant 96 : index
          %get3A_290 = tpu.vector_load %arg8[%get3A_288, %get3A_289] {strides = array<i32>} : memref<16x200xi32, #tpu.memory_space<vmem>>, vector<1x16xi32>,
          %get3A_291 = vector.shape_cast %get3A_290 : vector<1x16xi32> to vector<16xi32>
          %mul3A_292 = arith.constant 200 : i32
          %mul3A_293 = arith.muli %scan3A_215, %mul3A_292 : i32
          %add3A_294 = arith.constant 96 : i32
          %add3A_295 = arith.addi %mul3A_293, %add3A_294 : i32
          %swap3A_296 = arith.index_cast %add3A_295 : i32 to index
          %swap3A_297 = tpu.vector_load %arg12[%swap3A_296] {strides = array<i32>} : memref<3200xi32, #tpu.memory_space<vmem>>, vector<16xi32>,
          %swap3A_298 = vector.shape_cast %swap3A_297 : vector<16xi32> to vector<16xi32>
          %swap3A_299 = vector.shape_cast %get3A_291 : vector<16xi32> to vector<16xi32>
          tpu.vector_store %arg12[%swap3A_296], %swap3A_299 {strides = array<i32>} : memref<3200xi32, #tpu.memory_space<vmem>>, vector<16xi32>,
          %get3A_300 = arith.index_cast %scan3A_215 : i32 to index
          %get3A_301 = arith.constant 112 : index
          %get3A_302 = tpu.vector_load %arg8[%get3A_300, %get3A_301] {strides = array<i32>} : memref<16x200xi32, #tpu.memory_space<vmem>>, vector<1x16xi32>,
          %get3A_303 = vector.shape_cast %get3A_302 : vector<1x16xi32> to vector<16xi32>
          %mul3A_304 = arith.constant 200 : i32
          %mul3A_305 = arith.muli %scan3A_215, %mul3A_304 : i32
          %add3A_306 = arith.constant 112 : i32
          %add3A_307 = arith.addi %mul3A_305, %add3A_306 : i32
          %swap3A_308 = arith.index_cast %add3A_307 : i32 to index
          %swap3A_309 = tpu.vector_load %arg12[%swap3A_308] {strides = array<i32>} : memref<3200xi32, #tpu.memory_space<vmem>>, vector<16xi32>,
          %swap3A_310 = vector.shape_cast %swap3A_309 : vector<16xi32> to vector<16xi32>
          %swap3A_311 = vector.shape_cast %get3A_303 : vector<16xi32> to vector<16xi32>
          tpu.vector_store %arg12[%swap3A_308], %swap3A_311 {strides = array<i32>} : memref<3200xi32, #tpu.memory_space<vmem>>, vector<16xi32>,
          %get3A_312 = arith.index_cast %scan3A_215 : i32 to index
          %get3A_313 = arith.constant 128 : index
          %get3A_314 = tpu.vector_load %arg8[%get3A_312, %get3A_313] {strides = array<i32>} : memref<16x200xi32, #tpu.memory_space<vmem>>, vector<1x16xi32>,
          %get3A_315 = vector.shape_cast %get3A_314 : vector<1x16xi32> to vector<16xi32>
          %mul3A_316 = arith.constant 200 : i32
          %mul3A_317 = arith.muli %scan3A_215, %mul3A_316 : i32
          %add3A_318 = arith.constant 128 : i32
          %add3A_319 = arith.addi %mul3A_317, %add3A_318 : i32
          %swap3A_320 = arith.index_cast %add3A_319 : i32 to index
          %swap3A_321 = tpu.vector_load %arg12[%swap3A_320] {strides = array<i32>} : memref<3200xi32, #tpu.memory_space<vmem>>, vector<16xi32>,
          %swap3A_322 = vector.shape_cast %swap3A_321 : vector<16xi32> to vector<16xi32>
          %swap3A_323 = vector.shape_cast %get3A_315 : vector<16xi32> to vector<16xi32>
          tpu.vector_store %arg12[%swap3A_320], %swap3A_323 {strides = array<i32>} : memref<3200xi32, #tpu.memory_space<vmem>>, vector<16xi32>,
          %get3A_324 = arith.index_cast %scan3A_215 : i32 to index
          %get3A_325 = arith.constant 144 : index
          %get3A_326 = tpu.vector_load %arg8[%get3A_324, %get3A_325] {strides = array<i32>} : memref<16x200xi32, #tpu.memory_space<vmem>>, vector<1x16xi32>,
          %get3A_327 = vector.shape_cast %get3A_326 : vector<1x16xi32> to vector<16xi32>
          %mul3A_328 = arith.constant 200 : i32
          %mul3A_329 = arith.muli %scan3A_215, %mul3A_328 : i32
          %add3A_330 = arith.constant 144 : i32
          %add3A_331 = arith.addi %mul3A_329, %add3A_330 : i32
          %swap3A_332 = arith.index_cast %add3A_331 : i32 to index
          %swap3A_333 = tpu.vector_load %arg12[%swap3A_332] {strides = array<i32>} : memref<3200xi32, #tpu.memory_space<vmem>>, vector<16xi32>,
          %swap3A_334 = vector.shape_cast %swap3A_333 : vector<16xi32> to vector<16xi32>
          %swap3A_335 = vector.shape_cast %get3A_327 : vector<16xi32> to vector<16xi32>
          tpu.vector_store %arg12[%swap3A_332], %swap3A_335 {strides = array<i32>} : memref<3200xi32, #tpu.memory_space<vmem>>, vector<16xi32>,
          %get3A_336 = arith.index_cast %scan3A_215 : i32 to index
          %get3A_337 = arith.constant 160 : index
          %get3A_338 = tpu.vector_load %arg8[%get3A_336, %get3A_337] {strides = array<i32>} : memref<16x200xi32, #tpu.memory_space<vmem>>, vector<1x16xi32>,
          %get3A_339 = vector.shape_cast %get3A_338 : vector<1x16xi32> to vector<16xi32>
          %mul3A_340 = arith.constant 200 : i32
          %mul3A_341 = arith.muli %scan3A_215, %mul3A_340 : i32
          %add3A_342 = arith.constant 160 : i32
          %add3A_343 = arith.addi %mul3A_341, %add3A_342 : i32
          %swap3A_344 = arith.index_cast %add3A_343 : i32 to index
          %swap3A_345 = tpu.vector_load %arg12[%swap3A_344] {strides = array<i32>} : memref<3200xi32, #tpu.memory_space<vmem>>, vector<16xi32>,
          %swap3A_346 = vector.shape_cast %swap3A_345 : vector<16xi32> to vector<16xi32>
          %swap3A_347 = vector.shape_cast %get3A_339 : vector<16xi32> to vector<16xi32>
          tpu.vector_store %arg12[%swap3A_344], %swap3A_347 {strides = array<i32>} : memref<3200xi32, #tpu.memory_space<vmem>>, vector<16xi32>,
          %get3A_348 = arith.index_cast %scan3A_215 : i32 to index
          %get3A_349 = arith.constant 176 : index
          %get3A_350 = tpu.vector_load %arg8[%get3A_348, %get3A_349] {strides = array<i32>} : memref<16x200xi32, #tpu.memory_space<vmem>>, vector<1x16xi32>,
          %get3A_351 = vector.shape_cast %get3A_350 : vector<1x16xi32> to vector<16xi32>
          %mul3A_352 = arith.constant 200 : i32
          %mul3A_353 = arith.muli %scan3A_215, %mul3A_352 : i32
          %add3A_354 = arith.constant 176 : i32
          %add3A_355 = arith.addi %mul3A_353, %add3A_354 : i32
          %swap3A_356 = arith.index_cast %add3A_355 : i32 to index
          %swap3A_357 = tpu.vector_load %arg12[%swap3A_356] {strides = array<i32>} : memref<3200xi32, #tpu.memory_space<vmem>>, vector<16xi32>,
          %swap3A_358 = vector.shape_cast %swap3A_357 : vector<16xi32> to vector<16xi32>
          %swap3A_359 = vector.shape_cast %get3A_351 : vector<16xi32> to vector<16xi32>
          tpu.vector_store %arg12[%swap3A_356], %swap3A_359 {strides = array<i32>} : memref<3200xi32, #tpu.memory_space<vmem>>, vector<16xi32>,
          %get3A_360 = arith.index_cast %scan3A_215 : i32 to index
          %get3A_361 = arith.constant 184 : index
          %get3A_362 = tpu.vector_load %arg8[%get3A_360, %get3A_361] {strides = array<i32>} : memref<16x200xi32, #tpu.memory_space<vmem>>, vector<1x16xi32>,
          %get3A_363 = vector.shape_cast %get3A_362 : vector<1x16xi32> to vector<16xi32>
          %mul3A_364 = arith.constant 200 : i32
          %mul3A_365 = arith.muli %scan3A_215, %mul3A_364 : i32
          %add3A_366 = arith.constant 184 : i32
          %add3A_367 = arith.addi %mul3A_365, %add3A_366 : i32
          %swap3A_368 = arith.index_cast %add3A_367 : i32 to index
          %swap3A_369 = tpu.vector_load %arg12[%swap3A_368] {strides = array<i32>} : memref<3200xi32, #tpu.memory_space<vmem>>, vector<16xi32>,
          %swap3A_370 = vector.shape_cast %swap3A_369 : vector<16xi32> to vector<16xi32>
          %swap3A_371 = vector.shape_cast %get3A_363 : vector<16xi32> to vector<16xi32>
          tpu.vector_store %arg12[%swap3A_368], %swap3A_371 {strides = array<i32>} : memref<3200xi32, #tpu.memory_space<vmem>>, vector<16xi32>,
          %scan3A_372 = arith.constant 0 : i32
          scf.yield %scan3A_372 : i32
        }
        %scan3A_205 = arith.constant 16 : i32
        %dma_start3A_206 = arith.constant 0 : i32
        %dma_start3A_207 = tpu.memref_slice %arg3[%dma_start3A_206] : memref<1000000xf32, #tpu.memory_space<hbm>> -> memref<1000000xf32, #tpu.memory_space<hbm>>
        tpu.enqueue_indirect_dma source(%dma_start3A_207 : memref<1000000xf32, #tpu.memory_space<hbm>>) target(%arg16 : memref<3200xf32, #tpu.memory_space<vmem>>) offsets(%arg12 : memref<3200xi32, #tpu.memory_space<vmem>>) semaphore(%arg21 : memref<!tpu.dma_semaphore, #tpu.memory_space<semaphore_mem>>)
        %add3A_208 = arith.constant 4 : i32
        %add3A_209 = arith.addi %add3A_187, %add3A_208 : i32
        %lt3A_210 = arith.constant 32 : i32
        %lt3A_211 = arith.cmpi slt, %add3A_209, %lt3A_210 : i32
        %convert_element_type3A_212 = arith.extui %lt3A_211 : i1 to i32
        %cond3A_213 = arith.constant 0 : i32
        %cond3A_214 = arith.cmpi ne, %convert_element_type3A_212, %cond3A_213 : i32
        scf.if %cond3A_214 {
          %add3A_215 = arith.constant 4 : i32
          %add3A_216 = arith.addi %add3A_187, %add3A_215 : i32
          %mul3A_217 = arith.constant 16 : i32
          %mul3A_218 = arith.muli %add3A_216, %mul3A_217 : i32
          %add3A_219 = arith.addi %mul3A_2, %mul3A_218 : i32
          %dma_start3A_220 = arith.constant 0 : i32
          %dma_start3A_221 = tpu.memref_slice %arg2[%add3A_219, %dma_start3A_220] : memref<16384x200xi32, #tpu.memory_space<hbm>> -> memref<16x200xi32, #tpu.memory_space<hbm>>
          %dma_start3A_222 = arith.constant 0 : i32
          %dma_start3A_223 = tpu.memref_slice %arg2[%add3A_219, %dma_start3A_222] : memref<16384x200xi32, #tpu.memory_space<hbm>> -> memref<16x200xi32, #tpu.memory_space<hbm>>
          tpu.enqueue_dma source(%dma_start3A_223 : memref<16x200xi32, #tpu.memory_space<hbm>>) target(%arg8 : memref<16x200xi32, #tpu.memory_space<vmem>>) target_semaphore(%arg25 : memref<!tpu.dma_semaphore, #tpu.memory_space<semaphore_mem>>)
        } else {
        }
      } else {
      }
      scf.yield %scan3A_184 : vector<16xf32>
    }
    %scan3A_114 = arith.constant 8 : i32
    %swap3A = arith.constant 0 : index
    %swap3A_115 = tpu.vector_load %arg17[%swap3A] {strides = array<i32>} : memref<16xf32, #tpu.memory_space<vmem>>, vector<16xf32>,
    %swap3A_116 = vector.shape_cast %swap3A_115 : vector<16xf32> to vector<16xf32>
    %swap3A_117 = vector.shape_cast %scan3A_113 : vector<16xf32> to vector<16xf32>
    tpu.vector_store %arg17[%swap3A], %swap3A_117 {strides = array<i32>} : memref<16xf32, #tpu.memory_space<vmem>>, vector<16xf32>,
    "tpu.region"() ({
      %run_scoped3A = tpu.sem_alloc : memref<!tpu.dma_semaphore, #tpu.memory_space<semaphore_mem>>
      %dma_start3A_118 = arith.constant 0 : i32
      %dma_start3A_119 = tpu.memref_slice %arg4[%add3A, %dma_start3A_118] : memref<32x16xf32, #tpu.memory_space<hbm>> -> memref<1x16xf32, #tpu.memory_space<hbm>>
      %dma_start3A_120 = tpu.memref_squeeze %dma_start3A_119 : memref<1x16xf32, #tpu.memory_space<hbm>> -> memref<16xf32, #tpu.memory_space<hbm>>
      %dma_start3A_121 = arith.constant 0 : i32
      %dma_start3A_122 = tpu.memref_slice %arg4[%add3A, %dma_start3A_121] : memref<32x16xf32, #tpu.memory_space<hbm>> -> memref<1x16xf32, #tpu.memory_space<hbm>>
      %dma_start3A_123 = tpu.memref_squeeze %dma_start3A_122 : memref<1x16xf32, #tpu.memory_space<hbm>> -> memref<16xf32, #tpu.memory_space<hbm>>
      tpu.enqueue_dma source(%arg17 : memref<16xf32, #tpu.memory_space<vmem>>) target(%dma_start3A_123 : memref<16xf32, #tpu.memory_space<hbm>>) target_semaphore(%run_scoped3A : memref<!tpu.dma_semaphore, #tpu.memory_space<semaphore_mem>>)
      %dma_wait3A_124 = arith.constant 0 : i32
      %dma_wait3A_125 = tpu.memref_slice %arg4[%add3A, %dma_wait3A_124] : memref<32x16xf32, #tpu.memory_space<hbm>> -> memref<1x16xf32, #tpu.memory_space<hbm>>
      %dma_wait3A_126 = tpu.memref_squeeze %dma_wait3A_125 : memref<1x16xf32, #tpu.memory_space<hbm>> -> memref<16xf32, #tpu.memory_space<hbm>>
      %dma_wait3A_127 = arith.constant 0 : i32
      %dma_wait3A_128 = tpu.memref_slice %arg4[%add3A, %dma_wait3A_127] : memref<32x16xf32, #tpu.memory_space<hbm>> -> memref<1x16xf32, #tpu.memory_space<hbm>>
      %dma_wait3A_129 = tpu.memref_squeeze %dma_wait3A_128 : memref<1x16xf32, #tpu.memory_space<hbm>> -> memref<16xf32, #tpu.memory_space<hbm>>
      tpu.wait_dma2 semaphore(%run_scoped3A : memref<!tpu.dma_semaphore, #tpu.memory_space<semaphore_mem>>) src(%arg17 : memref<16xf32, #tpu.memory_space<vmem>>) dst(%dma_wait3A_129 : memref<16xf32, #tpu.memory_space<hbm>>)
      tpu.yield
    }) : () -> ()
    return
  }
}

module attributes {stable_mosaic.version = 14 : i64} {
  func.func @_combine_body(%arg0: i32, %arg1: memref<1xf32, #tpu.memory_space<smem>>, %arg2: memref<262144xf32, #tpu.memory_space<vmem>>, %arg3: memref<262144xf32, #tpu.memory_space<vmem>>, %arg4: memref<262144xf32, #tpu.memory_space<vmem>>, %arg5: memref<262144xf32, #tpu.memory_space<vmem>>) attributes {dimension_semantics = [#tpu.dimension_semantics<arbitrary>], iteration_bounds = array<i64: 4>, scalar_prefetch = 0 : i64, scratch_operands = 0 : i64, tpu.core_type = #tpu.core_type<tc>, window_params = [{transform_indices = @transform_0, window_bounds = array<i64: 1>}, {transform_indices = @transform_1, window_bounds = array<i64: 262144>}, {transform_indices = @transform_2, window_bounds = array<i64: 262144>}, {transform_indices = @transform_3, window_bounds = array<i64: 262144>}, {transform_indices = @transform_4, window_bounds = array<i64: 262144>}]} {
    %get3A = arith.constant 0 : index
    %get3A_0 = memref.load %arg1[%get3A] : memref<1xf32, #tpu.memory_space<smem>>
    %get3A_1 = arith.constant 0 : index
    %get3A_2 = vector.load %arg2[%get3A_1] : memref<262144xf32, #tpu.memory_space<vmem>>, vector<262144xf32>
    %get3A_3 = arith.constant 0 : index
    %get3A_4 = vector.load %arg4[%get3A_3] : memref<262144xf32, #tpu.memory_space<vmem>>, vector<262144xf32>
    %add3A = arith.addf %get3A_2, %get3A_4 : vector<262144xf32>
    %mul3A = vector.broadcast %get3A_0 : f32 to vector<262144xf32>
    %mul3A_5 = arith.mulf %mul3A, %add3A : vector<262144xf32>
    %get3A_6 = arith.constant 0 : index
    %get3A_7 = vector.load %arg3[%get3A_6] : memref<262144xf32, #tpu.memory_space<vmem>>, vector<262144xf32>
    %add3A_8 = arith.addf %mul3A_5, %get3A_7 : vector<262144xf32>
    %swap3A = arith.constant 0 : index
    %swap3A_9 = vector.load %arg5[%swap3A] : memref<262144xf32, #tpu.memory_space<vmem>>, vector<262144xf32>
    tpu.vector_store %arg5[%swap3A], %add3A_8 {strides = array<i32>} : memref<262144xf32, #tpu.memory_space<vmem>>, vector<262144xf32>,
    return
  }
  func.func @transform_0(%arg0: i32) -> i32 {
    %c0_i32 = arith.constant 0 : i32
    %c0_i32_0 = arith.constant 0 : i32
    return %c0_i32 : i32
  }
  func.func @transform_1(%arg0: i32) -> i32 {
    %c0_i32 = arith.constant 0 : i32
    return %arg0 : i32
  }
  func.func @transform_2(%arg0: i32) -> i32 {
    %c0_i32 = arith.constant 0 : i32
    return %arg0 : i32
  }
  func.func @transform_3(%arg0: i32) -> i32 {
    %c0_i32 = arith.constant 0 : i32
    return %arg0 : i32
  }
  func.func @transform_4(%arg0: i32) -> i32 {
    %c0_i32 = arith.constant 0 : i32
    return %arg0 : i32
  }
}

</mosaic_0001>

<sc_bundles>
// kernel: kernel.4.cloned.1.call-start
scs
__scs_entry_jumppad:
0x0: {  	(pc) =	sbr.rel $0x88, $3  }
0x1: {  	(tag) =	ssettag $0x0;
	lr =	simm.s32 $0x1  }
0x2: {  	[smem:$0x3F9C] =	sst lr;
	_ =	strace $0xD0000000  }
0x3: {  	_ = 	snop  }
0x4: {  	_ = 	snop  }
0x5: {  	_ = 	snop  }
0x6: {  	_ = 	snop  }
0x7: {  	_ = 	snop  }
__scs_overlays_trampoline_lowered:
0x8: {  	[smem:$0x3FAB] =	sst s0  }
0x9: {  	[smem:$0x3FAC] =	sst s1  }
0xa: {  	[smem:$0x3FAD] =	sst s2  }
0xb: {  	[smem:$0x3FAE] =	sst s3  }
0xc: {  	[smem:$0x3FAF] =	sst s4  }
0xd: {  	[smem:$0x3FB0] =	sst s5  }
0xe: {  	[smem:$0x3FB1] =	sst s6  }
0xf: {  	[smem:$0x3FB2] =	sst s7  }
0x10: {  	[smem:$0x3FB3] =	sst s8  }
0x11: {  	[smem:$0x3FB4] =	sst s9;
	s0 =	simm.s32 @!p0 $0x0  }
0x12: {  	s1 =	sld [smem:$0x3F9A];
	s0 =	simm.s32 @p0 $0x1  }
0x13: {  	[smem:$0x3FB5] =	sst s0;
	s0 =	simm.s32 @!p1 $0x0  }
0x14: {  	s2 =	sld [smem:$0x3F99];
	s0 =	simm.s32 @p1 $0x1  }
0x15: {  	[smem:$0x3FB6] =	sst s0;
	s0 =	simm.s32 @!p2 $0x0  }
0x16: {  	s3 =	sld [smem:$0x3FDB];
	s0 =	simm.s32 @p2 $0x1  }
0x17: {  	s4 =	simm.s32 $0x1BF5;
	[smem:$0x3FB8] =	sst s0  }
0x18: {  	s0 =	sld [smem:$0x3F9B];
	_ =	swait.ge [sflag:s4], $0x0  }
0x19: {  	s7 =	sld [smem:$0x3F9C]  }
0x1a: {  	s8 =	sadd.s32 $0xFFFFE003, lr  }
0x1b: {  	s9 =	sadd.s32 $0xFFFFFEF7, lr;
	s5 =	simm.s32 $0xFFFFFFFF;
	p2 =	slt.u32 s8, $0xFFFFF086  }
0x1c: {  	p1 =	slt.u32 s9, $0xF7A;
	s5 =	simm.s32 @!p2 $0x0  }
0x1d: {  	s5 =	simm.s32 @p1 $0x1;
	p0 =	seq.s32 s7, s2  }
0x1e: {  	s7 =	smul.u32 @!p0 $0xF7A, s2;
	p2 =	seq.s32 @!p0 s5, $0x0  }
0x1f: {  	s9 =	smul.u32 $0xF7A, s1;
	s8 =	simm.s32 @!p0 $0x1BF5;
	p2 =	por !p2, p0  }
0x20: {  	[sflag:s8] =	ssyncset.s32 @!p0 $0xFFFFF086;
	s6 =	sadd.s32 @!p0 s3, s7;
	s7 =	simm.s32 @!p0 $0x108  }
0x21: {  	s3 =	sadd.s32 s3, s9;
	s6 =	sadd.s32 @!p0 $0x88, s6;
	s7 =	simm.s32 @p2 $0x1082  }
0x22: {  	[simem:s7], [sflag:s8] =	dma.local @!p0 [hbm:s6], $0xF7A  }
0x23: {  	s9 =	sor.u32 $0xD0000000, s2;
	s6 =	simm.s32 $0x108;
	_ =	swait.ge @!p0 [sflag:s8], $0x0  }
0x24: {  	s3 =	sadd.s32 $0x88, s3;
	s6 =	simm.s32 @!p1 $0x1082;
	[sflag:s4] =	ssyncset.s32 $0xFFFFF086  }
0x25: {  	[simem:s6], [sflag:s4] =	dma.local [hbm:s3], $0xF7A  }
0x26: {  	[smem:$0x3F9C] =	sst s1;
	(tag) =	ssettag s2;
	_ =	strace s9  }
0x27: {  	s1 =	sld [smem:$0x3FAC]  }
0x28: {  	s2 =	sld [smem:$0x3FAD]  }
0x29: {  	s4 =	sld [smem:$0x3FAF]  }
0x2a: {  	p0 =	seq.s32 s5, $0x0;
	s5 =	sld [smem:$0x3FB0]  }
0x2b: {  	s6 =	sld [smem:$0x3FB1]  }
0x2c: {  	s7 =	sld [smem:$0x3FB2]  }
0x2d: {  	s3 =	simm.s32 $0x108;
	s8 =	sld [smem:$0x3FB3]  }
0x2e: {  	s3 =	simm.s32 @!p0 $0x1082;
	s9 =	sld [smem:$0x3FB4]  }
0x2f: {  	lr =	sadd.s32 s0, s3;
	s0 =	sld [smem:$0x3FAB]  }
0x30: {  	s3 =	sld [smem:$0x3FAE]  }
0x31: {  	[smem:$0x3FB7] =	sst s10  }
0x32: {  	s10 =	sld [smem:$0x3FB5];
	_ =	sdelay $0x3  }
0x33: {  	p0 =	seq.s32 s10, $0x1;
	s10 =	sld [smem:$0x3FB7];
	_ =	sdelay $0x3  }
0x34: {  	[smem:$0x3FB7] =	sst s10  }
0x35: {  	s10 =	sld [smem:$0x3FB6];
	_ =	sdelay $0x3  }
0x36: {  	p1 =	seq.s32 s10, $0x1;
	s10 =	sld [smem:$0x3FB7];
	_ =	sdelay $0x3  }
0x37: {  	[smem:$0x3FB7] =	sst s10  }
0x38: {  	s10 =	sld [smem:$0x3FB8]  }
0x39: {  	_ = 	snop;
	(pc) =	sbr.ind lr, $3  }
0x3a: {  	_ = 	snop  }
0x3b: {  	_ = 	snop  }
0x3c: {  	p2 =	seq.s32 s10, $0x1;
	s10 =	sld [smem:$0x3FB7]  }
0x3d: {  	_ =	shalt  }
0x3e: {  	_ =	shalt  }
0x3f: {  	_ =	shalt  }
0x40: {  	_ =	shalt  }
0x41: {  	_ =	shalt  }
0x42: {  	_ =	shalt  }
0x43: {  	_ =	shalt  }
0x44: {  	_ =	shalt  }
0x45: {  	_ =	shalt  }
0x46: {  	_ =	shalt  }
0x47: {  	_ =	shalt  }
0x48: {  	_ =	shalt  }
0x49: {  	_ =	shalt  }
0x4a: {  	_ =	shalt  }
0x4b: {  	_ =	shalt  }
0x4c: {  	_ =	shalt  }
0x4d: {  	_ =	shalt  }
0x4e: {  	_ =	shalt  }
0x4f: {  	_ =	shalt  }
0x50: {  	_ =	shalt  }
0x51: {  	_ =	shalt  }
0x52: {  	_ =	shalt  }
0x53: {  	_ =	shalt  }
0x54: {  	_ =	shalt  }
0x55: {  	_ =	shalt  }
0x56: {  	_ =	shalt  }
0x57: {  	_ =	shalt  }
0x58: {  	_ =	shalt  }
0x59: {  	_ =	shalt  }
0x5a: {  	_ =	shalt  }
0x5b: {  	_ =	shalt  }
0x5c: {  	_ =	shalt  }
0x5d: {  	_ =	shalt  }
0x5e: {  	_ =	shalt  }
0x5f: {  	_ =	shalt  }
0x60: {  	_ =	shalt  }
0x61: {  	_ =	shalt  }
0x62: {  	_ =	shalt  }
0x63: {  	_ =	shalt  }
0x64: {  	_ =	shalt  }
0x65: {  	_ =	shalt  }
0x66: {  	_ =	shalt  }
0x67: {  	_ =	shalt  }
0x68: {  	_ =	shalt  }
0x69: {  	_ =	shalt  }
0x6a: {  	_ =	shalt  }
0x6b: {  	_ =	shalt  }
0x6c: {  	_ =	shalt  }
0x6d: {  	_ =	shalt  }
0x6e: {  	_ =	shalt  }
0x6f: {  	_ =	shalt  }
0x70: {  	_ =	shalt  }
0x71: {  	_ =	shalt  }
0x72: {  	_ =	shalt  }
0x73: {  	_ =	shalt  }
0x74: {  	_ =	shalt  }
0x75: {  	_ =	shalt  }
0x76: {  	_ =	shalt  }
0x77: {  	_ =	shalt  }
0x78: {  	_ =	shalt  }
0x79: {  	_ =	shalt  }
0x7a: {  	_ =	shalt  }
0x7b: {  	_ =	shalt  }
0x7c: {  	_ =	shalt  }
0x7d: {  	_ =	shalt  }
0x7e: {  	_ =	shalt  }
0x7f: {  	_ =	shalt  }
0x80: {  	_ =	shalt  }
0x81: {  	_ =	shalt  }
0x82: {  	_ =	shalt  }
0x83: {  	_ =	shalt  }
0x84: {  	_ =	shalt  }
0x85: {  	_ =	shalt  }
0x86: {  	_ =	shalt  }
0x87: {  	_ =	shalt  }
.Lfunc_end0:
.L_simem_size_0:
called_computation_lowered:
.L_overlay_start_0:
0x88: {  	s2 =	sld [smem:$0x3FD9]  }
0x89: {  	s3 =	sld [smem:$0x3FFE];
	_ =	sdelay $0x1  }
0x8a: {  	s1 =	srdreg.scid  }
0x8b: {  	s0 =	sand.u32 $0x1, s1  }
0x8c: {  	s16 =	sshll.u32 s0, $0xA;
	s2 =	sadd.s32 s3, s2  }
0x8d: {  	s2 =	sadd.s32 s2, s16  }
0x8e: {  	[smem:$0x3FC3] =	sst s2  }
0x8f: {  	_ = 	snop  }
0x90: {  	(tm) =	ssettm $0x1  }
0x91: {  	s17 =	sld [smem:$0x3FFB];
	_ =	sdelay $0x3  }
0x92: {  	_ =	strace s17  }
0x93: {  	s2 =	sld [smem:$0x3FFC];
	_ =	sdelay $0x3  }
0x94: {  	_ =	strace s2  }
0x95: {  	s2 =	sld [smem:$0x3FFD];
	_ =	sdelay $0x3  }
0x96: {  	_ =	strace s2  }
0x97: {  	_ =	strace $0x8FFFFFFF  }
0x98: {  	s18 =	sld [smem:$0x3FDB];
	_ =	sdelay $0x1  }
0x99: {  	s19 =	simm.s32 $_scs_section_size  }
0x9a: {  	s4 =	simm.s32 $_size__tile_overlayer_lowered;
	s5 =	simm.s32 $_tile_overlayer_lowered  }
0x9b: {  	s22 =	simm.s32 $0x1BFF;
	s21 =	sshll.u32 s5, $0x1;
	s2 =	sadd.s32 s19, s18  }
0x9c: {  	s6 =	simm.s32 $0x0;
	s20 =	sshll.u32 s4, $0x1;
	s4 =	sadd.s32 s21, s2  }
0x9d: {  	[timem:s6], [sflag:s22] =	dma.local [hbm:s4], s20  }
0x9e: {  	_ =	swait.ge [sflag:s22], s20  }
0x9f: {  	s3 =	ssub.s32 $0x0, s20;
	[sflag:s22] =	ssyncset.done $0x0  }
0xa0: {  	[sflag:s22] =	ssyncadd.s32 s3;
	_ =	sdelay $0x1  }
0xa1: {  	s23 =	simm.s32 $0x1B8B  }
0xa2: {  	_ =	swait.ge [sflag:s23], $0x1  }
0xa3: {  	[sflag:s23] =	ssyncset.done $0x0  }
0xa4: {  	s25 =	simm.s32 $0x1B8E;
	s24 =	sld [smem:$0x3FFE];
	[sflag:s23] =	ssyncadd.s32 $0xFFFFFFFF  }
0xa5: {  	s26 =	simm.s32 $execute0_lowered;
	[smem:$0x3FD2] =	sst s25  }
0xa6: {  	s4 =	sshll.u32 s26, $0x1;
	_ =	strace $0x80000046;
	[dreg:$0x1] =	wrdreg $0xFFFFFFFF  }
0xa7: {  	s28 =	simm.s32 $_size_execute0_lowered;
	s2 =	sadd.s32 s2, s4;
	[dreg:$0x0] =	wrdreg $0x0  }
0xa8: {  	s4 =	sshll.u32 s28, $0x1;
	[dreg:$0x2] =	wrdreg s2  }
0xa9: {  	[dreg:$0x3] =	wrdreg s4  }
0xaa: {  	[dreg:$0x4] =	wrdreg $0xC0  }
0xab: {  	_ =	task [dreg:s6], $0x5FFFF  }
0xac: {  	[dreg:$0x1] =	wrdreg $0xFFFFFFFF  }
0xad: {  	[dreg:$0x0] =	wrdreg $0x60  }
0xae: {  	[dreg:$0x2] =	wrdreg s24  }
0xaf: {  	[dreg:$0x3] =	wrdreg $0x9  }
0xb0: {  	_ =	task.clear_ibuf [dreg:s6], $0x4FFFF;
	_ =	strace $0x90000046  }
0xb1: {  	s29 =	simm.s32 $0x9;
	_ =	strace $0x80000048  }
0xb2: {  	_ =	swait.ge [sflag:s29], $0x1  }
0xb3: {  	[sflag:s29] =	ssyncadd.s32 $0xFFFFFFFF  }
0xb4: {  	_ =	strace $0x90000048  }
0xb5: {  	_ =	sfence  }
0xb6: {  	s30 =	sld [smem:$0x0];
	_ =	sdelay $0x2  }
0xb7: {  	s31 =	sshll.u32 s1, $0xD;
	s1 =	sshrl.u32 s1, $0x2  }
0xb8: {  	s3 =	sand.u32 $0x4000, s31;
	s1 =	sadd.s32 s1, s30  }
0xb9: {  	s0 =	sor.u32 s3, s0;
	s1 =	sshll.u32 s1, $0x11  }
0xba: {  	s0 =	sor.u32 s1, s0  }
0xbb: {  	s0 =	sadd.s32 $0x8F2B, s0  }
0xbc: {  	[sflag:s0] =	ssyncadd.remote.s32 $0x1  }
0xbd: {  	_ =	sfence.sel $0xFFFF  }
0xbe: {  	[dreg:$0x0] =	wrdreg $0xFFFFFFFF;
	(pc) =	sbr.abs _section_cstart, $3  }
0xbf: {  	[dreg:$0x1] =	wrdreg $0xFFFFFFFF  }
0xc0: {  	_ =	task.clear_ibuf [dreg:s6], $0x2FFFF;
	_ =	strace $0x9FFFFFFF  }
0xc1: {  	(tm) =	ssettm $0x7FFFFFFF  }
tec
execute0_lowered:
.L_overlay_start_1:
0x0: {  	(tag) =	ssettag $0x1  }
0x1: {  	s0 =	srdreg.scid  }
0x2: {  	s2 =	stileid.u32;
	s1 =	rddreg [dreg:$0x0]  }
0x3: {  	s9 =	simm.s32 $0x0;
	s28 =	simm.s32 $0x7E80;
	s29 =	simm.s32 $0x7  }
0x4: {  	s30 =	simm.s32 $0x5900;
	s0 =	sand.u32 $0x1, s0;
	s2 =	sshll.u32 s2, $0x1  }
0x5: {  	s31 =	simm.s32 $0x8B00;
	s18 =	simm.s32 $0x9780;
	s2 =	sor.u32 s0, s2  }
0x6: {  	s7 =	simm.s32 $0x0;
	[smem:$0x7FF] =	sst s9;
	s3 =	sshll.u32 s2, $0xE  }
0x7: {  	_ =	strace $0x80000047;
	s0 =	ssub.s32 $0x2, s0;
	s4 =	sadd.s32 s3, s1  }
0x8: {  	s2 =	sshll.u32 s2, $0x4;
	s5 =	sshrl.u32 s0, $0x1;
	s19 =	sadd.s32 $0x800, s4  }
0x9: {  	s3 =	sadd.s32 $0x80800, s1;
	s20 =	sadd.s32 $0xA00, s4;
	[dreg:$0x2] =	wrdreg s19  }
0xa: {  	s1 =	sadd.s32 s2, s1;
	s21 =	sadd.s32 $0xC00, s4;
	[dreg:$0x3] =	wrdreg s20  }
0xb: {  	s0 =	ssub.s32 s0, s5;
	s22 =	sadd.s32 $0xE00, s4;
	[dreg:$0x4] =	wrdreg s21  }
0xc: {  	s5 =	simm.s32 $0x4;
	s23 =	sadd.s32 $0x1000, s4;
	[dreg:$0x5] =	wrdreg s22  }
0xd: {  	s24 =	sadd.s32 $0x1200, s4;
	s25 =	sadd.s32 $0x1400, s4;
	[dreg:$0x6] =	wrdreg s23  }
0xe: {  	s26 =	sadd.s32 $0x1600, s4;
	s12 =	sadd.s32 $0x1800, s4;
	[dreg:$0x7] =	wrdreg s24  }
0xf: {  	v0 =	vimm.s32 $0xFEDCBA98;
	s13 =	sadd.s32 $0x1A00, s4;
	s14 =	sadd.s32 $0x1C00, s4;
	[dreg:$0x8] =	wrdreg s25  }
0x10: {  	v1 =	vimm.s32 $0x76543210;
	v0 =	vunpack.c.l.s4.s8 v0;
	s15 =	sadd.s32 $0x1E00, s4;
	s1 =	sadd.s32 $0x9F200, s1;
	[dreg:$0x9] =	wrdreg s26  }
.Ltmp0:
0x11: {  	v1 =	vunpack.c.l.s4.s8 v1;
	s0 =	smax.u32 s0, $0x1;
	[dreg:$0xa] =	wrdreg s1;
	(pc) =	sbr.rel .LBB2_1-.Ltmp0, $4  }
0x12: {  	v0 =	vunpack.c.0.s8.s32 v0;
	s4 =	simm.s32 $0x3;
	[dreg:$0xb] =	wrdreg s0;
	s21 =	simm.s32 $0x5  }
0x13: {  	v1 =	vunpack.c.0.s8.s32 v1;
	s22 =	simm.s32 $0xC80;
	s23 =	simm.s32 $0x4000;
	s24 =	simm.s32 $0x7200  }
0x14: {  	v0 =	vand.u32 $0xF, v0;
	s25 =	simm.s32 $0x6;
	s26 =	simm.s32 $0x4C80;
	s1 =	simm.s32 $0x8  }
0x15: {  	vm0 =	vmmov $0xff;
	s0 =	simm.s32 $0x6580;
	s19 =	simm.s32 $0x1;
	s20 =	simm.s32 $0x2;
	v0 =	vcombine.low v0, v1  }
.LBB2_34:
0x16: {  	s9 =	simm.s32 $0x0  }
0x17: {  	[tilespmem:$0xA400] =	vst v1;
	s2 =	rddreg [dreg:$0xa];
	s6 =	simm.s32 $0xA400;
	s16 =	simm.s32 $0x9  }
0x18: {  	[hbm4b:s2+s9] =	stream.linear.scatter [tilespmem:s6], [sflag:$0x9], $0x80, $0x38;
	[tilespmem:$0xA480] =	vst v63  }
0x19: {  	_ =	swait.ge [sflag:s16], $0x80  }
0x1a: {  	s7 =	sadd.s32 $0x1, s7;
	s17 =	rddreg [dreg:$0xb]  }
0x1b: {  	p0 =	sne.s32 s7, s17  }
.Ltmp1:
0x1c: {  	_ = 	snop;
	(pc) =	sbr.rel @!p0 .LBB2_35-.Ltmp1, $3  }
0x1d: {  	_ =	sdelay $0x1  }
0x1e: {  	[sflag:s16] =	ssyncset.done $0x0  }
0x1f: {  	[sflag:s16] =	ssyncadd.s32 $0xFFFFFF80  }
.LBB2_1:
0x20: {  	s2 =	rddreg [dreg:$0x2]  }
0x21: {  	[tilespmem:s9], [sflag:$0x5] =	stream.linear.gather [hbm4b:s2+s9], $0x1000, $0x38;
	[tilespmem:$0xA480] =	vst v63  }
0x22: {  	s11 =	rddreg [dreg:$0x3];
	s6 =	simm.s32 $0x1000  }
0x23: {  	[tilespmem:s6], [sflag:$0x6] =	stream.linear.gather [hbm4b:s11+s9], $0x1000, $0x38;
	[tilespmem:$0xA480] =	vst v63  }
0x24: {  	s16 =	rddreg [dreg:$0x4];
	s17 =	simm.s32 $0x2000  }
0x25: {  	[tilespmem:s17], [sflag:$0x7] =	stream.linear.gather [hbm4b:s16+s9], $0x1000, $0x38;
	[tilespmem:$0xA480] =	vst v63  }
0x26: {  	s8 =	simm.s32 $0x3000;
	s6 =	rddreg [dreg:$0x5]  }
0x27: {  	[tilespmem:s8], [sflag:$0x8] =	stream.linear.gather [hbm4b:s6+s9], $0x1000, $0x38;
	[tilespmem:$0xA480] =	vst v63  }
0x28: {  	_ =	swait.ge [sflag:s21], $0x1000  }
0x29: {  	s10 =	sand.u32 $0x800, s9;
	s11 =	sand.u32 $0x380, s9;
	[sflag:s21] =	ssyncset.done $0x0  }
0x2a: {  	s2 =	sor.u32 s11, s10;
	[sflag:s21] =	ssyncadd.s32 $0xFFFFF000  }
0x2b: {  	v1 =	vld [tilespmem:s2+$0x0];
	_ =	sdelay $0x3  }
0x2c: {  	s8 =	simm.s32 $0x4060  }
0x2d: {  	[tilespmem:s8+$0xFFFFFFA0] =	vst v1  }
0x2e: {  	v1 =	vld [tilespmem:s2+$0x10];
	_ =	sdelay $0x4  }
0x2f: {  	[tilespmem:s8+$0xFFFFFFB0] =	vst v1  }
0x30: {  	v1 =	vld [tilespmem:s2+$0x20];
	_ =	sdelay $0x4  }
0x31: {  	[tilespmem:s8+$0xFFFFFFC0] =	vst v1  }
0x32: {  	v1 =	vld [tilespmem:s2+$0x30];
	_ =	sdelay $0x4  }
0x33: {  	[tilespmem:s8+$0xFFFFFFD0] =	vst v1  }
0x34: {  	v1 =	vld [tilespmem:s2+$0x40];
	_ =	sdelay $0x4  }
0x35: {  	[tilespmem:s8+$0xFFFFFFE0] =	vst v1  }
0x36: {  	v1 =	vld [tilespmem:s2+$0x50];
	_ =	sdelay $0x4  }
0x37: {  	[tilespmem:s8+$0xFFFFFFF0] =	vst v1  }
0x38: {  	v1 =	vld [tilespmem:s2+$0x60];
	_ =	sdelay $0x4  }
0x39: {  	[tilespmem:s8+$0x0] =	vst v1  }
0x3a: {  	v1 =	vld [tilespmem:s2+$0x70];
	_ =	sdelay $0x4  }
0x3b: {  	[tilespmem:s8+$0x10] =	vst v1  }
0x3c: {  	v1 =	vld [tilespmem:s2+$0x400];
	_ =	sdelay $0x3  }
0x3d: {  	s16 =	sand.u32 $0xFF8, s9  }
0x3e: {  	[tilespmem:s16+$0x4080] =	vst v1  }
0x3f: {  	v1 =	vld [tilespmem:s2+$0x410];
	_ =	sdelay $0x4  }
0x40: {  	[tilespmem:s8+$0x30] =	vst v1  }
0x41: {  	v1 =	vld [tilespmem:s2+$0x420];
	_ =	sdelay $0x4  }
0x42: {  	[tilespmem:s8+$0x40] =	vst v1  }
0x43: {  	v1 =	vld [tilespmem:s2+$0x430];
	_ =	sdelay $0x4  }
0x44: {  	s2 =	sor.u32 $0x440, s2;
	[tilespmem:s8+$0x50] =	vst v1  }
0x45: {  	v2 =	vld.msk [tilespmem:s2+$0x0], $0xff;
	_ =	sdelay $0x4  }
0x46: {  	v1 =	vperm.xlane v1, v0;
	v2 =	vperm.xlane v2, v0  }
0x47: {  	s10 =	simm.s32 $0x80;
	s11 =	simm.s32 $0x200;
	s17 =	simm.s32 $0x100  }
0x48: {  	s6 =	sand.u32 $0x800, s17;
	s9 =	simm.s32 $0x0;
	s16 =	sand.u32 $0x380, s10;
	v1 =	vsel vm0, v1, v2  }
.LBB2_2:
0x49: {  	p0 =	sne.s32 s11, $0xF00;
	s16 =	sor.u32 s16, s6;
	[tilespmem:s8+$0x58] =	vst v1  }
0x4a: {  	v1 =	vld [tilespmem:s16+$0x0];
	_ =	sdelay $0x3  }
0x4b: {  	s8 =	sadd.s32 $0xC8, s8  }
0x4c: {  	[tilespmem:s8+$0xFFFFFFA0] =	vst v1  }
0x4d: {  	v1 =	vld [tilespmem:s16+$0x10];
	_ =	sdelay $0x4  }
0x4e: {  	[tilespmem:s8+$0xFFFFFFB0] =	vst v1  }
0x4f: {  	v1 =	vld [tilespmem:s16+$0x20];
	_ =	sdelay $0x4  }
0x50: {  	[tilespmem:s8+$0xFFFFFFC0] =	vst v1  }
0x51: {  	v1 =	vld [tilespmem:s16+$0x30];
	_ =	sdelay $0x4  }
0x52: {  	[tilespmem:s8+$0xFFFFFFD0] =	vst v1  }
0x53: {  	v1 =	vld [tilespmem:s16+$0x40];
	_ =	sdelay $0x4  }
0x54: {  	[tilespmem:s8+$0xFFFFFFE0] =	vst v1  }
0x55: {  	v1 =	vld [tilespmem:s16+$0x50];
	_ =	sdelay $0x4  }
0x56: {  	[tilespmem:s8+$0xFFFFFFF0] =	vst v1  }
0x57: {  	v1 =	vld [tilespmem:s16+$0x60];
	_ =	sdelay $0x4  }
0x58: {  	[tilespmem:s8+$0x0] =	vst v1  }
0x59: {  	v1 =	vld [tilespmem:s16+$0x70];
	_ =	sdelay $0x4  }
0x5a: {  	[tilespmem:s8+$0x10] =	vst v1  }
0x5b: {  	v1 =	vld [tilespmem:s16+$0x400];
	_ =	sdelay $0x2  }
0x5c: {  	s9 =	sadd.s32 $0xC8, s9  }
0x5d: {  	s2 =	sand.u32 $0xFF8, s9  }
0x5e: {  	[tilespmem:s2+$0x4080] =	vst v1  }
0x5f: {  	v1 =	vld [tilespmem:s16+$0x410];
	_ =	sdelay $0x4  }
0x60: {  	[tilespmem:s8+$0x30] =	vst v1  }
0x61: {  	v1 =	vld [tilespmem:s16+$0x420];
	_ =	sdelay $0x4  }
0x62: {  	[tilespmem:s8+$0x40] =	vst v1  }
0x63: {  	v1 =	vld [tilespmem:s16+$0x430];
	_ =	sdelay $0x4  }
0x64: {  	s2 =	sor.u32 $0x440, s16;
	[tilespmem:s8+$0x50] =	vst v1  }
0x65: {  	v2 =	vld.msk [tilespmem:s2+$0x0], $0xff;
	_ =	sdelay $0x2  }
.Ltmp2:
0x66: {  	(pc) =	sbr.rel @p0 .LBB2_2-.Ltmp2, $4  }
0x67: {  	_ = 	snop  }
0x68: {  	v1 =	vperm.xlane v1, v0;
	v2 =	vperm.xlane v2, v0  }
0x69: {  	s10 =	sadd.s32 $0x80, s10  }
0x6a: {  	s6 =	sand.u32 $0x800, s11;
	s11 =	sadd.s32 $0x100, s11;
	s16 =	sand.u32 $0x380, s10;
	v1 =	vsel vm0, v1, v2  }
0x6b: {  	s2 =	sor.u32 s16, s6;
	[tilespmem:s8+$0x58] =	vst v1  }
0x6c: {  	v1 =	vld [tilespmem:s2+$0x0];
	_ =	sdelay $0x3  }
0x6d: {  	s16 =	sadd.s32 $0xC8, s8  }
0x6e: {  	[tilespmem:s16+$0xFFFFFFA0] =	vst v1  }
0x6f: {  	v1 =	vld [tilespmem:s2+$0x10];
	_ =	sdelay $0x4  }
0x70: {  	[tilespmem:s16+$0xFFFFFFB0] =	vst v1  }
0x71: {  	v1 =	vld [tilespmem:s2+$0x20];
	_ =	sdelay $0x4  }
0x72: {  	[tilespmem:s16+$0xFFFFFFC0] =	vst v1  }
0x73: {  	v1 =	vld [tilespmem:s2+$0x30];
	_ =	sdelay $0x4  }
0x74: {  	[tilespmem:s16+$0xFFFFFFD0] =	vst v1  }
0x75: {  	v1 =	vld [tilespmem:s2+$0x40];
	_ =	sdelay $0x4  }
0x76: {  	[tilespmem:s16+$0xFFFFFFE0] =	vst v1  }
0x77: {  	v1 =	vld [tilespmem:s2+$0x50];
	_ =	sdelay $0x4  }
0x78: {  	[tilespmem:s16+$0xFFFFFFF0] =	vst v1  }
0x79: {  	v1 =	vld [tilespmem:s2+$0x60];
	_ =	sdelay $0x4  }
0x7a: {  	[tilespmem:s16+$0x0] =	vst v1  }
0x7b: {  	v1 =	vld [tilespmem:s2+$0x70];
	_ =	sdelay $0x4  }
0x7c: {  	[tilespmem:s16+$0x10] =	vst v1  }
0x7d: {  	v1 =	vld [tilespmem:s2+$0x400];
	_ =	sdelay $0x2  }
0x7e: {  	s17 =	sadd.s32 $0xC8, s9  }
0x7f: {  	s8 =	sand.u32 $0xFF8, s17  }
0x80: {  	[tilespmem:s8+$0x4080] =	vst v1  }
0x81: {  	v1 =	vld [tilespmem:s2+$0x410];
	_ =	sdelay $0x4  }
0x82: {  	[tilespmem:s16+$0x30] =	vst v1  }
0x83: {  	v1 =	vld [tilespmem:s2+$0x420];
	_ =	sdelay $0x4  }
0x84: {  	[tilespmem:s16+$0x40] =	vst v1  }
0x85: {  	v1 =	vld [tilespmem:s2+$0x430];
	_ =	sdelay $0x4  }
0x86: {  	s2 =	sor.u32 $0x440, s2;
	[tilespmem:s16+$0x50] =	vst v1  }
0x87: {  	v2 =	vld.msk [tilespmem:s2+$0x0], $0xff;
	_ =	sdelay $0x4  }
0x88: {  	v1 =	vperm.xlane v1, v0;
	v2 =	vperm.xlane v2, v0;
	_ =	sdelay $0x1  }
0x89: {  	v1 =	vsel vm0, v1, v2  }
0x8a: {  	[tilespmem:s16+$0x58] =	vst v1  }
0x8b: {  	[tilespmem:s24], [sflag:$0x1] =	stream.indirect.gather [hbm4b:s3+s22], $0x1, s23, s22, $0xb8;
	[tilespmem:$0xA480] =	vst v63  }
0x8c: {  	s9 =	rddreg [dreg:$0x6];
	s8 =	simm.s32 $0x0  }
0x8d: {  	[tilespmem:s8], [sflag:$0x5] =	stream.linear.gather [hbm4b:s9+s8], $0x1000, $0x38;
	[tilespmem:$0xA480] =	vst v63  }
0x8e: {  	_ =	swait.ge [sflag:s25], $0x1000  }
0x8f: {  	s10 =	sand.u32 $0x800, s8;
	s11 =	sand.u32 $0x380, s8;
	[sflag:s25] =	ssyncset.done $0x0  }
0x90: {  	s2 =	sor.u32 s11, s10;
	[sflag:s25] =	ssyncadd.s32 $0xFFFFF000  }
0x91: {  	v1 =	vld [tilespmem:s2+$0x1000];
	_ =	sdelay $0x3  }
0x92: {  	s9 =	simm.s32 $0x4CE0  }
0x93: {  	[tilespmem:s9+$0xFFFFFFA0] =	vst v1  }
0x94: {  	v1 =	vld [tilespmem:s2+$0x1010];
	_ =	sdelay $0x4  }
0x95: {  	[tilespmem:s9+$0xFFFFFFB0] =	vst v1  }
0x96: {  	v1 =	vld [tilespmem:s2+$0x1020];
	_ =	sdelay $0x4  }
0x97: {  	[tilespmem:s9+$0xFFFFFFC0] =	vst v1  }
0x98: {  	v1 =	vld [tilespmem:s2+$0x1030];
	_ =	sdelay $0x4  }
0x99: {  	[tilespmem:s9+$0xFFFFFFD0] =	vst v1  }
0x9a: {  	v1 =	vld [tilespmem:s2+$0x1040];
	_ =	sdelay $0x4  }
0x9b: {  	[tilespmem:s9+$0xFFFFFFE0] =	vst v1  }
0x9c: {  	v1 =	vld [tilespmem:s2+$0x1050];
	_ =	sdelay $0x4  }
0x9d: {  	[tilespmem:s9+$0xFFFFFFF0] =	vst v1  }
0x9e: {  	v1 =	vld [tilespmem:s2+$0x1060];
	_ =	sdelay $0x4  }
0x9f: {  	[tilespmem:s9+$0x0] =	vst v1  }
0xa0: {  	v1 =	vld [tilespmem:s2+$0x1070];
	_ =	sdelay $0x4  }
0xa1: {  	[tilespmem:s9+$0x10] =	vst v1  }
0xa2: {  	v1 =	vld [tilespmem:s2+$0x1400];
	_ =	sdelay $0x3  }
0xa3: {  	s16 =	sand.u32 $0xFF8, s8  }
0xa4: {  	[tilespmem:s16+$0x4D00] =	vst v1  }
0xa5: {  	v1 =	vld [tilespmem:s2+$0x1410];
	_ =	sdelay $0x4  }
0xa6: {  	[tilespmem:s9+$0x30] =	vst v1  }
0xa7: {  	v1 =	vld [tilespmem:s2+$0x1420];
	_ =	sdelay $0x4  }
0xa8: {  	[tilespmem:s9+$0x40] =	vst v1  }
0xa9: {  	v1 =	vld [tilespmem:s2+$0x1430];
	_ =	sdelay $0x4  }
0xaa: {  	s2 =	sor.u32 $0x1440, s2;
	[tilespmem:s9+$0x50] =	vst v1  }
0xab: {  	v2 =	vld.msk [tilespmem:s2+$0x0], $0xff;
	_ =	sdelay $0x4  }
0xac: {  	v1 =	vperm.xlane v1, v0;
	v2 =	vperm.xlane v2, v0  }
0xad: {  	s17 =	simm.s32 $0x100;
	s10 =	simm.s32 $0x80  }
0xae: {  	s6 =	sand.u32 $0x800, s17;
	s11 =	simm.s32 $0x200;
	s16 =	sand.u32 $0x380, s10;
	v1 =	vsel vm0, v1, v2  }
.LBB2_4:
0xaf: {  	p0 =	sne.s32 s11, $0xF00;
	s16 =	sor.u32 s16, s6;
	[tilespmem:s9+$0x58] =	vst v1  }
0xb0: {  	v1 =	vld [tilespmem:s16+$0x1000];
	_ =	sdelay $0x3  }
0xb1: {  	s9 =	sadd.s32 $0xC8, s9  }
0xb2: {  	[tilespmem:s9+$0xFFFFFFA0] =	vst v1  }
0xb3: {  	v1 =	vld [tilespmem:s16+$0x1010];
	_ =	sdelay $0x4  }
0xb4: {  	[tilespmem:s9+$0xFFFFFFB0] =	vst v1  }
0xb5: {  	v1 =	vld [tilespmem:s16+$0x1020];
	_ =	sdelay $0x4  }
0xb6: {  	[tilespmem:s9+$0xFFFFFFC0] =	vst v1  }
0xb7: {  	v1 =	vld [tilespmem:s16+$0x1030];
	_ =	sdelay $0x4  }
0xb8: {  	[tilespmem:s9+$0xFFFFFFD0] =	vst v1  }
0xb9: {  	v1 =	vld [tilespmem:s16+$0x1040];
	_ =	sdelay $0x4  }
0xba: {  	[tilespmem:s9+$0xFFFFFFE0] =	vst v1  }
0xbb: {  	v1 =	vld [tilespmem:s16+$0x1050];
	_ =	sdelay $0x4  }
0xbc: {  	[tilespmem:s9+$0xFFFFFFF0] =	vst v1  }
0xbd: {  	v1 =	vld [tilespmem:s16+$0x1060];
	_ =	sdelay $0x4  }
0xbe: {  	[tilespmem:s9+$0x0] =	vst v1  }
0xbf: {  	v1 =	vld [tilespmem:s16+$0x1070];
	_ =	sdelay $0x4  }
0xc0: {  	[tilespmem:s9+$0x10] =	vst v1  }
0xc1: {  	v1 =	vld [tilespmem:s16+$0x1400];
	_ =	sdelay $0x2  }
0xc2: {  	s8 =	sadd.s32 $0xC8, s8  }
0xc3: {  	s2 =	sand.u32 $0xFF8, s8  }
0xc4: {  	[tilespmem:s2+$0x4D00] =	vst v1  }
0xc5: {  	v1 =	vld [tilespmem:s16+$0x1410];
	_ =	sdelay $0x4  }
0xc6: {  	[tilespmem:s9+$0x30] =	vst v1  }
0xc7: {  	v1 =	vld [tilespmem:s16+$0x1420];
	_ =	sdelay $0x4  }
0xc8: {  	[tilespmem:s9+$0x40] =	vst v1  }
0xc9: {  	v1 =	vld [tilespmem:s16+$0x1430];
	_ =	sdelay $0x4  }
0xca: {  	s2 =	sor.u32 $0x1440, s16;
	[tilespmem:s9+$0x50] =	vst v1  }
0xcb: {  	v2 =	vld.msk [tilespmem:s2+$0x0], $0xff;
	_ =	sdelay $0x2  }
.Ltmp3:
0xcc: {  	(pc) =	sbr.rel @p0 .LBB2_4-.Ltmp3, $4  }
0xcd: {  	_ = 	snop  }
0xce: {  	v1 =	vperm.xlane v1, v0;
	v2 =	vperm.xlane v2, v0  }
0xcf: {  	s10 =	sadd.s32 $0x80, s10  }
0xd0: {  	s6 =	sand.u32 $0x800, s11;
	s11 =	sadd.s32 $0x100, s11;
	s16 =	sand.u32 $0x380, s10;
	v1 =	vsel vm0, v1, v2  }
0xd1: {  	s2 =	sor.u32 s16, s6;
	[tilespmem:s9+$0x58] =	vst v1  }
0xd2: {  	v1 =	vld [tilespmem:s2+$0x1000];
	_ =	sdelay $0x3  }
0xd3: {  	s17 =	sadd.s32 $0xC8, s9  }
0xd4: {  	[tilespmem:s17+$0xFFFFFFA0] =	vst v1  }
0xd5: {  	v1 =	vld [tilespmem:s2+$0x1010];
	_ =	sdelay $0x4  }
0xd6: {  	[tilespmem:s17+$0xFFFFFFB0] =	vst v1  }
0xd7: {  	v1 =	vld [tilespmem:s2+$0x1020];
	_ =	sdelay $0x4  }
0xd8: {  	[tilespmem:s17+$0xFFFFFFC0] =	vst v1  }
0xd9: {  	v1 =	vld [tilespmem:s2+$0x1030];
	_ =	sdelay $0x4  }
0xda: {  	[tilespmem:s17+$0xFFFFFFD0] =	vst v1  }
0xdb: {  	v1 =	vld [tilespmem:s2+$0x1040];
	_ =	sdelay $0x4  }
0xdc: {  	[tilespmem:s17+$0xFFFFFFE0] =	vst v1  }
0xdd: {  	v1 =	vld [tilespmem:s2+$0x1050];
	_ =	sdelay $0x4  }
0xde: {  	[tilespmem:s17+$0xFFFFFFF0] =	vst v1  }
0xdf: {  	v1 =	vld [tilespmem:s2+$0x1060];
	_ =	sdelay $0x4  }
0xe0: {  	[tilespmem:s17+$0x0] =	vst v1  }
0xe1: {  	v1 =	vld [tilespmem:s2+$0x1070];
	_ =	sdelay $0x4  }
0xe2: {  	[tilespmem:s17+$0x10] =	vst v1  }
0xe3: {  	v1 =	vld [tilespmem:s2+$0x1400];
	_ =	sdelay $0x2  }
0xe4: {  	s8 =	sadd.s32 $0xC8, s8  }
0xe5: {  	s8 =	sand.u32 $0xFF8, s8  }
0xe6: {  	[tilespmem:s8+$0x4D00] =	vst v1  }
0xe7: {  	v1 =	vld [tilespmem:s2+$0x1410];
	_ =	sdelay $0x4  }
0xe8: {  	[tilespmem:s17+$0x30] =	vst v1  }
0xe9: {  	v1 =	vld [tilespmem:s2+$0x1420];
	_ =	sdelay $0x4  }
0xea: {  	[tilespmem:s17+$0x40] =	vst v1  }
0xeb: {  	v1 =	vld [tilespmem:s2+$0x1430];
	_ =	sdelay $0x4  }
0xec: {  	s2 =	sor.u32 $0x1440, s2;
	[tilespmem:s17+$0x50] =	vst v1  }
0xed: {  	v2 =	vld.msk [tilespmem:s2+$0x0], $0xff;
	_ =	sdelay $0x4  }
0xee: {  	v1 =	vperm.xlane v1, v0;
	v2 =	vperm.xlane v2, v0;
	_ =	sdelay $0x1  }
0xef: {  	v1 =	vsel vm0, v1, v2  }
0xf0: {  	[tilespmem:s17+$0x58] =	vst v1  }
0xf1: {  	[tilespmem:s28], [sflag:$0x2] =	stream.indirect.gather [hbm4b:s3+s22], $0x1, s26, s22, $0xb8;
	[tilespmem:$0xA480] =	vst v63  }
0xf2: {  	s6 =	rddreg [dreg:$0x7];
	s9 =	simm.s32 $0x1000;
	s8 =	simm.s32 $0x0  }
0xf3: {  	[tilespmem:s9], [sflag:$0x6] =	stream.linear.gather [hbm4b:s6+s8], $0x1000, $0x38;
	[tilespmem:$0xA480] =	vst v63  }
0xf4: {  	_ =	swait.ge [sflag:s29], $0x1000  }
0xf5: {  	s10 =	sand.u32 $0x800, s8;
	s11 =	sand.u32 $0x380, s8;
	[sflag:s29] =	ssyncset.done $0x0  }
0xf6: {  	s2 =	sor.u32 s11, s10;
	[sflag:s29] =	ssyncadd.s32 $0xFFFFF000  }
0xf7: {  	v1 =	vld [tilespmem:s2+$0x2000];
	_ =	sdelay $0x3  }
0xf8: {  	s9 =	simm.s32 $0x5960  }
0xf9: {  	[tilespmem:s9+$0xFFFFFFA0] =	vst v1  }
0xfa: {  	v1 =	vld [tilespmem:s2+$0x2010];
	_ =	sdelay $0x4  }
0xfb: {  	[tilespmem:s9+$0xFFFFFFB0] =	vst v1  }
0xfc: {  	v1 =	vld [tilespmem:s2+$0x2020];
	_ =	sdelay $0x4  }
0xfd: {  	[tilespmem:s9+$0xFFFFFFC0] =	vst v1  }
0xfe: {  	v1 =	vld [tilespmem:s2+$0x2030];
	_ =	sdelay $0x4  }
0xff: {  	[tilespmem:s9+$0xFFFFFFD0] =	vst v1  }
0x100: {  	v1 =	vld [tilespmem:s2+$0x2040];
	_ =	sdelay $0x4  }
0x101: {  	[tilespmem:s9+$0xFFFFFFE0] =	vst v1  }
0x102: {  	v1 =	vld [tilespmem:s2+$0x2050];
	_ =	sdelay $0x4  }
0x103: {  	[tilespmem:s9+$0xFFFFFFF0] =	vst v1  }
0x104: {  	v1 =	vld [tilespmem:s2+$0x2060];
	_ =	sdelay $0x4  }
0x105: {  	[tilespmem:s9+$0x0] =	vst v1  }
0x106: {  	v1 =	vld [tilespmem:s2+$0x2070];
	_ =	sdelay $0x4  }
0x107: {  	[tilespmem:s9+$0x10] =	vst v1  }
0x108: {  	v1 =	vld [tilespmem:s2+$0x2400];
	_ =	sdelay $0x3  }
0x109: {  	s16 =	sand.u32 $0xFF8, s8  }
0x10a: {  	[tilespmem:s16+$0x5980] =	vst v1  }
0x10b: {  	v1 =	vld [tilespmem:s2+$0x2410];
	_ =	sdelay $0x4  }
0x10c: {  	[tilespmem:s9+$0x30] =	vst v1  }
0x10d: {  	v1 =	vld [tilespmem:s2+$0x2420];
	_ =	sdelay $0x4  }
0x10e: {  	[tilespmem:s9+$0x40] =	vst v1  }
0x10f: {  	v1 =	vld [tilespmem:s2+$0x2430];
	_ =	sdelay $0x4  }
0x110: {  	s2 =	sor.u32 $0x2440, s2;
	[tilespmem:s9+$0x50] =	vst v1  }
0x111: {  	v2 =	vld.msk [tilespmem:s2+$0x0], $0xff;
	_ =	sdelay $0x4  }
0x112: {  	v1 =	vperm.xlane v1, v0;
	v2 =	vperm.xlane v2, v0  }
0x113: {  	s10 =	simm.s32 $0x80;
	s17 =	simm.s32 $0x100  }
0x114: {  	s11 =	simm.s32 $0x200;
	s6 =	sand.u32 $0x800, s17;
	s16 =	sand.u32 $0x380, s10;
	v1 =	vsel vm0, v1, v2  }
.LBB2_6:
0x115: {  	p0 =	sne.s32 s11, $0xF00;
	s16 =	sor.u32 s16, s6;
	[tilespmem:s9+$0x58] =	vst v1  }
0x116: {  	v1 =	vld [tilespmem:s16+$0x2000];
	_ =	sdelay $0x3  }
0x117: {  	s9 =	sadd.s32 $0xC8, s9  }
0x118: {  	[tilespmem:s9+$0xFFFFFFA0] =	vst v1  }
0x119: {  	v1 =	vld [tilespmem:s16+$0x2010];
	_ =	sdelay $0x4  }
0x11a: {  	[tilespmem:s9+$0xFFFFFFB0] =	vst v1  }
0x11b: {  	v1 =	vld [tilespmem:s16+$0x2020];
	_ =	sdelay $0x4  }
0x11c: {  	[tilespmem:s9+$0xFFFFFFC0] =	vst v1  }
0x11d: {  	v1 =	vld [tilespmem:s16+$0x2030];
	_ =	sdelay $0x4  }
0x11e: {  	[tilespmem:s9+$0xFFFFFFD0] =	vst v1  }
0x11f: {  	v1 =	vld [tilespmem:s16+$0x2040];
	_ =	sdelay $0x4  }
0x120: {  	[tilespmem:s9+$0xFFFFFFE0] =	vst v1  }
0x121: {  	v1 =	vld [tilespmem:s16+$0x2050];
	_ =	sdelay $0x4  }
0x122: {  	[tilespmem:s9+$0xFFFFFFF0] =	vst v1  }
0x123: {  	v1 =	vld [tilespmem:s16+$0x2060];
	_ =	sdelay $0x4  }
0x124: {  	[tilespmem:s9+$0x0] =	vst v1  }
0x125: {  	v1 =	vld [tilespmem:s16+$0x2070];
	_ =	sdelay $0x4  }
0x126: {  	[tilespmem:s9+$0x10] =	vst v1  }
0x127: {  	v1 =	vld [tilespmem:s16+$0x2400];
	_ =	sdelay $0x2  }
0x128: {  	s8 =	sadd.s32 $0xC8, s8  }
0x129: {  	s2 =	sand.u32 $0xFF8, s8  }
0x12a: {  	[tilespmem:s2+$0x5980] =	vst v1  }
0x12b: {  	v1 =	vld [tilespmem:s16+$0x2410];
	_ =	sdelay $0x4  }
0x12c: {  	[tilespmem:s9+$0x30] =	vst v1  }
0x12d: {  	v1 =	vld [tilespmem:s16+$0x2420];
	_ =	sdelay $0x4  }
0x12e: {  	[tilespmem:s9+$0x40] =	vst v1  }
0x12f: {  	v1 =	vld [tilespmem:s16+$0x2430];
	_ =	sdelay $0x4  }
0x130: {  	s2 =	sor.u32 $0x2440, s16;
	[tilespmem:s9+$0x50] =	vst v1  }
0x131: {  	v2 =	vld.msk [tilespmem:s2+$0x0], $0xff;
	_ =	sdelay $0x2  }
.Ltmp4:
0x132: {  	(pc) =	sbr.rel @p0 .LBB2_6-.Ltmp4, $4  }
0x133: {  	_ = 	snop  }
0x134: {  	v1 =	vperm.xlane v1, v0;
	v2 =	vperm.xlane v2, v0  }
0x135: {  	s10 =	sadd.s32 $0x80, s10  }
0x136: {  	s6 =	sand.u32 $0x800, s11;
	s11 =	sadd.s32 $0x100, s11;
	s16 =	sand.u32 $0x380, s10;
	v1 =	vsel vm0, v1, v2  }
0x137: {  	s2 =	sor.u32 s16, s6;
	[tilespmem:s9+$0x58] =	vst v1  }
0x138: {  	v1 =	vld [tilespmem:s2+$0x2000];
	_ =	sdelay $0x3  }
0x139: {  	s17 =	sadd.s32 $0xC8, s9  }
0x13a: {  	[tilespmem:s17+$0xFFFFFFA0] =	vst v1  }
0x13b: {  	v1 =	vld [tilespmem:s2+$0x2010];
	_ =	sdelay $0x4  }
0x13c: {  	[tilespmem:s17+$0xFFFFFFB0] =	vst v1  }
0x13d: {  	v1 =	vld [tilespmem:s2+$0x2020];
	_ =	sdelay $0x4  }
0x13e: {  	[tilespmem:s17+$0xFFFFFFC0] =	vst v1  }
0x13f: {  	v1 =	vld [tilespmem:s2+$0x2030];
	_ =	sdelay $0x4  }
0x140: {  	[tilespmem:s17+$0xFFFFFFD0] =	vst v1  }
0x141: {  	v1 =	vld [tilespmem:s2+$0x2040];
	_ =	sdelay $0x4  }
0x142: {  	[tilespmem:s17+$0xFFFFFFE0] =	vst v1  }
0x143: {  	v1 =	vld [tilespmem:s2+$0x2050];
	_ =	sdelay $0x4  }
0x144: {  	[tilespmem:s17+$0xFFFFFFF0] =	vst v1  }
0x145: {  	v1 =	vld [tilespmem:s2+$0x2060];
	_ =	sdelay $0x4  }
0x146: {  	[tilespmem:s17+$0x0] =	vst v1  }
0x147: {  	v1 =	vld [tilespmem:s2+$0x2070];
	_ =	sdelay $0x4  }
0x148: {  	[tilespmem:s17+$0x10] =	vst v1  }
0x149: {  	v1 =	vld [tilespmem:s2+$0x2400];
	_ =	sdelay $0x2  }
0x14a: {  	s8 =	sadd.s32 $0xC8, s8  }
0x14b: {  	s8 =	sand.u32 $0xFF8, s8  }
0x14c: {  	[tilespmem:s8+$0x5980] =	vst v1  }
0x14d: {  	v1 =	vld [tilespmem:s2+$0x2410];
	_ =	sdelay $0x4  }
0x14e: {  	[tilespmem:s17+$0x30] =	vst v1  }
0x14f: {  	v1 =	vld [tilespmem:s2+$0x2420];
	_ =	sdelay $0x4  }
0x150: {  	[tilespmem:s17+$0x40] =	vst v1  }
0x151: {  	v1 =	vld [tilespmem:s2+$0x2430];
	_ =	sdelay $0x4  }
0x152: {  	s2 =	sor.u32 $0x2440, s2;
	[tilespmem:s17+$0x50] =	vst v1  }
0x153: {  	v2 =	vld.msk [tilespmem:s2+$0x0], $0xff;
	_ =	sdelay $0x4  }
0x154: {  	v1 =	vperm.xlane v1, v0;
	v2 =	vperm.xlane v2, v0;
	_ =	sdelay $0x1  }
0x155: {  	v1 =	vsel vm0, v1, v2  }
0x156: {  	[tilespmem:s17+$0x58] =	vst v1  }
0x157: {  	[tilespmem:s31], [sflag:$0x3] =	stream.indirect.gather [hbm4b:s3+s22], $0x1, s30, s22, $0xb8;
	[tilespmem:$0xA480] =	vst v63  }
0x158: {  	s6 =	rddreg [dreg:$0x8];
	s9 =	simm.s32 $0x2000;
	s8 =	simm.s32 $0x0  }
0x159: {  	[tilespmem:s9], [sflag:$0x7] =	stream.linear.gather [hbm4b:s6+s8], $0x1000, $0x38;
	[tilespmem:$0xA480] =	vst v63  }
0x15a: {  	_ =	swait.ge [sflag:s1], $0x1000  }
0x15b: {  	s10 =	sand.u32 $0x800, s8;
	s11 =	sand.u32 $0x380, s8;
	[sflag:s1] =	ssyncset.done $0x0  }
0x15c: {  	s2 =	sor.u32 s11, s10;
	[sflag:s1] =	ssyncadd.s32 $0xFFFFF000  }
0x15d: {  	v1 =	vld [tilespmem:s2+$0x3000];
	_ =	sdelay $0x3  }
0x15e: {  	s9 =	simm.s32 $0x65E0  }
0x15f: {  	[tilespmem:s9+$0xFFFFFFA0] =	vst v1  }
0x160: {  	v1 =	vld [tilespmem:s2+$0x3010];
	_ =	sdelay $0x4  }
0x161: {  	[tilespmem:s9+$0xFFFFFFB0] =	vst v1  }
0x162: {  	v1 =	vld [tilespmem:s2+$0x3020];
	_ =	sdelay $0x4  }
0x163: {  	[tilespmem:s9+$0xFFFFFFC0] =	vst v1  }
0x164: {  	v1 =	vld [tilespmem:s2+$0x3030];
	_ =	sdelay $0x4  }
0x165: {  	[tilespmem:s9+$0xFFFFFFD0] =	vst v1  }
0x166: {  	v1 =	vld [tilespmem:s2+$0x3040];
	_ =	sdelay $0x4  }
0x167: {  	[tilespmem:s9+$0xFFFFFFE0] =	vst v1  }
0x168: {  	v1 =	vld [tilespmem:s2+$0x3050];
	_ =	sdelay $0x4  }
0x169: {  	[tilespmem:s9+$0xFFFFFFF0] =	vst v1  }
0x16a: {  	v1 =	vld [tilespmem:s2+$0x3060];
	_ =	sdelay $0x4  }
0x16b: {  	[tilespmem:s9+$0x0] =	vst v1  }
0x16c: {  	v1 =	vld [tilespmem:s2+$0x3070];
	_ =	sdelay $0x4  }
0x16d: {  	[tilespmem:s9+$0x10] =	vst v1  }
0x16e: {  	v1 =	vld [tilespmem:s2+$0x3400];
	_ =	sdelay $0x3  }
0x16f: {  	s16 =	sand.u32 $0xFF8, s8  }
0x170: {  	[tilespmem:s16+$0x6600] =	vst v1  }
0x171: {  	v1 =	vld [tilespmem:s2+$0x3410];
	_ =	sdelay $0x4  }
0x172: {  	[tilespmem:s9+$0x30] =	vst v1  }
0x173: {  	v1 =	vld [tilespmem:s2+$0x3420];
	_ =	sdelay $0x4  }
0x174: {  	[tilespmem:s9+$0x40] =	vst v1  }
0x175: {  	v1 =	vld [tilespmem:s2+$0x3430];
	_ =	sdelay $0x4  }
0x176: {  	s2 =	sor.u32 $0x3440, s2;
	[tilespmem:s9+$0x50] =	vst v1  }
0x177: {  	v2 =	vld.msk [tilespmem:s2+$0x0], $0xff;
	_ =	sdelay $0x4  }
0x178: {  	v1 =	vperm.xlane v1, v0;
	v2 =	vperm.xlane v2, v0  }
0x179: {  	s10 =	simm.s32 $0x80;
	s17 =	simm.s32 $0x100  }
0x17a: {  	s11 =	simm.s32 $0x200;
	s6 =	sand.u32 $0x800, s17;
	s16 =	sand.u32 $0x380, s10;
	v1 =	vsel vm0, v1, v2  }
.LBB2_8:
0x17b: {  	p0 =	sne.s32 s11, $0xF00;
	s16 =	sor.u32 s16, s6;
	[tilespmem:s9+$0x58] =	vst v1  }
0x17c: {  	v1 =	vld [tilespmem:s16+$0x3000];
	_ =	sdelay $0x3  }
0x17d: {  	s9 =	sadd.s32 $0xC8, s9  }
0x17e: {  	[tilespmem:s9+$0xFFFFFFA0] =	vst v1  }
0x17f: {  	v1 =	vld [tilespmem:s16+$0x3010];
	_ =	sdelay $0x4  }
0x180: {  	[tilespmem:s9+$0xFFFFFFB0] =	vst v1  }
0x181: {  	v1 =	vld [tilespmem:s16+$0x3020];
	_ =	sdelay $0x4  }
0x182: {  	[tilespmem:s9+$0xFFFFFFC0] =	vst v1  }
0x183: {  	v1 =	vld [tilespmem:s16+$0x3030];
	_ =	sdelay $0x4  }
0x184: {  	[tilespmem:s9+$0xFFFFFFD0] =	vst v1  }
0x185: {  	v1 =	vld [tilespmem:s16+$0x3040];
	_ =	sdelay $0x4  }
0x186: {  	[tilespmem:s9+$0xFFFFFFE0] =	vst v1  }
0x187: {  	v1 =	vld [tilespmem:s16+$0x3050];
	_ =	sdelay $0x4  }
0x188: {  	[tilespmem:s9+$0xFFFFFFF0] =	vst v1  }
0x189: {  	v1 =	vld [tilespmem:s16+$0x3060];
	_ =	sdelay $0x4  }
0x18a: {  	[tilespmem:s9+$0x0] =	vst v1  }
0x18b: {  	v1 =	vld [tilespmem:s16+$0x3070];
	_ =	sdelay $0x4  }
0x18c: {  	[tilespmem:s9+$0x10] =	vst v1  }
0x18d: {  	v1 =	vld [tilespmem:s16+$0x3400];
	_ =	sdelay $0x2  }
0x18e: {  	s8 =	sadd.s32 $0xC8, s8  }
0x18f: {  	s2 =	sand.u32 $0xFF8, s8  }
0x190: {  	[tilespmem:s2+$0x6600] =	vst v1  }
0x191: {  	v1 =	vld [tilespmem:s16+$0x3410];
	_ =	sdelay $0x4  }
0x192: {  	[tilespmem:s9+$0x30] =	vst v1  }
0x193: {  	v1 =	vld [tilespmem:s16+$0x3420];
	_ =	sdelay $0x4  }
0x194: {  	[tilespmem:s9+$0x40] =	vst v1  }
0x195: {  	v1 =	vld [tilespmem:s16+$0x3430];
	_ =	sdelay $0x4  }
0x196: {  	s2 =	sor.u32 $0x3440, s16;
	[tilespmem:s9+$0x50] =	vst v1  }
0x197: {  	v2 =	vld.msk [tilespmem:s2+$0x0], $0xff;
	_ =	sdelay $0x2  }
.Ltmp5:
0x198: {  	(pc) =	sbr.rel @p0 .LBB2_8-.Ltmp5, $4  }
0x199: {  	_ = 	snop  }
0x19a: {  	v1 =	vperm.xlane v1, v0;
	v2 =	vperm.xlane v2, v0  }
0x19b: {  	s10 =	sadd.s32 $0x80, s10  }
0x19c: {  	s6 =	sand.u32 $0x800, s11;
	s11 =	sadd.s32 $0x100, s11;
	s16 =	sand.u32 $0x380, s10;
	v1 =	vsel vm0, v1, v2  }
0x19d: {  	s2 =	sor.u32 s16, s6;
	[tilespmem:s9+$0x58] =	vst v1  }
0x19e: {  	v1 =	vld [tilespmem:s2+$0x3000];
	_ =	sdelay $0x3  }
0x19f: {  	s11 =	sadd.s32 $0xC8, s9  }
0x1a0: {  	[tilespmem:s11+$0xFFFFFFA0] =	vst v1  }
0x1a1: {  	v1 =	vld [tilespmem:s2+$0x3010];
	_ =	sdelay $0x4  }
0x1a2: {  	[tilespmem:s11+$0xFFFFFFB0] =	vst v1  }
0x1a3: {  	v1 =	vld [tilespmem:s2+$0x3020];
	_ =	sdelay $0x4  }
0x1a4: {  	[tilespmem:s11+$0xFFFFFFC0] =	vst v1  }
0x1a5: {  	v1 =	vld [tilespmem:s2+$0x3030];
	_ =	sdelay $0x4  }
0x1a6: {  	[tilespmem:s11+$0xFFFFFFD0] =	vst v1  }
0x1a7: {  	v1 =	vld [tilespmem:s2+$0x3040];
	_ =	sdelay $0x4  }
0x1a8: {  	[tilespmem:s11+$0xFFFFFFE0] =	vst v1  }
0x1a9: {  	v1 =	vld [tilespmem:s2+$0x3050];
	_ =	sdelay $0x4  }
0x1aa: {  	[tilespmem:s11+$0xFFFFFFF0] =	vst v1  }
0x1ab: {  	v1 =	vld [tilespmem:s2+$0x3060];
	_ =	sdelay $0x4  }
0x1ac: {  	[tilespmem:s11+$0x0] =	vst v1  }
0x1ad: {  	v1 =	vld [tilespmem:s2+$0x3070];
	_ =	sdelay $0x4  }
0x1ae: {  	[tilespmem:s11+$0x10] =	vst v1  }
0x1af: {  	v1 =	vld [tilespmem:s2+$0x3400];
	_ =	sdelay $0x2  }
0x1b0: {  	s8 =	sadd.s32 $0xC8, s8  }
0x1b1: {  	s8 =	sand.u32 $0xFF8, s8  }
0x1b2: {  	[tilespmem:s8+$0x6600] =	vst v1  }
0x1b3: {  	v1 =	vld [tilespmem:s2+$0x3410];
	_ =	sdelay $0x4  }
0x1b4: {  	[tilespmem:s11+$0x30] =	vst v1  }
0x1b5: {  	v1 =	vld [tilespmem:s2+$0x3420];
	_ =	sdelay $0x4  }
0x1b6: {  	[tilespmem:s11+$0x40] =	vst v1  }
0x1b7: {  	v1 =	vld [tilespmem:s2+$0x3430];
	_ =	sdelay $0x4  }
0x1b8: {  	s2 =	sor.u32 $0x3440, s2;
	[tilespmem:s11+$0x50] =	vst v1  }
0x1b9: {  	v2 =	vld.msk [tilespmem:s2+$0x0], $0xff;
	_ =	sdelay $0x4  }
0x1ba: {  	v1 =	vperm.xlane v1, v0;
	v2 =	vperm.xlane v2, v0;
	_ =	sdelay $0x1  }
0x1bb: {  	v1 =	vsel vm0, v1, v2  }
0x1bc: {  	[tilespmem:s11+$0x58] =	vst v1  }
0x1bd: {  	[tilespmem:s18], [sflag:$0x4] =	stream.indirect.gather [hbm4b:s3+s22], $0x1, s0, s22, $0xb8;
	[tilespmem:$0xA480] =	vst v63  }
0x1be: {  	s16 =	rddreg [dreg:$0x9];
	s17 =	simm.s32 $0x3000;
	s8 =	simm.s32 $0x0  }
0x1bf: {  	v1 =	vimm.f32 $0.0e+00;
	[tilespmem:s17], [sflag:$0x8] =	stream.linear.gather [hbm4b:s16+s8], $0x1000, $0x38;
	[tilespmem:$0xA480] =	vst v63  }
.LBB2_10:
0x1c0: {  	_ =	swait.ge [sflag:s19], $0xC80  }
0x1c1: {  	[sflag:s19] =	ssyncset.done $0x0  }
0x1c2: {  	s2 =	simm.s32 $0x7240;
	[sflag:s19] =	ssyncadd.s32 $0xFFFFF380  }
0x1c3: {  	v7 =	vld [tilespmem:s2+$0xFFFFFFC0]  }
0x1c4: {  	v8 =	vld [tilespmem:s2+$0xFFFFFFD0]  }
0x1c5: {  	v3 =	vld [tilespmem:s2+$0xFFFFFFE0]  }
0x1c6: {  	v6 =	vld [tilespmem:s2+$0xFFFFFFF0]  }
0x1c7: {  	v2 =	vld [tilespmem:s2+$0x0]  }
0x1c8: {  	v5 =	vld [tilespmem:s2+$0x10]  }
0x1c9: {  	v4 =	vld [tilespmem:s2+$0x20];
	v8 =	vadd.f32 v8, v7  }
0x1ca: {  	s6 =	simm.s32 $0x0;
	s9 =	simm.s32 $0x72C0;
	v7 =	vld [tilespmem:s2+$0x30]  }
.LBB2_11:
0x1cb: {  	v9 =	vld [tilespmem:s9+$0xFFFFFFC0];
	v1 =	vadd.f32 v8, v1;
	v6 =	vadd.f32 v6, v3  }
0x1cc: {  	s6 =	sadd.s32 $0x4, s6;
	v8 =	vld [tilespmem:s9+$0xFFFFFFD0]  }
0x1cd: {  	p0 =	slt.u32 s6, $0x60;
	v3 =	vld [tilespmem:s9+$0xFFFFFFE0];
	v1 =	vadd.f32 v6, v1;
	v5 =	vadd.f32 v5, v2  }
.Ltmp6:
0x1ce: {  	v6 =	vld [tilespmem:s9+$0xFFFFFFF0];
	(pc) =	sbr.rel @p0 .LBB2_11-.Ltmp6, $4  }
0x1cf: {  	v2 =	vld [tilespmem:s9+$0x0];
	v1 =	vadd.f32 v5, v1;
	v7 =	vadd.f32 v7, v4  }
0x1d0: {  	v5 =	vld [tilespmem:s9+$0x10]  }
0x1d1: {  	v8 =	vadd.f32 v8, v9;
	v4 =	vld [tilespmem:s9+$0x20];
	v1 =	vadd.f32 v7, v1  }
0x1d2: {  	v7 =	vld [tilespmem:s9+$0x30];
	s9 =	sadd.s32 $0x80, s9  }
0x1d3: {  	v1 =	vadd.f32 v8, v1;
	v3 =	vadd.f32 v6, v3;
	_ =	sdelay $0x1  }
0x1d4: {  	p0 =	seq.s32 s8, $0x7;
	v1 =	vadd.f32 v3, v1;
	v2 =	vadd.f32 v5, v2  }
.Ltmp7:
0x1d5: {  	_ = 	snop;
	(pc) =	sbr.rel @p0 .LBB2_16-.Ltmp7, $3  }
0x1d6: {  	v1 =	vadd.f32 v2, v1;
	v2 =	vadd.f32 v7, v4;
	_ =	sdelay $0x1  }
0x1d7: {  	v1 =	vadd.f32 v2, v1  }
0x1d8: {  	s9 =	sshll.u32 s8, $0xB  }
0x1d9: {  	_ =	swait.ge [sflag:s21], $0x1000;
	s10 =	simm.s32 $0x0  }
0x1da: {  	[sflag:s21] =	ssyncset.done $0x0;
	s2 =	sand.u32 $0x800, s10;
	s6 =	sand.u32 $0x380, s10  }
0x1db: {  	[sflag:s21] =	ssyncadd.s32 $0xFFFFF000;
	s2 =	sor.u32 s6, s2  }
0x1dc: {  	v2 =	vld [tilespmem:s2+$0x0];
	_ =	sdelay $0x3  }
0x1dd: {  	s11 =	simm.s32 $0x4060  }
0x1de: {  	[tilespmem:s11+$0xFFFFFFA0] =	vst v2  }
0x1df: {  	v2 =	vld [tilespmem:s2+$0x10];
	_ =	sdelay $0x4  }
0x1e0: {  	[tilespmem:s11+$0xFFFFFFB0] =	vst v2  }
0x1e1: {  	v2 =	vld [tilespmem:s2+$0x20];
	_ =	sdelay $0x4  }
0x1e2: {  	[tilespmem:s11+$0xFFFFFFC0] =	vst v2  }
0x1e3: {  	v2 =	vld [tilespmem:s2+$0x30];
	_ =	sdelay $0x4  }
0x1e4: {  	[tilespmem:s11+$0xFFFFFFD0] =	vst v2  }
0x1e5: {  	v2 =	vld [tilespmem:s2+$0x40];
	_ =	sdelay $0x4  }
0x1e6: {  	[tilespmem:s11+$0xFFFFFFE0] =	vst v2  }
0x1e7: {  	v2 =	vld [tilespmem:s2+$0x50];
	_ =	sdelay $0x4  }
0x1e8: {  	[tilespmem:s11+$0xFFFFFFF0] =	vst v2  }
0x1e9: {  	v2 =	vld [tilespmem:s2+$0x60];
	_ =	sdelay $0x4  }
0x1ea: {  	[tilespmem:s11+$0x0] =	vst v2  }
0x1eb: {  	v2 =	vld [tilespmem:s2+$0x70];
	_ =	sdelay $0x4  }
0x1ec: {  	[tilespmem:s11+$0x10] =	vst v2  }
0x1ed: {  	v2 =	vld [tilespmem:s2+$0x400];
	_ =	sdelay $0x3  }
0x1ee: {  	s16 =	sand.u32 $0xFF8, s10  }
0x1ef: {  	[tilespmem:s16+$0x4080] =	vst v2  }
0x1f0: {  	v2 =	vld [tilespmem:s2+$0x410];
	_ =	sdelay $0x4  }
0x1f1: {  	[tilespmem:s11+$0x30] =	vst v2  }
0x1f2: {  	v2 =	vld [tilespmem:s2+$0x420];
	_ =	sdelay $0x4  }
0x1f3: {  	[tilespmem:s11+$0x40] =	vst v2  }
0x1f4: {  	v2 =	vld [tilespmem:s2+$0x430];
	_ =	sdelay $0x4  }
0x1f5: {  	s2 =	sor.u32 $0x440, s2;
	[tilespmem:s11+$0x50] =	vst v2  }
0x1f6: {  	v3 =	vld.msk [tilespmem:s2+$0x0], $0xff;
	_ =	sdelay $0x4  }
0x1f7: {  	v2 =	vperm.xlane v2, v0;
	v3 =	vperm.xlane v3, v0  }
0x1f8: {  	s17 =	simm.s32 $0x100;
	s16 =	simm.s32 $0x80  }
0x1f9: {  	s6 =	sand.u32 $0x800, s17;
	s17 =	simm.s32 $0x200;
	s2 =	sand.u32 $0x380, s16;
	v2 =	vsel vm0, v2, v3  }
.LBB2_14:
0x1fa: {  	p1 =	sne.s32 s17, $0xF00;
	s6 =	sor.u32 s2, s6;
	[tilespmem:s11+$0x58] =	vst v2  }
0x1fb: {  	v2 =	vld [tilespmem:s6+$0x0];
	_ =	sdelay $0x3  }
0x1fc: {  	s11 =	sadd.s32 $0xC8, s11  }
0x1fd: {  	[tilespmem:s11+$0xFFFFFFA0] =	vst v2  }
0x1fe: {  	v2 =	vld [tilespmem:s6+$0x10];
	_ =	sdelay $0x4  }
0x1ff: {  	[tilespmem:s11+$0xFFFFFFB0] =	vst v2  }
0x200: {  	v2 =	vld [tilespmem:s6+$0x20];
	_ =	sdelay $0x4  }
0x201: {  	[tilespmem:s11+$0xFFFFFFC0] =	vst v2  }
0x202: {  	v2 =	vld [tilespmem:s6+$0x30];
	_ =	sdelay $0x4  }
0x203: {  	[tilespmem:s11+$0xFFFFFFD0] =	vst v2  }
0x204: {  	v2 =	vld [tilespmem:s6+$0x40];
	_ =	sdelay $0x4  }
0x205: {  	[tilespmem:s11+$0xFFFFFFE0] =	vst v2  }
0x206: {  	v2 =	vld [tilespmem:s6+$0x50];
	_ =	sdelay $0x4  }
0x207: {  	[tilespmem:s11+$0xFFFFFFF0] =	vst v2  }
0x208: {  	v2 =	vld [tilespmem:s6+$0x60];
	_ =	sdelay $0x4  }
0x209: {  	[tilespmem:s11+$0x0] =	vst v2  }
0x20a: {  	v2 =	vld [tilespmem:s6+$0x70];
	_ =	sdelay $0x4  }
0x20b: {  	[tilespmem:s11+$0x10] =	vst v2  }
0x20c: {  	v2 =	vld [tilespmem:s6+$0x400];
	_ =	sdelay $0x2  }
0x20d: {  	s10 =	sadd.s32 $0xC8, s10  }
0x20e: {  	s2 =	sand.u32 $0xFF8, s10  }
0x20f: {  	[tilespmem:s2+$0x4080] =	vst v2  }
0x210: {  	v2 =	vld [tilespmem:s6+$0x410];
	_ =	sdelay $0x4  }
0x211: {  	[tilespmem:s11+$0x30] =	vst v2  }
0x212: {  	v2 =	vld [tilespmem:s6+$0x420];
	_ =	sdelay $0x4  }
0x213: {  	[tilespmem:s11+$0x40] =	vst v2  }
0x214: {  	v2 =	vld [tilespmem:s6+$0x430];
	_ =	sdelay $0x4  }
0x215: {  	s2 =	sor.u32 $0x440, s6;
	[tilespmem:s11+$0x50] =	vst v2  }
0x216: {  	v3 =	vld.msk [tilespmem:s2+$0x0], $0xff;
	_ =	sdelay $0x2  }
.Ltmp8:
0x217: {  	(pc) =	sbr.rel @p1 .LBB2_14-.Ltmp8, $4  }
0x218: {  	_ = 	snop  }
0x219: {  	v2 =	vperm.xlane v2, v0;
	v3 =	vperm.xlane v3, v0  }
0x21a: {  	s16 =	sadd.s32 $0x80, s16  }
0x21b: {  	s6 =	sand.u32 $0x800, s17;
	s17 =	sadd.s32 $0x100, s17;
	s2 =	sand.u32 $0x380, s16;
	v2 =	vsel vm0, v2, v3  }
0x21c: {  	s2 =	sor.u32 s2, s6;
	[tilespmem:s11+$0x58] =	vst v2  }
0x21d: {  	v2 =	vld [tilespmem:s2+$0x0];
	_ =	sdelay $0x3  }
0x21e: {  	s17 =	sadd.s32 $0xC8, s11  }
0x21f: {  	[tilespmem:s17+$0xFFFFFFA0] =	vst v2  }
0x220: {  	v2 =	vld [tilespmem:s2+$0x10];
	_ =	sdelay $0x4  }
0x221: {  	[tilespmem:s17+$0xFFFFFFB0] =	vst v2  }
0x222: {  	v2 =	vld [tilespmem:s2+$0x20];
	_ =	sdelay $0x4  }
0x223: {  	[tilespmem:s17+$0xFFFFFFC0] =	vst v2  }
0x224: {  	v2 =	vld [tilespmem:s2+$0x30];
	_ =	sdelay $0x4  }
0x225: {  	[tilespmem:s17+$0xFFFFFFD0] =	vst v2  }
0x226: {  	v2 =	vld [tilespmem:s2+$0x40];
	_ =	sdelay $0x4  }
0x227: {  	[tilespmem:s17+$0xFFFFFFE0] =	vst v2  }
0x228: {  	v2 =	vld [tilespmem:s2+$0x50];
	_ =	sdelay $0x4  }
0x229: {  	[tilespmem:s17+$0xFFFFFFF0] =	vst v2  }
0x22a: {  	v2 =	vld [tilespmem:s2+$0x60];
	_ =	sdelay $0x4  }
0x22b: {  	[tilespmem:s17+$0x0] =	vst v2  }
0x22c: {  	v2 =	vld [tilespmem:s2+$0x70];
	_ =	sdelay $0x4  }
0x22d: {  	[tilespmem:s17+$0x10] =	vst v2  }
0x22e: {  	v2 =	vld [tilespmem:s2+$0x400];
	_ =	sdelay $0x2  }
0x22f: {  	s10 =	sadd.s32 $0xC8, s10  }
0x230: {  	s10 =	sand.u32 $0xFF8, s10  }
0x231: {  	[tilespmem:s10+$0x4080] =	vst v2  }
0x232: {  	v2 =	vld [tilespmem:s2+$0x410];
	_ =	sdelay $0x4  }
0x233: {  	[tilespmem:s17+$0x30] =	vst v2  }
0x234: {  	v2 =	vld [tilespmem:s2+$0x420];
	_ =	sdelay $0x4  }
0x235: {  	[tilespmem:s17+$0x40] =	vst v2  }
0x236: {  	v2 =	vld [tilespmem:s2+$0x430];
	_ =	sdelay $0x4  }
0x237: {  	s2 =	sor.u32 $0x440, s2;
	[tilespmem:s17+$0x50] =	vst v2  }
0x238: {  	v3 =	vld.msk [tilespmem:s2+$0x0], $0xff;
	_ =	sdelay $0x4  }
0x239: {  	v2 =	vperm.xlane v2, v0;
	v3 =	vperm.xlane v3, v0;
	_ =	sdelay $0x1  }
0x23a: {  	v2 =	vsel vm0, v2, v3  }
0x23b: {  	p1 =	sgt.u32 s8, $0x5;
	[tilespmem:s17+$0x58] =	vst v2  }
0x23c: {  	[tilespmem:s24], [sflag:$0x1] =	stream.indirect.gather [hbm4b:s3+s22], $0x1, s23, s22, $0xb8;
	[tilespmem:$0xA480] =	vst v63  }
0x23d: {  	s6 =	simm.s32 @!p1 $0x0;
	s2 =	sadd.s32 @!p1 s9, s12  }
0x23e: {  	[tilespmem:s6], [sflag:$0x5] =	stream.linear.gather @!p1 [hbm4b:s2+s6], $0x1000, $0x38;
	[tilespmem:$0xA480] =	vst v63  }
.LBB2_16:
0x23f: {  	_ =	swait.ge [sflag:s20], $0xC80  }
0x240: {  	[sflag:s20] =	ssyncset.done $0x0  }
0x241: {  	s2 =	simm.s32 $0x7EC0;
	[sflag:s20] =	ssyncadd.s32 $0xFFFFF380  }
0x242: {  	v7 =	vld [tilespmem:s2+$0xFFFFFFC0]  }
0x243: {  	v8 =	vld [tilespmem:s2+$0xFFFFFFD0]  }
0x244: {  	v3 =	vld [tilespmem:s2+$0xFFFFFFE0]  }
0x245: {  	v6 =	vld [tilespmem:s2+$0xFFFFFFF0]  }
0x246: {  	v2 =	vld [tilespmem:s2+$0x0]  }
0x247: {  	v5 =	vld [tilespmem:s2+$0x10]  }
0x248: {  	v4 =	vld [tilespmem:s2+$0x20];
	v8 =	vadd.f32 v8, v7  }
0x249: {  	s6 =	simm.s32 $0x0;
	s10 =	simm.s32 $0x7F40;
	v7 =	vld [tilespmem:s2+$0x30]  }
.LBB2_17:
0x24a: {  	v9 =	vld [tilespmem:s10+$0xFFFFFFC0];
	v1 =	vadd.f32 v8, v1;
	v6 =	vadd.f32 v6, v3  }
0x24b: {  	s6 =	sadd.s32 $0x4, s6;
	v8 =	vld [tilespmem:s10+$0xFFFFFFD0]  }
0x24c: {  	p1 =	slt.u32 s6, $0x60;
	v3 =	vld [tilespmem:s10+$0xFFFFFFE0];
	v1 =	vadd.f32 v6, v1;
	v5 =	vadd.f32 v5, v2  }
.Ltmp9:
0x24d: {  	v6 =	vld [tilespmem:s10+$0xFFFFFFF0];
	(pc) =	sbr.rel @p1 .LBB2_17-.Ltmp9, $4  }
0x24e: {  	v2 =	vld [tilespmem:s10+$0x0];
	v1 =	vadd.f32 v5, v1;
	v7 =	vadd.f32 v7, v4  }
0x24f: {  	v5 =	vld [tilespmem:s10+$0x10]  }
0x250: {  	v8 =	vadd.f32 v8, v9;
	v4 =	vld [tilespmem:s10+$0x20];
	v1 =	vadd.f32 v7, v1  }
0x251: {  	v7 =	vld [tilespmem:s10+$0x30];
	s10 =	sadd.s32 $0x80, s10  }
0x252: {  	v1 =	vadd.f32 v8, v1;
	v3 =	vadd.f32 v6, v3;
	_ =	sdelay $0x1  }
0x253: {  	v1 =	vadd.f32 v3, v1;
	v2 =	vadd.f32 v5, v2  }
.Ltmp10:
0x254: {  	_ = 	snop;
	(pc) =	sbr.rel @p0 .LBB2_22-.Ltmp10, $2  }
0x255: {  	v1 =	vadd.f32 v2, v1;
	v2 =	vadd.f32 v7, v4;
	_ =	sdelay $0x1  }
0x256: {  	v1 =	vadd.f32 v2, v1;
	_ =	sdelay $0x1  }
0x257: {  	_ =	swait.ge [sflag:s25], $0x1000;
	s10 =	simm.s32 $0x0  }
0x258: {  	[sflag:s25] =	ssyncset.done $0x0;
	s2 =	sand.u32 $0x800, s10;
	s6 =	sand.u32 $0x380, s10  }
0x259: {  	[sflag:s25] =	ssyncadd.s32 $0xFFFFF000;
	s2 =	sor.u32 s6, s2  }
0x25a: {  	v2 =	vld [tilespmem:s2+$0x1000];
	_ =	sdelay $0x3  }
0x25b: {  	s11 =	simm.s32 $0x4CE0  }
0x25c: {  	[tilespmem:s11+$0xFFFFFFA0] =	vst v2  }
0x25d: {  	v2 =	vld [tilespmem:s2+$0x1010];
	_ =	sdelay $0x4  }
0x25e: {  	[tilespmem:s11+$0xFFFFFFB0] =	vst v2  }
0x25f: {  	v2 =	vld [tilespmem:s2+$0x1020];
	_ =	sdelay $0x4  }
0x260: {  	[tilespmem:s11+$0xFFFFFFC0] =	vst v2  }
0x261: {  	v2 =	vld [tilespmem:s2+$0x1030];
	_ =	sdelay $0x4  }
0x262: {  	[tilespmem:s11+$0xFFFFFFD0] =	vst v2  }
0x263: {  	v2 =	vld [tilespmem:s2+$0x1040];
	_ =	sdelay $0x4  }
0x264: {  	[tilespmem:s11+$0xFFFFFFE0] =	vst v2  }
0x265: {  	v2 =	vld [tilespmem:s2+$0x1050];
	_ =	sdelay $0x4  }
0x266: {  	[tilespmem:s11+$0xFFFFFFF0] =	vst v2  }
0x267: {  	v2 =	vld [tilespmem:s2+$0x1060];
	_ =	sdelay $0x4  }
0x268: {  	[tilespmem:s11+$0x0] =	vst v2  }
0x269: {  	v2 =	vld [tilespmem:s2+$0x1070];
	_ =	sdelay $0x4  }
0x26a: {  	[tilespmem:s11+$0x10] =	vst v2  }
0x26b: {  	v2 =	vld [tilespmem:s2+$0x1400];
	_ =	sdelay $0x3  }
0x26c: {  	s16 =	sand.u32 $0xFF8, s10  }
0x26d: {  	[tilespmem:s16+$0x4D00] =	vst v2  }
0x26e: {  	v2 =	vld [tilespmem:s2+$0x1410];
	_ =	sdelay $0x4  }
0x26f: {  	[tilespmem:s11+$0x30] =	vst v2  }
0x270: {  	v2 =	vld [tilespmem:s2+$0x1420];
	_ =	sdelay $0x4  }
0x271: {  	[tilespmem:s11+$0x40] =	vst v2  }
0x272: {  	v2 =	vld [tilespmem:s2+$0x1430];
	_ =	sdelay $0x4  }
0x273: {  	s2 =	sor.u32 $0x1440, s2;
	[tilespmem:s11+$0x50] =	vst v2  }
0x274: {  	v3 =	vld.msk [tilespmem:s2+$0x0], $0xff;
	_ =	sdelay $0x4  }
0x275: {  	v2 =	vperm.xlane v2, v0;
	v3 =	vperm.xlane v3, v0  }
0x276: {  	s17 =	simm.s32 $0x100;
	s16 =	simm.s32 $0x80  }
0x277: {  	s6 =	sand.u32 $0x800, s17;
	s17 =	simm.s32 $0x200;
	s2 =	sand.u32 $0x380, s16;
	v2 =	vsel vm0, v2, v3  }
.LBB2_20:
0x278: {  	p1 =	sne.s32 s17, $0xF00;
	s6 =	sor.u32 s2, s6;
	[tilespmem:s11+$0x58] =	vst v2  }
0x279: {  	v2 =	vld [tilespmem:s6+$0x1000];
	_ =	sdelay $0x3  }
0x27a: {  	s11 =	sadd.s32 $0xC8, s11  }
0x27b: {  	[tilespmem:s11+$0xFFFFFFA0] =	vst v2  }
0x27c: {  	v2 =	vld [tilespmem:s6+$0x1010];
	_ =	sdelay $0x4  }
0x27d: {  	[tilespmem:s11+$0xFFFFFFB0] =	vst v2  }
0x27e: {  	v2 =	vld [tilespmem:s6+$0x1020];
	_ =	sdelay $0x4  }
0x27f: {  	[tilespmem:s11+$0xFFFFFFC0] =	vst v2  }
0x280: {  	v2 =	vld [tilespmem:s6+$0x1030];
	_ =	sdelay $0x4  }
0x281: {  	[tilespmem:s11+$0xFFFFFFD0] =	vst v2  }
0x282: {  	v2 =	vld [tilespmem:s6+$0x1040];
	_ =	sdelay $0x4  }
0x283: {  	[tilespmem:s11+$0xFFFFFFE0] =	vst v2  }
0x284: {  	v2 =	vld [tilespmem:s6+$0x1050];
	_ =	sdelay $0x4  }
0x285: {  	[tilespmem:s11+$0xFFFFFFF0] =	vst v2  }
0x286: {  	v2 =	vld [tilespmem:s6+$0x1060];
	_ =	sdelay $0x4  }
0x287: {  	[tilespmem:s11+$0x0] =	vst v2  }
0x288: {  	v2 =	vld [tilespmem:s6+$0x1070];
	_ =	sdelay $0x4  }
0x289: {  	[tilespmem:s11+$0x10] =	vst v2  }
0x28a: {  	v2 =	vld [tilespmem:s6+$0x1400];
	_ =	sdelay $0x2  }
0x28b: {  	s10 =	sadd.s32 $0xC8, s10  }
0x28c: {  	s2 =	sand.u32 $0xFF8, s10  }
0x28d: {  	[tilespmem:s2+$0x4D00] =	vst v2  }
0x28e: {  	v2 =	vld [tilespmem:s6+$0x1410];
	_ =	sdelay $0x4  }
0x28f: {  	[tilespmem:s11+$0x30] =	vst v2  }
0x290: {  	v2 =	vld [tilespmem:s6+$0x1420];
	_ =	sdelay $0x4  }
0x291: {  	[tilespmem:s11+$0x40] =	vst v2  }
0x292: {  	v2 =	vld [tilespmem:s6+$0x1430];
	_ =	sdelay $0x4  }
0x293: {  	s2 =	sor.u32 $0x1440, s6;
	[tilespmem:s11+$0x50] =	vst v2  }
0x294: {  	v3 =	vld.msk [tilespmem:s2+$0x0], $0xff;
	_ =	sdelay $0x2  }
.Ltmp11:
0x295: {  	(pc) =	sbr.rel @p1 .LBB2_20-.Ltmp11, $4  }
0x296: {  	_ = 	snop  }
0x297: {  	v2 =	vperm.xlane v2, v0;
	v3 =	vperm.xlane v3, v0  }
0x298: {  	s16 =	sadd.s32 $0x80, s16  }
0x299: {  	s6 =	sand.u32 $0x800, s17;
	s17 =	sadd.s32 $0x100, s17;
	s2 =	sand.u32 $0x380, s16;
	v2 =	vsel vm0, v2, v3  }
0x29a: {  	s2 =	sor.u32 s2, s6;
	[tilespmem:s11+$0x58] =	vst v2  }
0x29b: {  	v2 =	vld [tilespmem:s2+$0x1000];
	_ =	sdelay $0x3  }
0x29c: {  	s17 =	sadd.s32 $0xC8, s11  }
0x29d: {  	[tilespmem:s17+$0xFFFFFFA0] =	vst v2  }
0x29e: {  	v2 =	vld [tilespmem:s2+$0x1010];
	_ =	sdelay $0x4  }
0x29f: {  	[tilespmem:s17+$0xFFFFFFB0] =	vst v2  }
0x2a0: {  	v2 =	vld [tilespmem:s2+$0x1020];
	_ =	sdelay $0x4  }
0x2a1: {  	[tilespmem:s17+$0xFFFFFFC0] =	vst v2  }
0x2a2: {  	v2 =	vld [tilespmem:s2+$0x1030];
	_ =	sdelay $0x4  }
0x2a3: {  	[tilespmem:s17+$0xFFFFFFD0] =	vst v2  }
0x2a4: {  	v2 =	vld [tilespmem:s2+$0x1040];
	_ =	sdelay $0x4  }
0x2a5: {  	[tilespmem:s17+$0xFFFFFFE0] =	vst v2  }
0x2a6: {  	v2 =	vld [tilespmem:s2+$0x1050];
	_ =	sdelay $0x4  }
0x2a7: {  	[tilespmem:s17+$0xFFFFFFF0] =	vst v2  }
0x2a8: {  	v2 =	vld [tilespmem:s2+$0x1060];
	_ =	sdelay $0x4  }
0x2a9: {  	[tilespmem:s17+$0x0] =	vst v2  }
0x2aa: {  	v2 =	vld [tilespmem:s2+$0x1070];
	_ =	sdelay $0x4  }
0x2ab: {  	[tilespmem:s17+$0x10] =	vst v2  }
0x2ac: {  	v2 =	vld [tilespmem:s2+$0x1400];
	_ =	sdelay $0x2  }
0x2ad: {  	s10 =	sadd.s32 $0xC8, s10  }
0x2ae: {  	s10 =	sand.u32 $0xFF8, s10  }
0x2af: {  	[tilespmem:s10+$0x4D00] =	vst v2  }
0x2b0: {  	v2 =	vld [tilespmem:s2+$0x1410];
	_ =	sdelay $0x4  }
0x2b1: {  	[tilespmem:s17+$0x30] =	vst v2  }
0x2b2: {  	v2 =	vld [tilespmem:s2+$0x1420];
	_ =	sdelay $0x4  }
0x2b3: {  	[tilespmem:s17+$0x40] =	vst v2  }
0x2b4: {  	v2 =	vld [tilespmem:s2+$0x1430];
	_ =	sdelay $0x4  }
0x2b5: {  	s2 =	sor.u32 $0x1440, s2;
	[tilespmem:s17+$0x50] =	vst v2  }
0x2b6: {  	v3 =	vld.msk [tilespmem:s2+$0x0], $0xff;
	_ =	sdelay $0x4  }
0x2b7: {  	v2 =	vperm.xlane v2, v0;
	v3 =	vperm.xlane v3, v0;
	_ =	sdelay $0x1  }
0x2b8: {  	v2 =	vsel vm0, v2, v3  }
0x2b9: {  	p1 =	sgt.u32 s8, $0x5;
	[tilespmem:s17+$0x58] =	vst v2  }
0x2ba: {  	[tilespmem:s28], [sflag:$0x2] =	stream.indirect.gather [hbm4b:s3+s22], $0x1, s26, s22, $0xb8;
	[tilespmem:$0xA480] =	vst v63  }
0x2bb: {  	s6 =	simm.s32 @!p1 $0x0;
	s10 =	simm.s32 @!p1 $0x1000;
	s2 =	sadd.s32 @!p1 s9, s13  }
0x2bc: {  	[tilespmem:s10], [sflag:$0x6] =	stream.linear.gather @!p1 [hbm4b:s2+s6], $0x1000, $0x38;
	[tilespmem:$0xA480] =	vst v63  }
.LBB2_22:
0x2bd: {  	_ =	swait.ge [sflag:s4], $0xC80  }
0x2be: {  	[sflag:s4] =	ssyncset.done $0x0  }
0x2bf: {  	s2 =	simm.s32 $0x8B40;
	[sflag:s4] =	ssyncadd.s32 $0xFFFFF380  }
0x2c0: {  	v7 =	vld [tilespmem:s2+$0xFFFFFFC0]  }
0x2c1: {  	v8 =	vld [tilespmem:s2+$0xFFFFFFD0]  }
0x2c2: {  	v3 =	vld [tilespmem:s2+$0xFFFFFFE0]  }
0x2c3: {  	v6 =	vld [tilespmem:s2+$0xFFFFFFF0]  }
0x2c4: {  	v2 =	vld [tilespmem:s2+$0x0]  }
0x2c5: {  	v5 =	vld [tilespmem:s2+$0x10]  }
0x2c6: {  	v4 =	vld [tilespmem:s2+$0x20];
	v8 =	vadd.f32 v8, v7  }
0x2c7: {  	s6 =	simm.s32 $0x0;
	s10 =	simm.s32 $0x8BC0;
	v7 =	vld [tilespmem:s2+$0x30]  }
.LBB2_23:
0x2c8: {  	v9 =	vld [tilespmem:s10+$0xFFFFFFC0];
	v1 =	vadd.f32 v8, v1;
	v6 =	vadd.f32 v6, v3  }
0x2c9: {  	s6 =	sadd.s32 $0x4, s6;
	v8 =	vld [tilespmem:s10+$0xFFFFFFD0]  }
0x2ca: {  	p1 =	slt.u32 s6, $0x60;
	v3 =	vld [tilespmem:s10+$0xFFFFFFE0];
	v1 =	vadd.f32 v6, v1;
	v5 =	vadd.f32 v5, v2  }
.Ltmp12:
0x2cb: {  	v6 =	vld [tilespmem:s10+$0xFFFFFFF0];
	(pc) =	sbr.rel @p1 .LBB2_23-.Ltmp12, $4  }
0x2cc: {  	v2 =	vld [tilespmem:s10+$0x0];
	v1 =	vadd.f32 v5, v1;
	v7 =	vadd.f32 v7, v4  }
0x2cd: {  	v5 =	vld [tilespmem:s10+$0x10]  }
0x2ce: {  	v8 =	vadd.f32 v8, v9;
	v4 =	vld [tilespmem:s10+$0x20];
	v1 =	vadd.f32 v7, v1  }
0x2cf: {  	v7 =	vld [tilespmem:s10+$0x30];
	s10 =	sadd.s32 $0x80, s10  }
0x2d0: {  	v1 =	vadd.f32 v8, v1;
	v3 =	vadd.f32 v6, v3;
	_ =	sdelay $0x1  }
0x2d1: {  	v1 =	vadd.f32 v3, v1;
	v2 =	vadd.f32 v5, v2  }
.Ltmp13:
0x2d2: {  	_ = 	snop;
	(pc) =	sbr.rel @p0 .LBB2_28-.Ltmp13, $2  }
0x2d3: {  	v1 =	vadd.f32 v2, v1;
	v2 =	vadd.f32 v7, v4;
	_ =	sdelay $0x1  }
0x2d4: {  	v1 =	vadd.f32 v2, v1;
	_ =	sdelay $0x1  }
0x2d5: {  	_ =	swait.ge [sflag:s29], $0x1000;
	s10 =	simm.s32 $0x0  }
0x2d6: {  	[sflag:s29] =	ssyncset.done $0x0;
	s2 =	sand.u32 $0x800, s10;
	s6 =	sand.u32 $0x380, s10  }
0x2d7: {  	[sflag:s29] =	ssyncadd.s32 $0xFFFFF000;
	s2 =	sor.u32 s6, s2  }
0x2d8: {  	v2 =	vld [tilespmem:s2+$0x2000];
	_ =	sdelay $0x3  }
0x2d9: {  	s11 =	simm.s32 $0x5960  }
0x2da: {  	[tilespmem:s11+$0xFFFFFFA0] =	vst v2  }
0x2db: {  	v2 =	vld [tilespmem:s2+$0x2010];
	_ =	sdelay $0x4  }
0x2dc: {  	[tilespmem:s11+$0xFFFFFFB0] =	vst v2  }
0x2dd: {  	v2 =	vld [tilespmem:s2+$0x2020];
	_ =	sdelay $0x4  }
0x2de: {  	[tilespmem:s11+$0xFFFFFFC0] =	vst v2  }
0x2df: {  	v2 =	vld [tilespmem:s2+$0x2030];
	_ =	sdelay $0x4  }
0x2e0: {  	[tilespmem:s11+$0xFFFFFFD0] =	vst v2  }
0x2e1: {  	v2 =	vld [tilespmem:s2+$0x2040];
	_ =	sdelay $0x4  }
0x2e2: {  	[tilespmem:s11+$0xFFFFFFE0] =	vst v2  }
0x2e3: {  	v2 =	vld [tilespmem:s2+$0x2050];
	_ =	sdelay $0x4  }
0x2e4: {  	[tilespmem:s11+$0xFFFFFFF0] =	vst v2  }
0x2e5: {  	v2 =	vld [tilespmem:s2+$0x2060];
	_ =	sdelay $0x4  }
0x2e6: {  	[tilespmem:s11+$0x0] =	vst v2  }
0x2e7: {  	v2 =	vld [tilespmem:s2+$0x2070];
	_ =	sdelay $0x4  }
0x2e8: {  	[tilespmem:s11+$0x10] =	vst v2  }
0x2e9: {  	v2 =	vld [tilespmem:s2+$0x2400];
	_ =	sdelay $0x3  }
0x2ea: {  	s16 =	sand.u32 $0xFF8, s10  }
0x2eb: {  	[tilespmem:s16+$0x5980] =	vst v2  }
0x2ec: {  	v2 =	vld [tilespmem:s2+$0x2410];
	_ =	sdelay $0x4  }
0x2ed: {  	[tilespmem:s11+$0x30] =	vst v2  }
0x2ee: {  	v2 =	vld [tilespmem:s2+$0x2420];
	_ =	sdelay $0x4  }
0x2ef: {  	[tilespmem:s11+$0x40] =	vst v2  }
0x2f0: {  	v2 =	vld [tilespmem:s2+$0x2430];
	_ =	sdelay $0x4  }
0x2f1: {  	s2 =	sor.u32 $0x2440, s2;
	[tilespmem:s11+$0x50] =	vst v2  }
0x2f2: {  	v3 =	vld.msk [tilespmem:s2+$0x0], $0xff;
	_ =	sdelay $0x4  }
0x2f3: {  	v2 =	vperm.xlane v2, v0;
	v3 =	vperm.xlane v3, v0  }
0x2f4: {  	s17 =	simm.s32 $0x100;
	s16 =	simm.s32 $0x80  }
0x2f5: {  	s6 =	sand.u32 $0x800, s17;
	s17 =	simm.s32 $0x200;
	s2 =	sand.u32 $0x380, s16;
	v2 =	vsel vm0, v2, v3  }
.LBB2_26:
0x2f6: {  	p1 =	sne.s32 s17, $0xF00;
	s6 =	sor.u32 s2, s6;
	[tilespmem:s11+$0x58] =	vst v2  }
0x2f7: {  	v2 =	vld [tilespmem:s6+$0x2000];
	_ =	sdelay $0x3  }
0x2f8: {  	s11 =	sadd.s32 $0xC8, s11  }
0x2f9: {  	[tilespmem:s11+$0xFFFFFFA0] =	vst v2  }
0x2fa: {  	v2 =	vld [tilespmem:s6+$0x2010];
	_ =	sdelay $0x4  }
0x2fb: {  	[tilespmem:s11+$0xFFFFFFB0] =	vst v2  }
0x2fc: {  	v2 =	vld [tilespmem:s6+$0x2020];
	_ =	sdelay $0x4  }
0x2fd: {  	[tilespmem:s11+$0xFFFFFFC0] =	vst v2  }
0x2fe: {  	v2 =	vld [tilespmem:s6+$0x2030];
	_ =	sdelay $0x4  }
0x2ff: {  	[tilespmem:s11+$0xFFFFFFD0] =	vst v2  }
0x300: {  	v2 =	vld [tilespmem:s6+$0x2040];
	_ =	sdelay $0x4  }
0x301: {  	[tilespmem:s11+$0xFFFFFFE0] =	vst v2  }
0x302: {  	v2 =	vld [tilespmem:s6+$0x2050];
	_ =	sdelay $0x4  }
0x303: {  	[tilespmem:s11+$0xFFFFFFF0] =	vst v2  }
0x304: {  	v2 =	vld [tilespmem:s6+$0x2060];
	_ =	sdelay $0x4  }
0x305: {  	[tilespmem:s11+$0x0] =	vst v2  }
0x306: {  	v2 =	vld [tilespmem:s6+$0x2070];
	_ =	sdelay $0x4  }
0x307: {  	[tilespmem:s11+$0x10] =	vst v2  }
0x308: {  	v2 =	vld [tilespmem:s6+$0x2400];
	_ =	sdelay $0x2  }
0x309: {  	s10 =	sadd.s32 $0xC8, s10  }
0x30a: {  	s2 =	sand.u32 $0xFF8, s10  }
0x30b: {  	[tilespmem:s2+$0x5980] =	vst v2  }
0x30c: {  	v2 =	vld [tilespmem:s6+$0x2410];
	_ =	sdelay $0x4  }
0x30d: {  	[tilespmem:s11+$0x30] =	vst v2  }
0x30e: {  	v2 =	vld [tilespmem:s6+$0x2420];
	_ =	sdelay $0x4  }
0x30f: {  	[tilespmem:s11+$0x40] =	vst v2  }
0x310: {  	v2 =	vld [tilespmem:s6+$0x2430];
	_ =	sdelay $0x4  }
0x311: {  	s2 =	sor.u32 $0x2440, s6;
	[tilespmem:s11+$0x50] =	vst v2  }
0x312: {  	v3 =	vld.msk [tilespmem:s2+$0x0], $0xff;
	_ =	sdelay $0x2  }
.Ltmp14:
0x313: {  	(pc) =	sbr.rel @p1 .LBB2_26-.Ltmp14, $4  }
0x314: {  	_ = 	snop  }
0x315: {  	v2 =	vperm.xlane v2, v0;
	v3 =	vperm.xlane v3, v0  }
0x316: {  	s16 =	sadd.s32 $0x80, s16  }
0x317: {  	s6 =	sand.u32 $0x800, s17;
	s17 =	sadd.s32 $0x100, s17;
	s2 =	sand.u32 $0x380, s16;
	v2 =	vsel vm0, v2, v3  }
0x318: {  	s2 =	sor.u32 s2, s6;
	[tilespmem:s11+$0x58] =	vst v2  }
0x319: {  	v2 =	vld [tilespmem:s2+$0x2000];
	_ =	sdelay $0x3  }
0x31a: {  	s17 =	sadd.s32 $0xC8, s11  }
0x31b: {  	[tilespmem:s17+$0xFFFFFFA0] =	vst v2  }
0x31c: {  	v2 =	vld [tilespmem:s2+$0x2010];
	_ =	sdelay $0x4  }
0x31d: {  	[tilespmem:s17+$0xFFFFFFB0] =	vst v2  }
0x31e: {  	v2 =	vld [tilespmem:s2+$0x2020];
	_ =	sdelay $0x4  }
0x31f: {  	[tilespmem:s17+$0xFFFFFFC0] =	vst v2  }
0x320: {  	v2 =	vld [tilespmem:s2+$0x2030];
	_ =	sdelay $0x4  }
0x321: {  	[tilespmem:s17+$0xFFFFFFD0] =	vst v2  }
0x322: {  	v2 =	vld [tilespmem:s2+$0x2040];
	_ =	sdelay $0x4  }
0x323: {  	[tilespmem:s17+$0xFFFFFFE0] =	vst v2  }
0x324: {  	v2 =	vld [tilespmem:s2+$0x2050];
	_ =	sdelay $0x4  }
0x325: {  	[tilespmem:s17+$0xFFFFFFF0] =	vst v2  }
0x326: {  	v2 =	vld [tilespmem:s2+$0x2060];
	_ =	sdelay $0x4  }
0x327: {  	[tilespmem:s17+$0x0] =	vst v2  }
0x328: {  	v2 =	vld [tilespmem:s2+$0x2070];
	_ =	sdelay $0x4  }
0x329: {  	[tilespmem:s17+$0x10] =	vst v2  }
0x32a: {  	v2 =	vld [tilespmem:s2+$0x2400];
	_ =	sdelay $0x2  }
0x32b: {  	s10 =	sadd.s32 $0xC8, s10  }
0x32c: {  	s10 =	sand.u32 $0xFF8, s10  }
0x32d: {  	[tilespmem:s10+$0x5980] =	vst v2  }
0x32e: {  	v2 =	vld [tilespmem:s2+$0x2410];
	_ =	sdelay $0x4  }
0x32f: {  	[tilespmem:s17+$0x30] =	vst v2  }
0x330: {  	v2 =	vld [tilespmem:s2+$0x2420];
	_ =	sdelay $0x4  }
0x331: {  	[tilespmem:s17+$0x40] =	vst v2  }
0x332: {  	v2 =	vld [tilespmem:s2+$0x2430];
	_ =	sdelay $0x4  }
0x333: {  	s2 =	sor.u32 $0x2440, s2;
	[tilespmem:s17+$0x50] =	vst v2  }
0x334: {  	v3 =	vld.msk [tilespmem:s2+$0x0], $0xff;
	_ =	sdelay $0x4  }
0x335: {  	v2 =	vperm.xlane v2, v0;
	v3 =	vperm.xlane v3, v0;
	_ =	sdelay $0x1  }
0x336: {  	v2 =	vsel vm0, v2, v3  }
0x337: {  	p1 =	sgt.u32 s8, $0x5;
	[tilespmem:s17+$0x58] =	vst v2  }
0x338: {  	[tilespmem:s31], [sflag:$0x3] =	stream.indirect.gather [hbm4b:s3+s22], $0x1, s30, s22, $0xb8;
	[tilespmem:$0xA480] =	vst v63  }
0x339: {  	s6 =	simm.s32 @!p1 $0x0;
	s10 =	simm.s32 @!p1 $0x2000;
	s2 =	sadd.s32 @!p1 s9, s14  }
0x33a: {  	[tilespmem:s10], [sflag:$0x7] =	stream.linear.gather @!p1 [hbm4b:s2+s6], $0x1000, $0x38;
	[tilespmem:$0xA480] =	vst v63  }
.LBB2_28:
0x33b: {  	_ =	swait.ge [sflag:s5], $0xC80  }
0x33c: {  	[sflag:s5] =	ssyncset.done $0x0  }
0x33d: {  	s2 =	simm.s32 $0x97C0;
	[sflag:s5] =	ssyncadd.s32 $0xFFFFF380  }
0x33e: {  	v7 =	vld [tilespmem:s2+$0xFFFFFFC0]  }
0x33f: {  	v8 =	vld [tilespmem:s2+$0xFFFFFFD0]  }
0x340: {  	v3 =	vld [tilespmem:s2+$0xFFFFFFE0]  }
0x341: {  	v6 =	vld [tilespmem:s2+$0xFFFFFFF0]  }
0x342: {  	v2 =	vld [tilespmem:s2+$0x0]  }
0x343: {  	v5 =	vld [tilespmem:s2+$0x10]  }
0x344: {  	v4 =	vld [tilespmem:s2+$0x20];
	v8 =	vadd.f32 v8, v7  }
0x345: {  	s6 =	simm.s32 $0x0;
	s10 =	simm.s32 $0x9840;
	v7 =	vld [tilespmem:s2+$0x30]  }
.LBB2_29:
0x346: {  	v9 =	vld [tilespmem:s10+$0xFFFFFFC0];
	v1 =	vadd.f32 v8, v1;
	v6 =	vadd.f32 v6, v3  }
0x347: {  	s6 =	sadd.s32 $0x4, s6;
	v8 =	vld [tilespmem:s10+$0xFFFFFFD0]  }
0x348: {  	p1 =	slt.u32 s6, $0x60;
	v3 =	vld [tilespmem:s10+$0xFFFFFFE0];
	v1 =	vadd.f32 v6, v1;
	v5 =	vadd.f32 v5, v2  }
.Ltmp15:
0x349: {  	v6 =	vld [tilespmem:s10+$0xFFFFFFF0];
	(pc) =	sbr.rel @p1 .LBB2_29-.Ltmp15, $4  }
0x34a: {  	v2 =	vld [tilespmem:s10+$0x0];
	v1 =	vadd.f32 v5, v1;
	v7 =	vadd.f32 v7, v4  }
0x34b: {  	v5 =	vld [tilespmem:s10+$0x10]  }
0x34c: {  	v8 =	vadd.f32 v8, v9;
	v4 =	vld [tilespmem:s10+$0x20];
	v1 =	vadd.f32 v7, v1  }
0x34d: {  	v7 =	vld [tilespmem:s10+$0x30];
	s10 =	sadd.s32 $0x80, s10  }
0x34e: {  	v1 =	vadd.f32 v8, v1;
	v3 =	vadd.f32 v6, v3;
	_ =	sdelay $0x1  }
0x34f: {  	v1 =	vadd.f32 v3, v1;
	v2 =	vadd.f32 v5, v2  }
.Ltmp16:
0x350: {  	_ = 	snop;
	(pc) =	sbr.rel @p0 .LBB2_34-.Ltmp16, $2  }
0x351: {  	v1 =	vadd.f32 v2, v1;
	v2 =	vadd.f32 v7, v4;
	_ =	sdelay $0x1  }
0x352: {  	v1 =	vadd.f32 v2, v1;
	_ =	sdelay $0x1  }
0x353: {  	_ =	swait.ge [sflag:s1], $0x1000;
	s10 =	simm.s32 $0x0  }
0x354: {  	[sflag:s1] =	ssyncset.done $0x0;
	s2 =	sand.u32 $0x800, s10;
	s6 =	sand.u32 $0x380, s10  }
0x355: {  	[sflag:s1] =	ssyncadd.s32 $0xFFFFF000;
	s2 =	sor.u32 s6, s2  }
0x356: {  	v2 =	vld [tilespmem:s2+$0x3000];
	_ =	sdelay $0x3  }
0x357: {  	s11 =	simm.s32 $0x65E0  }
0x358: {  	[tilespmem:s11+$0xFFFFFFA0] =	vst v2  }
0x359: {  	v2 =	vld [tilespmem:s2+$0x3010];
	_ =	sdelay $0x4  }
0x35a: {  	[tilespmem:s11+$0xFFFFFFB0] =	vst v2  }
0x35b: {  	v2 =	vld [tilespmem:s2+$0x3020];
	_ =	sdelay $0x4  }
0x35c: {  	[tilespmem:s11+$0xFFFFFFC0] =	vst v2  }
0x35d: {  	v2 =	vld [tilespmem:s2+$0x3030];
	_ =	sdelay $0x4  }
0x35e: {  	[tilespmem:s11+$0xFFFFFFD0] =	vst v2  }
0x35f: {  	v2 =	vld [tilespmem:s2+$0x3040];
	_ =	sdelay $0x4  }
0x360: {  	[tilespmem:s11+$0xFFFFFFE0] =	vst v2  }
0x361: {  	v2 =	vld [tilespmem:s2+$0x3050];
	_ =	sdelay $0x4  }
0x362: {  	[tilespmem:s11+$0xFFFFFFF0] =	vst v2  }
0x363: {  	v2 =	vld [tilespmem:s2+$0x3060];
	_ =	sdelay $0x4  }
0x364: {  	[tilespmem:s11+$0x0] =	vst v2  }
0x365: {  	v2 =	vld [tilespmem:s2+$0x3070];
	_ =	sdelay $0x4  }
0x366: {  	[tilespmem:s11+$0x10] =	vst v2  }
0x367: {  	v2 =	vld [tilespmem:s2+$0x3400];
	_ =	sdelay $0x3  }
0x368: {  	s16 =	sand.u32 $0xFF8, s10  }
0x369: {  	[tilespmem:s16+$0x6600] =	vst v2  }
0x36a: {  	v2 =	vld [tilespmem:s2+$0x3410];
	_ =	sdelay $0x4  }
0x36b: {  	[tilespmem:s11+$0x30] =	vst v2  }
0x36c: {  	v2 =	vld [tilespmem:s2+$0x3420];
	_ =	sdelay $0x4  }
0x36d: {  	[tilespmem:s11+$0x40] =	vst v2  }
0x36e: {  	v2 =	vld [tilespmem:s2+$0x3430];
	_ =	sdelay $0x4  }
0x36f: {  	s2 =	sor.u32 $0x3440, s2;
	[tilespmem:s11+$0x50] =	vst v2  }
0x370: {  	v3 =	vld.msk [tilespmem:s2+$0x0], $0xff;
	_ =	sdelay $0x4  }
0x371: {  	v2 =	vperm.xlane v2, v0;
	v3 =	vperm.xlane v3, v0  }
0x372: {  	s17 =	simm.s32 $0x100;
	s16 =	simm.s32 $0x80  }
0x373: {  	s6 =	sand.u32 $0x800, s17;
	s17 =	simm.s32 $0x200;
	s2 =	sand.u32 $0x380, s16;
	v2 =	vsel vm0, v2, v3  }
.LBB2_32:
0x374: {  	p0 =	sne.s32 s17, $0xF00;
	s6 =	sor.u32 s2, s6;
	[tilespmem:s11+$0x58] =	vst v2  }
0x375: {  	v2 =	vld [tilespmem:s6+$0x3000];
	_ =	sdelay $0x3  }
0x376: {  	s11 =	sadd.s32 $0xC8, s11  }
0x377: {  	[tilespmem:s11+$0xFFFFFFA0] =	vst v2  }
0x378: {  	v2 =	vld [tilespmem:s6+$0x3010];
	_ =	sdelay $0x4  }
0x379: {  	[tilespmem:s11+$0xFFFFFFB0] =	vst v2  }
0x37a: {  	v2 =	vld [tilespmem:s6+$0x3020];
	_ =	sdelay $0x4  }
0x37b: {  	[tilespmem:s11+$0xFFFFFFC0] =	vst v2  }
0x37c: {  	v2 =	vld [tilespmem:s6+$0x3030];
	_ =	sdelay $0x4  }
0x37d: {  	[tilespmem:s11+$0xFFFFFFD0] =	vst v2  }
0x37e: {  	v2 =	vld [tilespmem:s6+$0x3040];
	_ =	sdelay $0x4  }
0x37f: {  	[tilespmem:s11+$0xFFFFFFE0] =	vst v2  }
0x380: {  	v2 =	vld [tilespmem:s6+$0x3050];
	_ =	sdelay $0x4  }
0x381: {  	[tilespmem:s11+$0xFFFFFFF0] =	vst v2  }
0x382: {  	v2 =	vld [tilespmem:s6+$0x3060];
	_ =	sdelay $0x4  }
0x383: {  	[tilespmem:s11+$0x0] =	vst v2  }
0x384: {  	v2 =	vld [tilespmem:s6+$0x3070];
	_ =	sdelay $0x4  }
0x385: {  	[tilespmem:s11+$0x10] =	vst v2  }
0x386: {  	v2 =	vld [tilespmem:s6+$0x3400];
	_ =	sdelay $0x2  }
0x387: {  	s10 =	sadd.s32 $0xC8, s10  }
0x388: {  	s2 =	sand.u32 $0xFF8, s10  }
0x389: {  	[tilespmem:s2+$0x6600] =	vst v2  }
0x38a: {  	v2 =	vld [tilespmem:s6+$0x3410];
	_ =	sdelay $0x4  }
0x38b: {  	[tilespmem:s11+$0x30] =	vst v2  }
0x38c: {  	v2 =	vld [tilespmem:s6+$0x3420];
	_ =	sdelay $0x4  }
0x38d: {  	[tilespmem:s11+$0x40] =	vst v2  }
0x38e: {  	v2 =	vld [tilespmem:s6+$0x3430];
	_ =	sdelay $0x4  }
0x38f: {  	s2 =	sor.u32 $0x3440, s6;
	[tilespmem:s11+$0x50] =	vst v2  }
0x390: {  	v3 =	vld.msk [tilespmem:s2+$0x0], $0xff;
	_ =	sdelay $0x2  }
.Ltmp17:
0x391: {  	(pc) =	sbr.rel @p0 .LBB2_32-.Ltmp17, $4  }
0x392: {  	_ = 	snop  }
0x393: {  	v2 =	vperm.xlane v2, v0;
	v3 =	vperm.xlane v3, v0  }
0x394: {  	s16 =	sadd.s32 $0x80, s16  }
0x395: {  	s6 =	sand.u32 $0x800, s17;
	s17 =	sadd.s32 $0x100, s17;
	s2 =	sand.u32 $0x380, s16;
	v2 =	vsel vm0, v2, v3  }
0x396: {  	s2 =	sor.u32 s2, s6;
	[tilespmem:s11+$0x58] =	vst v2  }
0x397: {  	v2 =	vld [tilespmem:s2+$0x3000];
	_ =	sdelay $0x3  }
0x398: {  	s17 =	sadd.s32 $0xC8, s11  }
0x399: {  	[tilespmem:s17+$0xFFFFFFA0] =	vst v2  }
0x39a: {  	v2 =	vld [tilespmem:s2+$0x3010];
	_ =	sdelay $0x4  }
0x39b: {  	[tilespmem:s17+$0xFFFFFFB0] =	vst v2  }
0x39c: {  	v2 =	vld [tilespmem:s2+$0x3020];
	_ =	sdelay $0x4  }
0x39d: {  	[tilespmem:s17+$0xFFFFFFC0] =	vst v2  }
0x39e: {  	v2 =	vld [tilespmem:s2+$0x3030];
	_ =	sdelay $0x4  }
0x39f: {  	[tilespmem:s17+$0xFFFFFFD0] =	vst v2  }
0x3a0: {  	v2 =	vld [tilespmem:s2+$0x3040];
	_ =	sdelay $0x4  }
0x3a1: {  	[tilespmem:s17+$0xFFFFFFE0] =	vst v2  }
0x3a2: {  	v2 =	vld [tilespmem:s2+$0x3050];
	_ =	sdelay $0x4  }
0x3a3: {  	[tilespmem:s17+$0xFFFFFFF0] =	vst v2  }
0x3a4: {  	v2 =	vld [tilespmem:s2+$0x3060];
	_ =	sdelay $0x4  }
0x3a5: {  	[tilespmem:s17+$0x0] =	vst v2  }
0x3a6: {  	v2 =	vld [tilespmem:s2+$0x3070];
	_ =	sdelay $0x4  }
0x3a7: {  	[tilespmem:s17+$0x10] =	vst v2  }
0x3a8: {  	v2 =	vld [tilespmem:s2+$0x3400];
	_ =	sdelay $0x2  }
0x3a9: {  	s10 =	sadd.s32 $0xC8, s10  }
0x3aa: {  	s10 =	sand.u32 $0xFF8, s10  }
0x3ab: {  	[tilespmem:s10+$0x6600] =	vst v2  }
0x3ac: {  	v2 =	vld [tilespmem:s2+$0x3410];
	_ =	sdelay $0x4  }
0x3ad: {  	[tilespmem:s17+$0x30] =	vst v2  }
0x3ae: {  	v2 =	vld [tilespmem:s2+$0x3420];
	_ =	sdelay $0x4  }
0x3af: {  	[tilespmem:s17+$0x40] =	vst v2  }
0x3b0: {  	v2 =	vld [tilespmem:s2+$0x3430];
	_ =	sdelay $0x4  }
0x3b1: {  	s2 =	sor.u32 $0x3440, s2;
	[tilespmem:s17+$0x50] =	vst v2  }
0x3b2: {  	v3 =	vld.msk [tilespmem:s2+$0x0], $0xff;
	_ =	sdelay $0x4  }
0x3b3: {  	v2 =	vperm.xlane v2, v0;
	v3 =	vperm.xlane v3, v0;
	_ =	sdelay $0x1  }
0x3b4: {  	v2 =	vsel vm0, v2, v3  }
0x3b5: {  	p0 =	sgt.u32 s8, $0x5;
	s8 =	sadd.s32 $0x1, s8;
	[tilespmem:s17+$0x58] =	vst v2  }
0x3b6: {  	[tilespmem:s18], [sflag:$0x4] =	stream.indirect.gather [hbm4b:s3+s22], $0x1, s0, s22, $0xb8;
	[tilespmem:$0xA480] =	vst v63  }
0x3b7: {  	s6 =	simm.s32 @!p0 $0x0;
	s2 =	sadd.s32 @!p0 s9, s15;
	s9 =	simm.s32 @!p0 $0x3000  }
0x3b8: {  	[tilespmem:s9], [sflag:$0x8] =	stream.linear.gather @!p0 [hbm4b:s2+s6], $0x1000, $0x38;
	[tilespmem:$0xA480] =	vst v63  }
0x3b9: {  	p0 =	sne.s32 s8, $0x8  }
.Ltmp18:
0x3ba: {  	_ = 	snop;
	(pc) =	sbr.rel @p0 .LBB2_10-.Ltmp18, $4  }
.Ltmp19:
0x3bb: {  	_ = 	snop;
	(pc) =	sbr.rel @!p0 .LBB2_34-.Ltmp19, $4  }
0x3bc: {  	_ = 	snop  }
0x3bd: {  	_ = 	snop  }
0x3be: {  	_ = 	snop  }
0x3bf: {  	_ = 	snop  }
.LBB2_35:
0x3c0: {  	_ =	sfence.sel $0x180000  }
0x3c1: {  	[bflag:$0x0] =	sbarrier.arrive $0xFFFF  }
0x3c2: {  	_ =	strace $0x90000047  }
0x3c3: {  	s0 =	stileid.u32;
	[bflag:$0x2] =	sbarrier.arrive $0xFFFF  }
0x3c4: {  	p0 =	sne.s32 s0, $0x0;
	s0 =	rddreg [dreg:$0x1]  }
0x3c5: {  	s0 =	sadd.s32 @!p0 $0x100000, s0  }
0x3c6: {  	[sflag:s0] =	ssyncadd.tile.s32 @!p0 $0x1;
	_ =	shalt  }
.Lfunc_end2:
_tile_overlayer_lowered:
.L_overlay_start_2:
0x3c7: {  	(tag) =	ssettag $0x2  }
0x3c8: {  	s0 =	rddreg [dreg:$0x0];
	s2 =	stileid.u32  }
0x3c9: {  	s1 =	rddreg [dreg:$0x1];
	p0 =	sne.s32 s2, $0x0  }
0x3ca: {  	s3 =	rddreg [dreg:$0x2];
	[bflag:$0x3] =	sbarrier.arrive $0xFFFF;
	s2 =	simm.s32 @!p0 $0x1C09  }
0x3cb: {  	[timem:s3], [sflag:s2] =	dma.local @!p0 [hbm:s0], s1  }
0x3cc: {  	s0 =	simm.s32 @!p0 $0x9  }
0x3cd: {  	_ =	swait.ge @!p0 [sflag:s0], s1  }
0x3ce: {  	s1 =	ssub.s32 @!p0 $0x0, s1;
	[sflag:s0] =	ssyncset.done @!p0 $0x0  }
0x3cf: {  	[sflag:s0] =	ssyncadd.s32 @!p0 s1  }
0x3d0: {  	[bflag:$0x3] =	sbarrier.arrive $0xFFFF  }
0x3d1: {  	_ =	shalt  }

</sc_bundles>
